<compile_context>
chip_gen: v7x
topology: tpu7x:2x2x1
jax: 0.10.2.dev20260603
libtpu: 0.0.44.dev20260713+nightly
codegen_flags: <defaults>
</compile_context>

<pallas_src>
import functools
import jax
import jax.numpy as jnp
import numpy as np
from jax import lax
from jax.experimental import pallas as pl
from jax.experimental.pallas import tpu as pltpu
from jax.experimental.pallas import tpu_sc as plsc

F = 26
D = 16
HID = 32
B = 4096
K = 32
ROWS_PER_FIELD = 104000
NPAIR_COLS = (F - 1) * F
NW = 32
GROWS = F * B
BPW = GROWS // NW
NBLK = 8
BLK = B // NBLK



def _sc_body(tab_ref, eidx_ref, linw_ref, lidx_ref, emb_out, lin_out,
             idx_v, rows_v, lidx_v, lrows_v, sem_a, sem_b):
    wid = lax.axis_index("s") * 2 + lax.axis_index("c")
    base = wid * BPW
    pltpu.sync_copy(eidx_ref.at[pl.ds(base, BPW)], idx_v)
    pltpu.sync_copy(lidx_ref.at[pl.ds(base, BPW)], lidx_v)
    g_emb = pltpu.async_copy(tab_ref.at[idx_v], rows_v, sem_a)
    g_lin = pltpu.async_copy(linw_ref.at[lidx_v], lrows_v, sem_b)
    g_emb.wait()
    pltpu.sync_copy(rows_v, emb_out.at[pl.ds(base, BPW)])
    g_lin.wait()
    pltpu.sync_copy(lrows_v, lin_out.at[pl.ds(base, BPW)])


@functools.lru_cache(maxsize=1)
def _sc_gather():
    return pl.kernel(
        _sc_body,
        out_type=(
            jax.ShapeDtypeStruct((GROWS, D), jnp.float32),
            jax.ShapeDtypeStruct((GROWS, 1), jnp.float32),
        ),
        mesh=plsc.VectorSubcoreMesh(core_axis_name="c", subcore_axis_name="s"),
        scratch_types=[
            pltpu.VMEM((BPW,), jnp.int32),
            pltpu.VMEM((BPW, D), jnp.float32),
            pltpu.VMEM((BPW,), jnp.int32),
            pltpu.VMEM((BPW, 1), jnp.float32),
            pltpu.SemaphoreType.DMA,
            pltpu.SemaphoreType.DMA,
        ],
        compiler_params=pltpu.CompilerParams(use_tc_tiling_on_sc=False),
    )



def _tc_scores_body(emb_ref, w1_ref, b1_ref, w2_ref, scores_ref, colsum_ref):
    step = pl.program_id(0)
    E3 = emb_ref[...]
    Ef = E3.reshape(F * BLK, D)
    w1a = w1_ref[0:D, :]
    w1b = w1_ref[D:2 * D, :]
    U3 = jnp.dot(Ef, w1a, preferred_element_type=jnp.float32).reshape(F, BLK, HID)
    V3 = jnp.dot(Ef, w1b, preferred_element_type=jnp.float32).reshape(F, BLK, HID)
    U = jnp.concatenate([U3[f] for f in range(F)], axis=1)
    V = jnp.concatenate([V3[f] for f in range(F)], axis=1)
    b1t = jnp.concatenate([b1_ref[...]] * F, axis=1)
    w2t = jnp.concatenate([w2_ref[...]] * F, axis=0)
    r_io = lax.broadcasted_iota(jnp.int32, (F * HID, F), 0)
    c_io = lax.broadcasted_iota(jnp.int32, (F * HID, F), 1)
    G2 = jnp.where(r_io // HID == c_io, w2t, 0.0)
    parts = []
    for d in range(1, F):
        Vs = jnp.concatenate(
            [V[:, d * HID:], jnp.zeros((BLK, d * HID), jnp.float32)], axis=1)
        Hd = jax.nn.relu(U + Vs + b1t)
        Sd = jnp.dot(Hd, G2, preferred_element_type=jnp.float32)
        scores_ref[:, (d - 1) * F:d * F] = Sd
        parts.append(jnp.sum(Sd, axis=0, keepdims=True))
    cs = jnp.concatenate(parts, axis=1)

    @pl.when(step == 0)
    def _():
        colsum_ref[...] = cs

    @pl.when(step != 0)
    def _():
        colsum_ref[...] = colsum_ref[...] + cs


def _tc_scores(emb_fm, w1, b1r, w2):
    return pl.pallas_call(
        _tc_scores_body,
        grid=(NBLK,),
        in_specs=[
            pl.BlockSpec((F, BLK, D), lambda i: (0, i, 0)),
            pl.BlockSpec((2 * D, HID), lambda i: (0, 0)),
            pl.BlockSpec((1, HID), lambda i: (0, 0)),
            pl.BlockSpec((HID, 1), lambda i: (0, 0)),
        ],
        out_specs=[
            pl.BlockSpec((BLK, NPAIR_COLS), lambda i: (i, 0)),
            pl.BlockSpec((1, NPAIR_COLS), lambda i: (0, 0)),
        ],
        out_shape=[
            jax.ShapeDtypeStruct((B, NPAIR_COLS), jnp.float32),
            jax.ShapeDtypeStruct((1, NPAIR_COLS), jnp.float32),
        ],
    )(emb_fm, w1, b1r, w2)



def _tc_mask_body(cs_ref, mask_ref):
    cs = cs_ref[...]
    c = lax.broadcasted_iota(jnp.int32, (1, NPAIR_COLS), 1)
    dd = c // F + 1
    ii = c % F
    valid = ii < (F - dd)
    neg = jnp.float32(-3e38)
    vals = jnp.where(valid, cs, neg)
    m = jnp.zeros((1, NPAIR_COLS), jnp.float32)
    for _ in range(K):
        cur = jnp.max(vals)
        idxs = jnp.where(vals == cur, c, NPAIR_COLS)
        mi = jnp.min(idxs)
        newly = c == mi
        m = jnp.where(newly, 1.0, m)
        vals = jnp.where(newly, neg, vals)
    mask_ref[...] = m


def _tc_mask(colsum):
    return pl.pallas_call(
        _tc_mask_body,
        out_shape=jax.ShapeDtypeStruct((1, NPAIR_COLS), jnp.float32),
    )(colsum)



def _tc_final_body(emb_ref, s_ref, mask_ref, linv_ref, b2_ref, linb_ref,
                   pw_ref, pb_ref, out_ref):
    E3 = emb_ref[...]
    EA = jnp.concatenate([E3[f] for f in range(F)], axis=1)
    w = (s_ref[...] + b2_ref[0, 0]) * mask_ref[...]
    r_io = lax.broadcasted_iota(jnp.int32, (F, F * D), 0)
    c_io = lax.broadcasted_iota(jnp.int32, (F, F * D), 1)
    expand = jnp.where(c_io // D == r_io, 1.0, 0.0)
    acc = jnp.zeros((BLK, F * D), jnp.float32)
    for d in range(1, F):
        ES = jnp.concatenate(
            [EA[:, d * D:], jnp.zeros((BLK, d * D), jnp.float32)], axis=1)
        wd = w[:, (d - 1) * F:d * F]
        wexp = jnp.dot(wd, expand, preferred_element_type=jnp.float32)
        acc = acc + EA * ES * wexp
    summed = jnp.zeros((BLK, D), jnp.float32)
    for f in range(F):
        summed = summed + acc[:, f * D:(f + 1) * D]
    cross = jnp.dot(summed, pw_ref[...],
                    preferred_element_type=jnp.float32) + pb_ref[0, 0]
    lin = jnp.sum(linv_ref[...], axis=1, keepdims=True) + linb_ref[0, 0]
    out_ref[...] = jax.nn.sigmoid(lin + cross)


def _tc_final(emb_fm, scores, mask, lin_bf, b2r, linbr, proj_w, pbr):
    return pl.pallas_call(
        _tc_final_body,
        grid=(NBLK,),
        in_specs=[
            pl.BlockSpec((F, BLK, D), lambda i: (0, i, 0)),
            pl.BlockSpec((BLK, NPAIR_COLS), lambda i: (i, 0)),
            pl.BlockSpec((1, NPAIR_COLS), lambda i: (0, 0)),
            pl.BlockSpec((BLK, F), lambda i: (i, 0)),
            pl.BlockSpec((1, 1), lambda i: (0, 0)),
            pl.BlockSpec((1, 1), lambda i: (0, 0)),
            pl.BlockSpec((D, 1), lambda i: (0, 0)),
            pl.BlockSpec((1, 1), lambda i: (0, 0)),
        ],
        out_specs=pl.BlockSpec((BLK, 1), lambda i: (i, 0)),
        out_shape=jax.ShapeDtypeStruct((B, 1), jnp.float32),
    )(emb_fm, scores, mask, lin_bf, b2r, linbr, proj_w, pbr)



@jax.jit
def kernel(x, tables, lin_w, lin_b, w1, b1, w2, b2, proj_w, proj_b):
    tab_flat = tables.reshape(F * ROWS_PER_FIELD, D)
    emb_off = (np.arange(F, dtype=np.int32) * (ROWS_PER_FIELD + 4000))[:, None]
    lin_off = (np.arange(F, dtype=np.int32) * 4000)[None, :]
    emb_idx = (x.T + emb_off).reshape(-1)
    lin_idx = (x + lin_off).reshape(-1)
    emb_flat, lin_vals = _sc_gather()(tab_flat, emb_idx, lin_w, lin_idx)
    emb_fm = emb_flat.reshape(F, B, D)
    lin_bf = lin_vals.reshape(B, F)
    scores, colsum = _tc_scores(emb_fm, w1, b1.reshape(1, HID), w2)
    mask = _tc_mask(colsum)
    out = _tc_final(emb_fm, scores, mask, lin_bf, b2.reshape(1, 1),
                    lin_b.reshape(1, 1), proj_w, proj_b.reshape(1, 1))
    return out

# --- scband reference (transcript-rebuilt; emitter-appended) ---
"""Pipeline reference for scband-auto-fimodel-15461882266238 (READ-ONLY COPY).

The authoritative reference and input builder live on the scoring server;
editing this copy changes nothing except your own understanding.
"""

import jax, jax.numpy as jnp
import numpy as np

FIELD_DIMS = [4000] * 26
NUM_FIELDS = 26
EMB_DIM = 16
HIDDEN_DIM = 32
NUM_INTERACTIONS = 32
BATCH = 4096
TOTAL_DIM = sum(FIELD_DIMS)
OFFSETS = np.concatenate([[0], np.cumsum(FIELD_DIMS)[:-1]]).astype(np.int32)
IU, JU = np.triu_indices(NUM_FIELDS, k=1)


def setup_inputs(seed: int = 0):
    key = jax.random.key(seed)
    ks = jax.random.split(key, 10)
    x = jax.random.randint(ks[0], (BATCH, NUM_FIELDS), 0, 4000, dtype=jnp.int32)
    tables = jax.random.normal(ks[1], (NUM_FIELDS, TOTAL_DIM, EMB_DIM), dtype=jnp.float32) * 0.01
    lin_w = jax.random.normal(ks[2], (TOTAL_DIM, 1), dtype=jnp.float32) * 0.01
    lin_b = jnp.zeros((1,), dtype=jnp.float32)
    w1 = jax.random.normal(ks[3], (2 * EMB_DIM, HIDDEN_DIM), dtype=jnp.float32) * (1.0 / np.sqrt(2 * EMB_DIM))
    b1 = jnp.zeros((HIDDEN_DIM,), dtype=jnp.float32)
    w2 = jax.random.normal(ks[4], (HIDDEN_DIM, 1), dtype=jnp.float32) * (1.0 / np.sqrt(HIDDEN_DIM))
    b2 = jnp.zeros((1,), dtype=jnp.float32)
    proj_w = jax.random.normal(ks[5], (EMB_DIM, 1), dtype=jnp.float32) * (1.0 / np.sqrt(EMB_DIM))
    proj_b = jnp.zeros((1,), dtype=jnp.float32)
    return {"x": x, "tables": tables, "lin_w": lin_w, "lin_b": lin_b, "w1": w1, "b1": b1, "w2": w2, "b2": b2, "proj_w": proj_w, "proj_b": proj_b}


def _forward(x, tables, lin_w, lin_b, w1, b1, w2, b2, proj_w, proj_b):
    offsets = jnp.asarray(OFFSETS, dtype=x.dtype)
    xo = x + offsets[None, :]
    # FeaturesEmbedding: table i gathered at xo[:, i] -> (B, num_fields, emb_dim)
    emb = jax.vmap(lambda t, idx: jnp.take(t, idx, axis=0), in_axes=(0, 1), out_axes=1)(tables, xo)
    # FeaturesLinear: sum of per-field first-order weights + bias -> (B, 1)
    lin = jnp.sum(jnp.take(lin_w, xo, axis=0), axis=1) + lin_b
    # FeatureInteractionDetector: score all C(F,2) pairs, select top-k by batch-mean score
    iu = jnp.asarray(IU)
    ju = jnp.asarray(JU)
    pair = jnp.concatenate([jnp.take(emb, iu, axis=1), jnp.take(emb, ju, axis=1)], axis=-1)  # (B, P, 2*D)
    h = jax.nn.relu(pair @ w1 + b1)
    scores = (h @ w2 + b2)[..., 0]  # (B, P)
    mean_scores = jnp.mean(scores, axis=0)
    _, topk_idx = jax.lax.top_k(mean_scores, NUM_INTERACTIONS)
    sel_scores = jnp.take(scores, topk_idx, axis=1)  # (B, K)
    sel_i = jnp.take(iu, topk_idx)
    sel_j = jnp.take(ju, topk_idx)
    # FeatureCrossing: elementwise products of selected pairs, score-weighted sum, projection
    crossed = jnp.take(emb, sel_i, axis=1) * jnp.take(emb, sel_j, axis=1)  # (B, K, D)
    weighted = crossed * sel_scores[..., None]
    summed = jnp.sum(weighted, axis=1)  # (B, D)
    cross_out = summed @ proj_w + proj_b  # (B, 1)
    return jax.nn.sigmoid(lin + cross_out)


def reference(x, tables, lin_w, lin_b, w1, b1, w2, b2, proj_w, proj_b):
    return _forward(x, tables, lin_w, lin_b, w1, b1, w2, b2, proj_w, proj_b)

if __name__ == "__main__":
    import jax
    _d = setup_inputs()
    print(jax.jit(kernel)(*tuple(_d.values())))

</pallas_src>

<mosaic_0001>
#map = affine_map<(d0, d1) -> (0, 0)>
#map1 = affine_map<(d0, d1) -> (0)>
module attributes {stable_mosaic.version = 14 : i64} {
  func.func @_sc_body(%arg0: i32, %arg1: i32, %arg2: memref<2704000x16xf32, #tpu.memory_space<hbm>>, %arg3: memref<106496xi32, #tpu.memory_space<hbm>>, %arg4: memref<104000x1xf32, #tpu.memory_space<hbm>>, %arg5: memref<106496xi32, #tpu.memory_space<hbm>>, %arg6: memref<106496x16xf32, #tpu.memory_space<hbm>>, %arg7: memref<106496x1xf32, #tpu.memory_space<hbm>>, %arg8: memref<3328xi32, #tpu.memory_space<vmem>>, %arg9: memref<3328x16xf32, #tpu.memory_space<vmem>>, %arg10: memref<3328xi32, #tpu.memory_space<vmem>>, %arg11: memref<3328x1xf32, #tpu.memory_space<vmem>>, %arg12: memref<!tpu.dma_semaphore, #tpu.memory_space<semaphore_mem>>, %arg13: memref<!tpu.dma_semaphore, #tpu.memory_space<semaphore_mem>>) attributes {dimension_semantics = [#tpu.dimension_semantics<core_parallel>, #tpu.dimension_semantics<subcore_parallel>], iteration_bounds = array<i64: 2, 16>, scalar_prefetch = 0 : i64, scratch_operands = 6 : i64, tpu.core_type = #tpu.core_type<sc_vector_subcore>, window_params = [{transform_indices = #map}, {transform_indices = #map1}, {transform_indices = #map}, {transform_indices = #map1}, {transform_indices = #map}, {transform_indices = #map}]} {
    %mul3A = arith.constant 2 : i32
    %mul3A_0 = arith.muli %arg1, %mul3A : i32
    %add3A = arith.addi %mul3A_0, %arg0 : i32
    %mul3A_1 = arith.constant 3328 : i32
    %mul3A_2 = arith.muli %add3A, %mul3A_1 : i32
    "tpu.region"() ({
      %run_scoped3A = tpu.sem_alloc : memref<!tpu.dma_semaphore, #tpu.memory_space<semaphore_mem>>
      %dma_start3A_13 = tpu.memref_slice %arg3[%mul3A_2] : memref<106496xi32, #tpu.memory_space<hbm>> -> memref<3328xi32, #tpu.memory_space<hbm>>
      %dma_start3A_14 = tpu.memref_slice %arg3[%mul3A_2] : memref<106496xi32, #tpu.memory_space<hbm>> -> memref<3328xi32, #tpu.memory_space<hbm>>
      tpu.enqueue_dma source(%dma_start3A_14 : memref<3328xi32, #tpu.memory_space<hbm>>) target(%arg8 : memref<3328xi32, #tpu.memory_space<vmem>>) target_semaphore(%run_scoped3A : memref<!tpu.dma_semaphore, #tpu.memory_space<semaphore_mem>>)
      %dma_wait3A_15 = tpu.memref_slice %arg3[%mul3A_2] : memref<106496xi32, #tpu.memory_space<hbm>> -> memref<3328xi32, #tpu.memory_space<hbm>>
      %dma_wait3A_16 = tpu.memref_slice %arg3[%mul3A_2] : memref<106496xi32, #tpu.memory_space<hbm>> -> memref<3328xi32, #tpu.memory_space<hbm>>
      tpu.wait_dma2 semaphore(%run_scoped3A : memref<!tpu.dma_semaphore, #tpu.memory_space<semaphore_mem>>) src(%dma_wait3A_16 : memref<3328xi32, #tpu.memory_space<hbm>>) dst(%arg8 : memref<3328xi32, #tpu.memory_space<vmem>>)
      tpu.yield
    }) : () -> ()
    "tpu.region"() ({
      %run_scoped3A = tpu.sem_alloc : memref<!tpu.dma_semaphore, #tpu.memory_space<semaphore_mem>>
      %dma_start3A_13 = tpu.memref_slice %arg5[%mul3A_2] : memref<106496xi32, #tpu.memory_space<hbm>> -> memref<3328xi32, #tpu.memory_space<hbm>>
      %dma_start3A_14 = tpu.memref_slice %arg5[%mul3A_2] : memref<106496xi32, #tpu.memory_space<hbm>> -> memref<3328xi32, #tpu.memory_space<hbm>>
      tpu.enqueue_dma source(%dma_start3A_14 : memref<3328xi32, #tpu.memory_space<hbm>>) target(%arg10 : memref<3328xi32, #tpu.memory_space<vmem>>) target_semaphore(%run_scoped3A : memref<!tpu.dma_semaphore, #tpu.memory_space<semaphore_mem>>)
      %dma_wait3A_15 = tpu.memref_slice %arg5[%mul3A_2] : memref<106496xi32, #tpu.memory_space<hbm>> -> memref<3328xi32, #tpu.memory_space<hbm>>
      %dma_wait3A_16 = tpu.memref_slice %arg5[%mul3A_2] : memref<106496xi32, #tpu.memory_space<hbm>> -> memref<3328xi32, #tpu.memory_space<hbm>>
      tpu.wait_dma2 semaphore(%run_scoped3A : memref<!tpu.dma_semaphore, #tpu.memory_space<semaphore_mem>>) src(%dma_wait3A_16 : memref<3328xi32, #tpu.memory_space<hbm>>) dst(%arg10 : memref<3328xi32, #tpu.memory_space<vmem>>)
      tpu.yield
    }) : () -> ()
    %dma_start3A = arith.constant 0 : i32
    %dma_start3A_3 = arith.constant 0 : i32
    %dma_start3A_4 = tpu.memref_slice %arg2[%dma_start3A, %dma_start3A_3] : memref<2704000x16xf32, #tpu.memory_space<hbm>> -> memref<2704000x16xf32, #tpu.memory_space<hbm>>
    tpu.enqueue_indirect_dma source(%dma_start3A_4 : memref<2704000x16xf32, #tpu.memory_space<hbm>>) target(%arg9 : memref<3328x16xf32, #tpu.memory_space<vmem>>) offsets(%arg8 : memref<3328xi32, #tpu.memory_space<vmem>>) semaphore(%arg12 : memref<!tpu.dma_semaphore, #tpu.memory_space<semaphore_mem>>)
    %dma_start3A_5 = arith.constant 0 : i32
    %dma_start3A_6 = arith.constant 0 : i32
    %dma_start3A_7 = tpu.memref_slice %arg4[%dma_start3A_5, %dma_start3A_6] : memref<104000x1xf32, #tpu.memory_space<hbm>> -> memref<104000x1xf32, #tpu.memory_space<hbm>>
    tpu.enqueue_indirect_dma source(%dma_start3A_7 : memref<104000x1xf32, #tpu.memory_space<hbm>>) target(%arg11 : memref<3328x1xf32, #tpu.memory_space<vmem>>) offsets(%arg10 : memref<3328xi32, #tpu.memory_space<vmem>>) semaphore(%arg13 : memref<!tpu.dma_semaphore, #tpu.memory_space<semaphore_mem>>)
    %dma_wait3A = arith.constant 0 : i32
    %dma_wait3A_8 = arith.constant 0 : i32
    %dma_wait3A_9 = tpu.memref_slice %arg2[%dma_wait3A, %dma_wait3A_8] : memref<2704000x16xf32, #tpu.memory_space<hbm>> -> memref<2704000x16xf32, #tpu.memory_space<hbm>>
    tpu.wait_indirect_dma semaphore(%arg12 : memref<!tpu.dma_semaphore, #tpu.memory_space<semaphore_mem>>) src(%dma_wait3A_9 : memref<2704000x16xf32, #tpu.memory_space<hbm>>) dst(%arg9 : memref<3328x16xf32, #tpu.memory_space<vmem>>)
    "tpu.region"() ({
      %run_scoped3A = tpu.sem_alloc : memref<!tpu.dma_semaphore, #tpu.memory_space<semaphore_mem>>
      %dma_start3A_13 = arith.constant 0 : i32
      %dma_start3A_14 = tpu.memref_slice %arg6[%mul3A_2, %dma_start3A_13] : memref<106496x16xf32, #tpu.memory_space<hbm>> -> memref<3328x16xf32, #tpu.memory_space<hbm>>
      %dma_start3A_15 = arith.constant 0 : i32
      %dma_start3A_16 = tpu.memref_slice %arg6[%mul3A_2, %dma_start3A_15] : memref<106496x16xf32, #tpu.memory_space<hbm>> -> memref<3328x16xf32, #tpu.memory_space<hbm>>
      tpu.enqueue_dma source(%arg9 : memref<3328x16xf32, #tpu.memory_space<vmem>>) target(%dma_start3A_16 : memref<3328x16xf32, #tpu.memory_space<hbm>>) target_semaphore(%run_scoped3A : memref<!tpu.dma_semaphore, #tpu.memory_space<semaphore_mem>>)
      %dma_wait3A_17 = arith.constant 0 : i32
      %dma_wait3A_18 = tpu.memref_slice %arg6[%mul3A_2, %dma_wait3A_17] : memref<106496x16xf32, #tpu.memory_space<hbm>> -> memref<3328x16xf32, #tpu.memory_space<hbm>>
      %dma_wait3A_19 = arith.constant 0 : i32
      %dma_wait3A_20 = tpu.memref_slice %arg6[%mul3A_2, %dma_wait3A_19] : memref<106496x16xf32, #tpu.memory_space<hbm>> -> memref<3328x16xf32, #tpu.memory_space<hbm>>
      tpu.wait_dma2 semaphore(%run_scoped3A : memref<!tpu.dma_semaphore, #tpu.memory_space<semaphore_mem>>) src(%arg9 : memref<3328x16xf32, #tpu.memory_space<vmem>>) dst(%dma_wait3A_20 : memref<3328x16xf32, #tpu.memory_space<hbm>>)
      tpu.yield
    }) : () -> ()
    %dma_wait3A_10 = arith.constant 0 : i32
    %dma_wait3A_11 = arith.constant 0 : i32
    %dma_wait3A_12 = tpu.memref_slice %arg4[%dma_wait3A_10, %dma_wait3A_11] : memref<104000x1xf32, #tpu.memory_space<hbm>> -> memref<104000x1xf32, #tpu.memory_space<hbm>>
    tpu.wait_indirect_dma semaphore(%arg13 : memref<!tpu.dma_semaphore, #tpu.memory_space<semaphore_mem>>) src(%dma_wait3A_12 : memref<104000x1xf32, #tpu.memory_space<hbm>>) dst(%arg11 : memref<3328x1xf32, #tpu.memory_space<vmem>>)
    "tpu.region"() ({
      %run_scoped3A = tpu.sem_alloc : memref<!tpu.dma_semaphore, #tpu.memory_space<semaphore_mem>>
      %dma_start3A_13 = arith.constant 0 : i32
      %dma_start3A_14 = tpu.memref_slice %arg7[%mul3A_2, %dma_start3A_13] : memref<106496x1xf32, #tpu.memory_space<hbm>> -> memref<3328x1xf32, #tpu.memory_space<hbm>>
      %dma_start3A_15 = arith.constant 0 : i32
      %dma_start3A_16 = tpu.memref_slice %arg7[%mul3A_2, %dma_start3A_15] : memref<106496x1xf32, #tpu.memory_space<hbm>> -> memref<3328x1xf32, #tpu.memory_space<hbm>>
      tpu.enqueue_dma source(%arg11 : memref<3328x1xf32, #tpu.memory_space<vmem>>) target(%dma_start3A_16 : memref<3328x1xf32, #tpu.memory_space<hbm>>) target_semaphore(%run_scoped3A : memref<!tpu.dma_semaphore, #tpu.memory_space<semaphore_mem>>)
      %dma_wait3A_17 = arith.constant 0 : i32
      %dma_wait3A_18 = tpu.memref_slice %arg7[%mul3A_2, %dma_wait3A_17] : memref<106496x1xf32, #tpu.memory_space<hbm>> -> memref<3328x1xf32, #tpu.memory_space<hbm>>
      %dma_wait3A_19 = arith.constant 0 : i32
      %dma_wait3A_20 = tpu.memref_slice %arg7[%mul3A_2, %dma_wait3A_19] : memref<106496x1xf32, #tpu.memory_space<hbm>> -> memref<3328x1xf32, #tpu.memory_space<hbm>>
      tpu.wait_dma2 semaphore(%run_scoped3A : memref<!tpu.dma_semaphore, #tpu.memory_space<semaphore_mem>>) src(%arg11 : memref<3328x1xf32, #tpu.memory_space<vmem>>) dst(%dma_wait3A_20 : memref<3328x1xf32, #tpu.memory_space<hbm>>)
      tpu.yield
    }) : () -> ()
    return
  }
}

module attributes {stable_mosaic.version = 14 : i64} {
  func.func @_tc_scores_body(%arg0: i32, %arg1: memref<26x512x16xf32, #tpu.memory_space<vmem>>, %arg2: memref<32x32xf32, #tpu.memory_space<vmem>>, %arg3: memref<1x32xf32, #tpu.memory_space<vmem>>, %arg4: memref<32x1xf32, #tpu.memory_space<vmem>>, %arg5: memref<512x650xf32, #tpu.memory_space<vmem>>, %arg6: memref<1x650xf32, #tpu.memory_space<vmem>>) attributes {dimension_semantics = [#tpu.dimension_semantics<arbitrary>], iteration_bounds = array<i64: 8>, scalar_prefetch = 0 : i64, scratch_operands = 0 : i64, tpu.core_type = #tpu.core_type<tc>, window_params = [{transform_indices = @transform_0, window_bounds = array<i64: 26, 512, 16>}, {pipeline_mode = #tpu.pipeline_mode<synchronous>, transform_indices = @transform_1, window_bounds = array<i64: 32, 32>}, {pipeline_mode = #tpu.pipeline_mode<synchronous>, transform_indices = @transform_2, window_bounds = array<i64: 1, 32>}, {pipeline_mode = #tpu.pipeline_mode<synchronous>, transform_indices = @transform_3, window_bounds = array<i64: 32, 1>}, {transform_indices = @transform_4, window_bounds = array<i64: 512, 650>}, {pipeline_mode = #tpu.pipeline_mode<synchronous>, transform_indices = @transform_5, window_bounds = array<i64: 1, 650>}]} {
    %get3A = arith.constant 0 : index
    %get3A_0 = arith.constant 0 : index
    %get3A_1 = arith.constant 0 : index
    %get3A_2 = vector.load %arg1[%get3A, %get3A_0, %get3A_1] : memref<26x512x16xf32, #tpu.memory_space<vmem>>, vector<26x512x16xf32>
    %reshape3A = vector.shape_cast %get3A_2 : vector<26x512x16xf32> to vector<13312x16xf32>
    %get3A_3 = arith.constant 0 : index
    %get3A_4 = arith.constant 0 : index
    %get3A_5 = vector.load %arg2[%get3A_3, %get3A_4] : memref<32x32xf32, #tpu.memory_space<vmem>>, vector<16x32xf32>
    %get3A_6 = arith.constant 16 : index
    %get3A_7 = arith.constant 0 : index
    %get3A_8 = vector.load %arg2[%get3A_6, %get3A_7] : memref<32x32xf32, #tpu.memory_space<vmem>>, vector<16x32xf32>
    %dot_general3A = arith.constant dense<0.000000e+00> : vector<13312x32xf32>
    %dot_general3A_9 = tpu.matmul %reshape3A, %get3A_5, %dot_general3A {dimension_numbers = #tpu.dot_dimension_numbers<[1], [0], [0], [1], [0, 0, 1, 1], [], []>, transpose_lhs_hint = false} : vector<13312x16xf32>, vector<16x32xf32>, vector<13312x32xf32> -> vector<13312x32xf32>
    %reshape3A_10 = vector.shape_cast %dot_general3A_9 : vector<13312x32xf32> to vector<26x512x32xf32>
    %dot_general3A_11 = arith.constant dense<0.000000e+00> : vector<13312x32xf32>
    %dot_general3A_12 = tpu.matmul %reshape3A, %get3A_8, %dot_general3A_11 {dimension_numbers = #tpu.dot_dimension_numbers<[1], [0], [0], [1], [0, 0, 1, 1], [], []>, transpose_lhs_hint = false} : vector<13312x16xf32>, vector<16x32xf32>, vector<13312x32xf32> -> vector<13312x32xf32>
    %reshape3A_13 = vector.shape_cast %dot_general3A_12 : vector<13312x32xf32> to vector<26x512x32xf32>
    %slice3A = vector.extract_strided_slice %reshape3A_10 {offsets = [0, 0, 0], sizes = [1, 512, 32], strides = [1, 1, 1]} : vector<26x512x32xf32> to vector<1x512x32xf32>
    %squeeze3A = vector.shape_cast %slice3A : vector<1x512x32xf32> to vector<512x32xf32>
    %slice3A_14 = vector.extract_strided_slice %reshape3A_10 {offsets = [1, 0, 0], sizes = [1, 512, 32], strides = [1, 1, 1]} : vector<26x512x32xf32> to vector<1x512x32xf32>
    %squeeze3A_15 = vector.shape_cast %slice3A_14 : vector<1x512x32xf32> to vector<512x32xf32>
    %slice3A_16 = vector.extract_strided_slice %reshape3A_10 {offsets = [2, 0, 0], sizes = [1, 512, 32], strides = [1, 1, 1]} : vector<26x512x32xf32> to vector<1x512x32xf32>
    %squeeze3A_17 = vector.shape_cast %slice3A_16 : vector<1x512x32xf32> to vector<512x32xf32>
    %slice3A_18 = vector.extract_strided_slice %reshape3A_10 {offsets = [3, 0, 0], sizes = [1, 512, 32], strides = [1, 1, 1]} : vector<26x512x32xf32> to vector<1x512x32xf32>
    %squeeze3A_19 = vector.shape_cast %slice3A_18 : vector<1x512x32xf32> to vector<512x32xf32>
    %slice3A_20 = vector.extract_strided_slice %reshape3A_10 {offsets = [4, 0, 0], sizes = [1, 512, 32], strides = [1, 1, 1]} : vector<26x512x32xf32> to vector<1x512x32xf32>
    %squeeze3A_21 = vector.shape_cast %slice3A_20 : vector<1x512x32xf32> to vector<512x32xf32>
    %slice3A_22 = vector.extract_strided_slice %reshape3A_10 {offsets = [5, 0, 0], sizes = [1, 512, 32], strides = [1, 1, 1]} : vector<26x512x32xf32> to vector<1x512x32xf32>
    %squeeze3A_23 = vector.shape_cast %slice3A_22 : vector<1x512x32xf32> to vector<512x32xf32>
    %slice3A_24 = vector.extract_strided_slice %reshape3A_10 {offsets = [6, 0, 0], sizes = [1, 512, 32], strides = [1, 1, 1]} : vector<26x512x32xf32> to vector<1x512x32xf32>
    %squeeze3A_25 = vector.shape_cast %slice3A_24 : vector<1x512x32xf32> to vector<512x32xf32>
    %slice3A_26 = vector.extract_strided_slice %reshape3A_10 {offsets = [7, 0, 0], sizes = [1, 512, 32], strides = [1, 1, 1]} : vector<26x512x32xf32> to vector<1x512x32xf32>
    %squeeze3A_27 = vector.shape_cast %slice3A_26 : vector<1x512x32xf32> to vector<512x32xf32>
    %slice3A_28 = vector.extract_strided_slice %reshape3A_10 {offsets = [8, 0, 0], sizes = [1, 512, 32], strides = [1, 1, 1]} : vector<26x512x32xf32> to vector<1x512x32xf32>
    %squeeze3A_29 = vector.shape_cast %slice3A_28 : vector<1x512x32xf32> to vector<512x32xf32>
    %slice3A_30 = vector.extract_strided_slice %reshape3A_10 {offsets = [9, 0, 0], sizes = [1, 512, 32], strides = [1, 1, 1]} : vector<26x512x32xf32> to vector<1x512x32xf32>
    %squeeze3A_31 = vector.shape_cast %slice3A_30 : vector<1x512x32xf32> to vector<512x32xf32>
    %slice3A_32 = vector.extract_strided_slice %reshape3A_10 {offsets = [10, 0, 0], sizes = [1, 512, 32], strides = [1, 1, 1]} : vector<26x512x32xf32> to vector<1x512x32xf32>
    %squeeze3A_33 = vector.shape_cast %slice3A_32 : vector<1x512x32xf32> to vector<512x32xf32>
    %slice3A_34 = vector.extract_strided_slice %reshape3A_10 {offsets = [11, 0, 0], sizes = [1, 512, 32], strides = [1, 1, 1]} : vector<26x512x32xf32> to vector<1x512x32xf32>
    %squeeze3A_35 = vector.shape_cast %slice3A_34 : vector<1x512x32xf32> to vector<512x32xf32>
    %slice3A_36 = vector.extract_strided_slice %reshape3A_10 {offsets = [12, 0, 0], sizes = [1, 512, 32], strides = [1, 1, 1]} : vector<26x512x32xf32> to vector<1x512x32xf32>
    %squeeze3A_37 = vector.shape_cast %slice3A_36 : vector<1x512x32xf32> to vector<512x32xf32>
    %slice3A_38 = vector.extract_strided_slice %reshape3A_10 {offsets = [13, 0, 0], sizes = [1, 512, 32], strides = [1, 1, 1]} : vector<26x512x32xf32> to vector<1x512x32xf32>
    %squeeze3A_39 = vector.shape_cast %slice3A_38 : vector<1x512x32xf32> to vector<512x32xf32>
    %slice3A_40 = vector.extract_strided_slice %reshape3A_10 {offsets = [14, 0, 0], sizes = [1, 512, 32], strides = [1, 1, 1]} : vector<26x512x32xf32> to vector<1x512x32xf32>
    %squeeze3A_41 = vector.shape_cast %slice3A_40 : vector<1x512x32xf32> to vector<512x32xf32>
    %slice3A_42 = vector.extract_strided_slice %reshape3A_10 {offsets = [15, 0, 0], sizes = [1, 512, 32], strides = [1, 1, 1]} : vector<26x512x32xf32> to vector<1x512x32xf32>
    %squeeze3A_43 = vector.shape_cast %slice3A_42 : vector<1x512x32xf32> to vector<512x32xf32>
    %slice3A_44 = vector.extract_strided_slice %reshape3A_10 {offsets = [16, 0, 0], sizes = [1, 512, 32], strides = [1, 1, 1]} : vector<26x512x32xf32> to vector<1x512x32xf32>
    %squeeze3A_45 = vector.shape_cast %slice3A_44 : vector<1x512x32xf32> to vector<512x32xf32>
    %slice3A_46 = vector.extract_strided_slice %reshape3A_10 {offsets = [17, 0, 0], sizes = [1, 512, 32], strides = [1, 1, 1]} : vector<26x512x32xf32> to vector<1x512x32xf32>
    %squeeze3A_47 = vector.shape_cast %slice3A_46 : vector<1x512x32xf32> to vector<512x32xf32>
    %slice3A_48 = vector.extract_strided_slice %reshape3A_10 {offsets = [18, 0, 0], sizes = [1, 512, 32], strides = [1, 1, 1]} : vector<26x512x32xf32> to vector<1x512x32xf32>
    %squeeze3A_49 = vector.shape_cast %slice3A_48 : vector<1x512x32xf32> to vector<512x32xf32>
    %slice3A_50 = vector.extract_strided_slice %reshape3A_10 {offsets = [19, 0, 0], sizes = [1, 512, 32], strides = [1, 1, 1]} : vector<26x512x32xf32> to vector<1x512x32xf32>
    %squeeze3A_51 = vector.shape_cast %slice3A_50 : vector<1x512x32xf32> to vector<512x32xf32>
    %slice3A_52 = vector.extract_strided_slice %reshape3A_10 {offsets = [20, 0, 0], sizes = [1, 512, 32], strides = [1, 1, 1]} : vector<26x512x32xf32> to vector<1x512x32xf32>
    %squeeze3A_53 = vector.shape_cast %slice3A_52 : vector<1x512x32xf32> to vector<512x32xf32>
    %slice3A_54 = vector.extract_strided_slice %reshape3A_10 {offsets = [21, 0, 0], sizes = [1, 512, 32], strides = [1, 1, 1]} : vector<26x512x32xf32> to vector<1x512x32xf32>
    %squeeze3A_55 = vector.shape_cast %slice3A_54 : vector<1x512x32xf32> to vector<512x32xf32>
    %slice3A_56 = vector.extract_strided_slice %reshape3A_10 {offsets = [22, 0, 0], sizes = [1, 512, 32], strides = [1, 1, 1]} : vector<26x512x32xf32> to vector<1x512x32xf32>
    %squeeze3A_57 = vector.shape_cast %slice3A_56 : vector<1x512x32xf32> to vector<512x32xf32>
    %slice3A_58 = vector.extract_strided_slice %reshape3A_10 {offsets = [23, 0, 0], sizes = [1, 512, 32], strides = [1, 1, 1]} : vector<26x512x32xf32> to vector<1x512x32xf32>
    %squeeze3A_59 = vector.shape_cast %slice3A_58 : vector<1x512x32xf32> to vector<512x32xf32>
    %slice3A_60 = vector.extract_strided_slice %reshape3A_10 {offsets = [24, 0, 0], sizes = [1, 512, 32], strides = [1, 1, 1]} : vector<26x512x32xf32> to vector<1x512x32xf32>
    %squeeze3A_61 = vector.shape_cast %slice3A_60 : vector<1x512x32xf32> to vector<512x32xf32>
    %slice3A_62 = vector.extract_strided_slice %reshape3A_10 {offsets = [25, 0, 0], sizes = [1, 512, 32], strides = [1, 1, 1]} : vector<26x512x32xf32> to vector<1x512x32xf32>
    %squeeze3A_63 = vector.shape_cast %slice3A_62 : vector<1x512x32xf32> to vector<512x32xf32>
    %concatenate3A = tpu.concatenate %squeeze3A, %squeeze3A_15, %squeeze3A_17, %squeeze3A_19, %squeeze3A_21, %squeeze3A_23, %squeeze3A_25, %squeeze3A_27, %squeeze3A_29, %squeeze3A_31, %squeeze3A_33, %squeeze3A_35, %squeeze3A_37, %squeeze3A_39, %squeeze3A_41, %squeeze3A_43, %squeeze3A_45, %squeeze3A_47, %squeeze3A_49, %squeeze3A_51, %squeeze3A_53, %squeeze3A_55, %squeeze3A_57, %squeeze3A_59, %squeeze3A_61, %squeeze3A_63 in 1 : vector<512x32xf32>, vector<512x32xf32>, vector<512x32xf32>, vector<512x32xf32>, vector<512x32xf32>, vector<512x32xf32>, vector<512x32xf32>, vector<512x32xf32>, vector<512x32xf32>, vector<512x32xf32>, vector<512x32xf32>, vector<512x32xf32>, vector<512x32xf32>, vector<512x32xf32>, vector<512x32xf32>, vector<512x32xf32>, vector<512x32xf32>, vector<512x32xf32>, vector<512x32xf32>, vector<512x32xf32>, vector<512x32xf32>, vector<512x32xf32>, vector<512x32xf32>, vector<512x32xf32>, vector<512x32xf32>, vector<512x32xf32> -> vector<512x832xf32>
    %slice3A_64 = vector.extract_strided_slice %reshape3A_13 {offsets = [0, 0, 0], sizes = [1, 512, 32], strides = [1, 1, 1]} : vector<26x512x32xf32> to vector<1x512x32xf32>
    %squeeze3A_65 = vector.shape_cast %slice3A_64 : vector<1x512x32xf32> to vector<512x32xf32>
    %slice3A_66 = vector.extract_strided_slice %reshape3A_13 {offsets = [1, 0, 0], sizes = [1, 512, 32], strides = [1, 1, 1]} : vector<26x512x32xf32> to vector<1x512x32xf32>
    %squeeze3A_67 = vector.shape_cast %slice3A_66 : vector<1x512x32xf32> to vector<512x32xf32>
    %slice3A_68 = vector.extract_strided_slice %reshape3A_13 {offsets = [2, 0, 0], sizes = [1, 512, 32], strides = [1, 1, 1]} : vector<26x512x32xf32> to vector<1x512x32xf32>
    %squeeze3A_69 = vector.shape_cast %slice3A_68 : vector<1x512x32xf32> to vector<512x32xf32>
    %slice3A_70 = vector.extract_strided_slice %reshape3A_13 {offsets = [3, 0, 0], sizes = [1, 512, 32], strides = [1, 1, 1]} : vector<26x512x32xf32> to vector<1x512x32xf32>
    %squeeze3A_71 = vector.shape_cast %slice3A_70 : vector<1x512x32xf32> to vector<512x32xf32>
    %slice3A_72 = vector.extract_strided_slice %reshape3A_13 {offsets = [4, 0, 0], sizes = [1, 512, 32], strides = [1, 1, 1]} : vector<26x512x32xf32> to vector<1x512x32xf32>
    %squeeze3A_73 = vector.shape_cast %slice3A_72 : vector<1x512x32xf32> to vector<512x32xf32>
    %slice3A_74 = vector.extract_strided_slice %reshape3A_13 {offsets = [5, 0, 0], sizes = [1, 512, 32], strides = [1, 1, 1]} : vector<26x512x32xf32> to vector<1x512x32xf32>
    %squeeze3A_75 = vector.shape_cast %slice3A_74 : vector<1x512x32xf32> to vector<512x32xf32>
    %slice3A_76 = vector.extract_strided_slice %reshape3A_13 {offsets = [6, 0, 0], sizes = [1, 512, 32], strides = [1, 1, 1]} : vector<26x512x32xf32> to vector<1x512x32xf32>
    %squeeze3A_77 = vector.shape_cast %slice3A_76 : vector<1x512x32xf32> to vector<512x32xf32>
    %slice3A_78 = vector.extract_strided_slice %reshape3A_13 {offsets = [7, 0, 0], sizes = [1, 512, 32], strides = [1, 1, 1]} : vector<26x512x32xf32> to vector<1x512x32xf32>
    %squeeze3A_79 = vector.shape_cast %slice3A_78 : vector<1x512x32xf32> to vector<512x32xf32>
    %slice3A_80 = vector.extract_strided_slice %reshape3A_13 {offsets = [8, 0, 0], sizes = [1, 512, 32], strides = [1, 1, 1]} : vector<26x512x32xf32> to vector<1x512x32xf32>
    %squeeze3A_81 = vector.shape_cast %slice3A_80 : vector<1x512x32xf32> to vector<512x32xf32>
    %slice3A_82 = vector.extract_strided_slice %reshape3A_13 {offsets = [9, 0, 0], sizes = [1, 512, 32], strides = [1, 1, 1]} : vector<26x512x32xf32> to vector<1x512x32xf32>
    %squeeze3A_83 = vector.shape_cast %slice3A_82 : vector<1x512x32xf32> to vector<512x32xf32>
    %slice3A_84 = vector.extract_strided_slice %reshape3A_13 {offsets = [10, 0, 0], sizes = [1, 512, 32], strides = [1, 1, 1]} : vector<26x512x32xf32> to vector<1x512x32xf32>
    %squeeze3A_85 = vector.shape_cast %slice3A_84 : vector<1x512x32xf32> to vector<512x32xf32>
    %slice3A_86 = vector.extract_strided_slice %reshape3A_13 {offsets = [11, 0, 0], sizes = [1, 512, 32], strides = [1, 1, 1]} : vector<26x512x32xf32> to vector<1x512x32xf32>
    %squeeze3A_87 = vector.shape_cast %slice3A_86 : vector<1x512x32xf32> to vector<512x32xf32>
    %slice3A_88 = vector.extract_strided_slice %reshape3A_13 {offsets = [12, 0, 0], sizes = [1, 512, 32], strides = [1, 1, 1]} : vector<26x512x32xf32> to vector<1x512x32xf32>
    %squeeze3A_89 = vector.shape_cast %slice3A_88 : vector<1x512x32xf32> to vector<512x32xf32>
    %slice3A_90 = vector.extract_strided_slice %reshape3A_13 {offsets = [13, 0, 0], sizes = [1, 512, 32], strides = [1, 1, 1]} : vector<26x512x32xf32> to vector<1x512x32xf32>
    %squeeze3A_91 = vector.shape_cast %slice3A_90 : vector<1x512x32xf32> to vector<512x32xf32>
    %slice3A_92 = vector.extract_strided_slice %reshape3A_13 {offsets = [14, 0, 0], sizes = [1, 512, 32], strides = [1, 1, 1]} : vector<26x512x32xf32> to vector<1x512x32xf32>
    %squeeze3A_93 = vector.shape_cast %slice3A_92 : vector<1x512x32xf32> to vector<512x32xf32>
    %slice3A_94 = vector.extract_strided_slice %reshape3A_13 {offsets = [15, 0, 0], sizes = [1, 512, 32], strides = [1, 1, 1]} : vector<26x512x32xf32> to vector<1x512x32xf32>
    %squeeze3A_95 = vector.shape_cast %slice3A_94 : vector<1x512x32xf32> to vector<512x32xf32>
    %slice3A_96 = vector.extract_strided_slice %reshape3A_13 {offsets = [16, 0, 0], sizes = [1, 512, 32], strides = [1, 1, 1]} : vector<26x512x32xf32> to vector<1x512x32xf32>
    %squeeze3A_97 = vector.shape_cast %slice3A_96 : vector<1x512x32xf32> to vector<512x32xf32>
    %slice3A_98 = vector.extract_strided_slice %reshape3A_13 {offsets = [17, 0, 0], sizes = [1, 512, 32], strides = [1, 1, 1]} : vector<26x512x32xf32> to vector<1x512x32xf32>
    %squeeze3A_99 = vector.shape_cast %slice3A_98 : vector<1x512x32xf32> to vector<512x32xf32>
    %slice3A_100 = vector.extract_strided_slice %reshape3A_13 {offsets = [18, 0, 0], sizes = [1, 512, 32], strides = [1, 1, 1]} : vector<26x512x32xf32> to vector<1x512x32xf32>
    %squeeze3A_101 = vector.shape_cast %slice3A_100 : vector<1x512x32xf32> to vector<512x32xf32>
    %slice3A_102 = vector.extract_strided_slice %reshape3A_13 {offsets = [19, 0, 0], sizes = [1, 512, 32], strides = [1, 1, 1]} : vector<26x512x32xf32> to vector<1x512x32xf32>
    %squeeze3A_103 = vector.shape_cast %slice3A_102 : vector<1x512x32xf32> to vector<512x32xf32>
    %slice3A_104 = vector.extract_strided_slice %reshape3A_13 {offsets = [20, 0, 0], sizes = [1, 512, 32], strides = [1, 1, 1]} : vector<26x512x32xf32> to vector<1x512x32xf32>
    %squeeze3A_105 = vector.shape_cast %slice3A_104 : vector<1x512x32xf32> to vector<512x32xf32>
    %slice3A_106 = vector.extract_strided_slice %reshape3A_13 {offsets = [21, 0, 0], sizes = [1, 512, 32], strides = [1, 1, 1]} : vector<26x512x32xf32> to vector<1x512x32xf32>
    %squeeze3A_107 = vector.shape_cast %slice3A_106 : vector<1x512x32xf32> to vector<512x32xf32>
    %slice3A_108 = vector.extract_strided_slice %reshape3A_13 {offsets = [22, 0, 0], sizes = [1, 512, 32], strides = [1, 1, 1]} : vector<26x512x32xf32> to vector<1x512x32xf32>
    %squeeze3A_109 = vector.shape_cast %slice3A_108 : vector<1x512x32xf32> to vector<512x32xf32>
    %slice3A_110 = vector.extract_strided_slice %reshape3A_13 {offsets = [23, 0, 0], sizes = [1, 512, 32], strides = [1, 1, 1]} : vector<26x512x32xf32> to vector<1x512x32xf32>
    %squeeze3A_111 = vector.shape_cast %slice3A_110 : vector<1x512x32xf32> to vector<512x32xf32>
    %slice3A_112 = vector.extract_strided_slice %reshape3A_13 {offsets = [24, 0, 0], sizes = [1, 512, 32], strides = [1, 1, 1]} : vector<26x512x32xf32> to vector<1x512x32xf32>
    %squeeze3A_113 = vector.shape_cast %slice3A_112 : vector<1x512x32xf32> to vector<512x32xf32>
    %slice3A_114 = vector.extract_strided_slice %reshape3A_13 {offsets = [25, 0, 0], sizes = [1, 512, 32], strides = [1, 1, 1]} : vector<26x512x32xf32> to vector<1x512x32xf32>
    %squeeze3A_115 = vector.shape_cast %slice3A_114 : vector<1x512x32xf32> to vector<512x32xf32>
    %concatenate3A_116 = tpu.concatenate %squeeze3A_65, %squeeze3A_67, %squeeze3A_69, %squeeze3A_71, %squeeze3A_73, %squeeze3A_75, %squeeze3A_77, %squeeze3A_79, %squeeze3A_81, %squeeze3A_83, %squeeze3A_85, %squeeze3A_87, %squeeze3A_89, %squeeze3A_91, %squeeze3A_93, %squeeze3A_95, %squeeze3A_97, %squeeze3A_99, %squeeze3A_101, %squeeze3A_103, %squeeze3A_105, %squeeze3A_107, %squeeze3A_109, %squeeze3A_111, %squeeze3A_113, %squeeze3A_115 in 1 : vector<512x32xf32>, vector<512x32xf32>, vector<512x32xf32>, vector<512x32xf32>, vector<512x32xf32>, vector<512x32xf32>, vector<512x32xf32>, vector<512x32xf32>, vector<512x32xf32>, vector<512x32xf32>, vector<512x32xf32>, vector<512x32xf32>, vector<512x32xf32>, vector<512x32xf32>, vector<512x32xf32>, vector<512x32xf32>, vector<512x32xf32>, vector<512x32xf32>, vector<512x32xf32>, vector<512x32xf32>, vector<512x32xf32>, vector<512x32xf32>, vector<512x32xf32>, vector<512x32xf32>, vector<512x32xf32>, vector<512x32xf32> -> vector<512x832xf32>
    %get3A_117 = arith.constant 0 : index
    %get3A_118 = arith.constant 0 : index
    %get3A_119 = vector.load %arg3[%get3A_117, %get3A_118] : memref<1x32xf32, #tpu.memory_space<vmem>>, vector<1x32xf32>
    %concatenate3A_120 = tpu.concatenate %get3A_119, %get3A_119, %get3A_119, %get3A_119, %get3A_119, %get3A_119, %get3A_119, %get3A_119, %get3A_119, %get3A_119, %get3A_119, %get3A_119, %get3A_119, %get3A_119, %get3A_119, %get3A_119, %get3A_119, %get3A_119, %get3A_119, %get3A_119, %get3A_119, %get3A_119, %get3A_119, %get3A_119, %get3A_119, %get3A_119 in 1 : vector<1x32xf32>, vector<1x32xf32>, vector<1x32xf32>, vector<1x32xf32>, vector<1x32xf32>, vector<1x32xf32>, vector<1x32xf32>, vector<1x32xf32>, vector<1x32xf32>, vector<1x32xf32>, vector<1x32xf32>, vector<1x32xf32>, vector<1x32xf32>, vector<1x32xf32>, vector<1x32xf32>, vector<1x32xf32>, vector<1x32xf32>, vector<1x32xf32>, vector<1x32xf32>, vector<1x32xf32>, vector<1x32xf32>, vector<1x32xf32>, vector<1x32xf32>, vector<1x32xf32>, vector<1x32xf32>, vector<1x32xf32> -> vector<1x832xf32>
    %get3A_121 = arith.constant 0 : index
    %get3A_122 = arith.constant 0 : index
    %get3A_123 = vector.load %arg4[%get3A_121, %get3A_122] : memref<32x1xf32, #tpu.memory_space<vmem>>, vector<32x1xf32>
    %concatenate3A_124 = tpu.concatenate %get3A_123, %get3A_123, %get3A_123, %get3A_123, %get3A_123, %get3A_123, %get3A_123, %get3A_123, %get3A_123, %get3A_123, %get3A_123, %get3A_123, %get3A_123, %get3A_123, %get3A_123, %get3A_123, %get3A_123, %get3A_123, %get3A_123, %get3A_123, %get3A_123, %get3A_123, %get3A_123, %get3A_123, %get3A_123, %get3A_123 in 0 : vector<32x1xf32>, vector<32x1xf32>, vector<32x1xf32>, vector<32x1xf32>, vector<32x1xf32>, vector<32x1xf32>, vector<32x1xf32>, vector<32x1xf32>, vector<32x1xf32>, vector<32x1xf32>, vector<32x1xf32>, vector<32x1xf32>, vector<32x1xf32>, vector<32x1xf32>, vector<32x1xf32>, vector<32x1xf32>, vector<32x1xf32>, vector<32x1xf32>, vector<32x1xf32>, vector<32x1xf32>, vector<32x1xf32>, vector<32x1xf32>, vector<32x1xf32>, vector<32x1xf32>, vector<32x1xf32>, vector<32x1xf32> -> vector<832x1xf32>
    %iota3A = tpu.iota {dimensions = array<i32: 0>} : vector<832x26xi32>
    %iota3A_125 = tpu.iota {dimensions = array<i32: 1>} : vector<832x26xi32>
    %jit3A = arith.constant 32 : i32
    %div3A = vector.broadcast %jit3A : i32 to vector<832x26xi32>
    %div3A_126 = arith.divsi %iota3A, %div3A : vector<832x26xi32>
    %sign3A = arith.constant 0 : i32
    %sign3A_127 = vector.broadcast %sign3A : i32 to vector<832x26xi32>
    %sign3A_128 = arith.cmpi sgt, %iota3A, %sign3A_127 : vector<832x26xi32>
    %sign3A_129 = arith.extui %sign3A_128 : vector<832x26xi1> to vector<832x26xi32>
    %sign3A_130 = arith.constant 0 : i32
    %sign3A_131 = vector.broadcast %sign3A_130 : i32 to vector<832x26xi32>
    %sign3A_132 = arith.cmpi slt, %iota3A, %sign3A_131 : vector<832x26xi32>
    %sign3A_133 = arith.extui %sign3A_132 : vector<832x26xi1> to vector<832x26xi32>
    %sign3A_134 = arith.subi %sign3A_129, %sign3A_133 : vector<832x26xi32>
    %sign3A_135 = arith.constant 0 : i32
    %sign3A_136 = arith.cmpi sgt, %jit3A, %sign3A_135 : i32
    %sign3A_137 = arith.extui %sign3A_136 : i1 to i32
    %sign3A_138 = arith.constant 0 : i32
    %sign3A_139 = arith.cmpi slt, %jit3A, %sign3A_138 : i32
    %sign3A_140 = arith.extui %sign3A_139 : i1 to i32
    %sign3A_141 = arith.subi %sign3A_137, %sign3A_140 : i32
    %ne3A = vector.broadcast %sign3A_141 : i32 to vector<832x26xi32>
    %ne3A_142 = arith.cmpi ne, %sign3A_134, %ne3A : vector<832x26xi32>
    %rem3A = vector.broadcast %jit3A : i32 to vector<832x26xi32>
    %rem3A_143 = arith.remsi %iota3A, %rem3A : vector<832x26xi32>
    %ne3A_144 = arith.constant 0 : i32
    %ne3A_145 = vector.broadcast %ne3A_144 : i32 to vector<832x26xi32>
    %ne3A_146 = arith.cmpi ne, %rem3A_143, %ne3A_145 : vector<832x26xi32>
    %and3A = arith.andi %ne3A_142, %ne3A_146 : vector<832x26xi1>
    %sub3A = arith.constant 1 : i32
    %sub3A_147 = vector.broadcast %sub3A : i32 to vector<832x26xi32>
    %sub3A_148 = arith.subi %div3A_126, %sub3A_147 : vector<832x26xi32>
    %select_n3A = arith.select %and3A, %sub3A_148, %div3A_126 : vector<832x26xi1>, vector<832x26xi32>
    %eq3A = arith.cmpi eq, %select_n3A, %iota3A_125 : vector<832x26xi32>
    %jit3A_149 = arith.constant 0.000000e+00 : f32
    %broadcast_in_dim3A = vector.shape_cast %concatenate3A_124 : vector<832x1xf32> to vector<832x1xf32>
    %broadcast_in_dim3A_150 = vector.broadcast %broadcast_in_dim3A : vector<832x1xf32> to vector<832x26xf32>
    %broadcast_in_dim3A_151 = vector.broadcast %jit3A_149 : f32 to vector<832x26xf32>
    %select_n3A_152 = arith.select %eq3A, %broadcast_in_dim3A_150, %broadcast_in_dim3A_151 : vector<832x26xi1>, vector<832x26xf32>
    %slice3A_153 = vector.extract_strided_slice %concatenate3A_116 {offsets = [0, 32], sizes = [512, 800], strides = [1, 1]} : vector<512x832xf32> to vector<512x800xf32>
    %broadcast_in_dim3A_154 = arith.constant 0.000000e+00 : f32
    %broadcast_in_dim3A_155 = vector.broadcast %broadcast_in_dim3A_154 : f32 to vector<512x32xf32>
    %concatenate3A_156 = tpu.concatenate %slice3A_153, %broadcast_in_dim3A_155 in 1 : vector<512x800xf32>, vector<512x32xf32> -> vector<512x832xf32>
    %add3A = arith.addf %concatenate3A, %concatenate3A_156 : vector<512x832xf32>
    %add3A_157 = vector.broadcast %concatenate3A_120 : vector<1x832xf32> to vector<512x832xf32>
    %add3A_158 = arith.addf %add3A, %add3A_157 : vector<512x832xf32>
    %max3A = arith.constant 0.000000e+00 : f32
    %max3A_159 = vector.broadcast %max3A : f32 to vector<512x832xf32>
    %max3A_160 = arith.maximumf %add3A_158, %max3A_159 : vector<512x832xf32>
    %dot_general3A_161 = arith.constant dense<0.000000e+00> : vector<512x26xf32>
    %dot_general3A_162 = tpu.matmul %max3A_160, %select_n3A_152, %dot_general3A_161 {dimension_numbers = #tpu.dot_dimension_numbers<[1], [0], [0], [1], [0, 0, 1, 1], [], []>, transpose_lhs_hint = false} : vector<512x832xf32>, vector<832x26xf32>, vector<512x26xf32> -> vector<512x26xf32>
    %swap3A = arith.constant 0 : index
    %swap3A_163 = arith.constant 0 : index
    %swap3A_164 = vector.load %arg5[%swap3A, %swap3A_163] : memref<512x650xf32, #tpu.memory_space<vmem>>, vector<512x26xf32>
    tpu.vector_store %arg5[%swap3A, %swap3A_163], %dot_general3A_162 {strides = array<i32>} : memref<512x650xf32, #tpu.memory_space<vmem>>, vector<512x26xf32>,
    %reduce_sum3A = arith.constant dense<0.000000e+00> : vector<26xf32>
    %reduce_sum3A_165 = vector.multi_reduction <add>, %dot_general3A_162, %reduce_sum3A [0] : vector<512x26xf32> to vector<26xf32>
    %broadcast_in_dim3A_166 = vector.shape_cast %reduce_sum3A_165 : vector<26xf32> to vector<1x26xf32>
    %slice3A_167 = vector.extract_strided_slice %concatenate3A_116 {offsets = [0, 64], sizes = [512, 768], strides = [1, 1]} : vector<512x832xf32> to vector<512x768xf32>
    %broadcast_in_dim3A_168 = arith.constant 0.000000e+00 : f32
    %broadcast_in_dim3A_169 = vector.broadcast %broadcast_in_dim3A_168 : f32 to vector<512x64xf32>
    %concatenate3A_170 = tpu.concatenate %slice3A_167, %broadcast_in_dim3A_169 in 1 : vector<512x768xf32>, vector<512x64xf32> -> vector<512x832xf32>
    %add3A_171 = arith.addf %concatenate3A, %concatenate3A_170 : vector<512x832xf32>
    %add3A_172 = vector.broadcast %concatenate3A_120 : vector<1x832xf32> to vector<512x832xf32>
    %add3A_173 = arith.addf %add3A_171, %add3A_172 : vector<512x832xf32>
    %max3A_174 = arith.constant 0.000000e+00 : f32
    %max3A_175 = vector.broadcast %max3A_174 : f32 to vector<512x832xf32>
    %max3A_176 = arith.maximumf %add3A_173, %max3A_175 : vector<512x832xf32>
    %dot_general3A_177 = arith.constant dense<0.000000e+00> : vector<512x26xf32>
    %dot_general3A_178 = tpu.matmul %max3A_176, %select_n3A_152, %dot_general3A_177 {dimension_numbers = #tpu.dot_dimension_numbers<[1], [0], [0], [1], [0, 0, 1, 1], [], []>, transpose_lhs_hint = false} : vector<512x832xf32>, vector<832x26xf32>, vector<512x26xf32> -> vector<512x26xf32>
    %swap3A_179 = arith.constant 0 : index
    %swap3A_180 = arith.constant 26 : index
    %swap3A_181 = vector.load %arg5[%swap3A_179, %swap3A_180] : memref<512x650xf32, #tpu.memory_space<vmem>>, vector<512x26xf32>
    tpu.vector_store %arg5[%swap3A_179, %swap3A_180], %dot_general3A_178 {strides = array<i32>} : memref<512x650xf32, #tpu.memory_space<vmem>>, vector<512x26xf32>,
    %reduce_sum3A_182 = arith.constant dense<0.000000e+00> : vector<26xf32>
    %reduce_sum3A_183 = vector.multi_reduction <add>, %dot_general3A_178, %reduce_sum3A_182 [0] : vector<512x26xf32> to vector<26xf32>
    %broadcast_in_dim3A_184 = vector.shape_cast %reduce_sum3A_183 : vector<26xf32> to vector<1x26xf32>
    %slice3A_185 = vector.extract_strided_slice %concatenate3A_116 {offsets = [0, 96], sizes = [512, 736], strides = [1, 1]} : vector<512x832xf32> to vector<512x736xf32>
    %broadcast_in_dim3A_186 = arith.constant 0.000000e+00 : f32
    %broadcast_in_dim3A_187 = vector.broadcast %broadcast_in_dim3A_186 : f32 to vector<512x96xf32>
    %concatenate3A_188 = tpu.concatenate %slice3A_185, %broadcast_in_dim3A_187 in 1 : vector<512x736xf32>, vector<512x96xf32> -> vector<512x832xf32>
    %add3A_189 = arith.addf %concatenate3A, %concatenate3A_188 : vector<512x832xf32>
    %add3A_190 = vector.broadcast %concatenate3A_120 : vector<1x832xf32> to vector<512x832xf32>
    %add3A_191 = arith.addf %add3A_189, %add3A_190 : vector<512x832xf32>
    %max3A_192 = arith.constant 0.000000e+00 : f32
    %max3A_193 = vector.broadcast %max3A_192 : f32 to vector<512x832xf32>
    %max3A_194 = arith.maximumf %add3A_191, %max3A_193 : vector<512x832xf32>
    %dot_general3A_195 = arith.constant dense<0.000000e+00> : vector<512x26xf32>
    %dot_general3A_196 = tpu.matmul %max3A_194, %select_n3A_152, %dot_general3A_195 {dimension_numbers = #tpu.dot_dimension_numbers<[1], [0], [0], [1], [0, 0, 1, 1], [], []>, transpose_lhs_hint = false} : vector<512x832xf32>, vector<832x26xf32>, vector<512x26xf32> -> vector<512x26xf32>
    %swap3A_197 = arith.constant 0 : index
    %swap3A_198 = arith.constant 52 : index
    %swap3A_199 = vector.load %arg5[%swap3A_197, %swap3A_198] : memref<512x650xf32, #tpu.memory_space<vmem>>, vector<512x26xf32>
    tpu.vector_store %arg5[%swap3A_197, %swap3A_198], %dot_general3A_196 {strides = array<i32>} : memref<512x650xf32, #tpu.memory_space<vmem>>, vector<512x26xf32>,
    %reduce_sum3A_200 = arith.constant dense<0.000000e+00> : vector<26xf32>
    %reduce_sum3A_201 = vector.multi_reduction <add>, %dot_general3A_196, %reduce_sum3A_200 [0] : vector<512x26xf32> to vector<26xf32>
    %broadcast_in_dim3A_202 = vector.shape_cast %reduce_sum3A_201 : vector<26xf32> to vector<1x26xf32>
    %slice3A_203 = vector.extract_strided_slice %concatenate3A_116 {offsets = [0, 128], sizes = [512, 704], strides = [1, 1]} : vector<512x832xf32> to vector<512x704xf32>
    %broadcast_in_dim3A_204 = arith.constant 0.000000e+00 : f32
    %broadcast_in_dim3A_205 = vector.broadcast %broadcast_in_dim3A_204 : f32 to vector<512x128xf32>
    %concatenate3A_206 = tpu.concatenate %slice3A_203, %broadcast_in_dim3A_205 in 1 : vector<512x704xf32>, vector<512x128xf32> -> vector<512x832xf32>
    %add3A_207 = arith.addf %concatenate3A, %concatenate3A_206 : vector<512x832xf32>
    %add3A_208 = vector.broadcast %concatenate3A_120 : vector<1x832xf32> to vector<512x832xf32>
    %add3A_209 = arith.addf %add3A_207, %add3A_208 : vector<512x832xf32>
    %max3A_210 = arith.constant 0.000000e+00 : f32
    %max3A_211 = vector.broadcast %max3A_210 : f32 to vector<512x832xf32>
    %max3A_212 = arith.maximumf %add3A_209, %max3A_211 : vector<512x832xf32>
    %dot_general3A_213 = arith.constant dense<0.000000e+00> : vector<512x26xf32>
    %dot_general3A_214 = tpu.matmul %max3A_212, %select_n3A_152, %dot_general3A_213 {dimension_numbers = #tpu.dot_dimension_numbers<[1], [0], [0], [1], [0, 0, 1, 1], [], []>, transpose_lhs_hint = false} : vector<512x832xf32>, vector<832x26xf32>, vector<512x26xf32> -> vector<512x26xf32>
    %swap3A_215 = arith.constant 0 : index
    %swap3A_216 = arith.constant 78 : index
    %swap3A_217 = vector.load %arg5[%swap3A_215, %swap3A_216] : memref<512x650xf32, #tpu.memory_space<vmem>>, vector<512x26xf32>
    tpu.vector_store %arg5[%swap3A_215, %swap3A_216], %dot_general3A_214 {strides = array<i32>} : memref<512x650xf32, #tpu.memory_space<vmem>>, vector<512x26xf32>,
    %reduce_sum3A_218 = arith.constant dense<0.000000e+00> : vector<26xf32>
    %reduce_sum3A_219 = vector.multi_reduction <add>, %dot_general3A_214, %reduce_sum3A_218 [0] : vector<512x26xf32> to vector<26xf32>
    %broadcast_in_dim3A_220 = vector.shape_cast %reduce_sum3A_219 : vector<26xf32> to vector<1x26xf32>
    %slice3A_221 = vector.extract_strided_slice %concatenate3A_116 {offsets = [0, 160], sizes = [512, 672], strides = [1, 1]} : vector<512x832xf32> to vector<512x672xf32>
    %broadcast_in_dim3A_222 = arith.constant 0.000000e+00 : f32
    %broadcast_in_dim3A_223 = vector.broadcast %broadcast_in_dim3A_222 : f32 to vector<512x160xf32>
    %concatenate3A_224 = tpu.concatenate %slice3A_221, %broadcast_in_dim3A_223 in 1 : vector<512x672xf32>, vector<512x160xf32> -> vector<512x832xf32>
    %add3A_225 = arith.addf %concatenate3A, %concatenate3A_224 : vector<512x832xf32>
    %add3A_226 = vector.broadcast %concatenate3A_120 : vector<1x832xf32> to vector<512x832xf32>
    %add3A_227 = arith.addf %add3A_225, %add3A_226 : vector<512x832xf32>
    %max3A_228 = arith.constant 0.000000e+00 : f32
    %max3A_229 = vector.broadcast %max3A_228 : f32 to vector<512x832xf32>
    %max3A_230 = arith.maximumf %add3A_227, %max3A_229 : vector<512x832xf32>
    %dot_general3A_231 = arith.constant dense<0.000000e+00> : vector<512x26xf32>
    %dot_general3A_232 = tpu.matmul %max3A_230, %select_n3A_152, %dot_general3A_231 {dimension_numbers = #tpu.dot_dimension_numbers<[1], [0], [0], [1], [0, 0, 1, 1], [], []>, transpose_lhs_hint = false} : vector<512x832xf32>, vector<832x26xf32>, vector<512x26xf32> -> vector<512x26xf32>
    %swap3A_233 = arith.constant 0 : index
    %swap3A_234 = arith.constant 104 : index
    %swap3A_235 = vector.load %arg5[%swap3A_233, %swap3A_234] : memref<512x650xf32, #tpu.memory_space<vmem>>, vector<512x26xf32>
    tpu.vector_store %arg5[%swap3A_233, %swap3A_234], %dot_general3A_232 {strides = array<i32>} : memref<512x650xf32, #tpu.memory_space<vmem>>, vector<512x26xf32>,
    %reduce_sum3A_236 = arith.constant dense<0.000000e+00> : vector<26xf32>
    %reduce_sum3A_237 = vector.multi_reduction <add>, %dot_general3A_232, %reduce_sum3A_236 [0] : vector<512x26xf32> to vector<26xf32>
    %broadcast_in_dim3A_238 = vector.shape_cast %reduce_sum3A_237 : vector<26xf32> to vector<1x26xf32>
    %slice3A_239 = vector.extract_strided_slice %concatenate3A_116 {offsets = [0, 192], sizes = [512, 640], strides = [1, 1]} : vector<512x832xf32> to vector<512x640xf32>
    %broadcast_in_dim3A_240 = arith.constant 0.000000e+00 : f32
    %broadcast_in_dim3A_241 = vector.broadcast %broadcast_in_dim3A_240 : f32 to vector<512x192xf32>
    %concatenate3A_242 = tpu.concatenate %slice3A_239, %broadcast_in_dim3A_241 in 1 : vector<512x640xf32>, vector<512x192xf32> -> vector<512x832xf32>
    %add3A_243 = arith.addf %concatenate3A, %concatenate3A_242 : vector<512x832xf32>
    %add3A_244 = vector.broadcast %concatenate3A_120 : vector<1x832xf32> to vector<512x832xf32>
    %add3A_245 = arith.addf %add3A_243, %add3A_244 : vector<512x832xf32>
    %max3A_246 = arith.constant 0.000000e+00 : f32
    %max3A_247 = vector.broadcast %max3A_246 : f32 to vector<512x832xf32>
    %max3A_248 = arith.maximumf %add3A_245, %max3A_247 : vector<512x832xf32>
    %dot_general3A_249 = arith.constant dense<0.000000e+00> : vector<512x26xf32>
    %dot_general3A_250 = tpu.matmul %max3A_248, %select_n3A_152, %dot_general3A_249 {dimension_numbers = #tpu.dot_dimension_numbers<[1], [0], [0], [1], [0, 0, 1, 1], [], []>, transpose_lhs_hint = false} : vector<512x832xf32>, vector<832x26xf32>, vector<512x26xf32> -> vector<512x26xf32>
    %swap3A_251 = arith.constant 0 : index
    %swap3A_252 = arith.constant 130 : index
    %swap3A_253 = vector.load %arg5[%swap3A_251, %swap3A_252] : memref<512x650xf32, #tpu.memory_space<vmem>>, vector<512x26xf32>
    tpu.vector_store %arg5[%swap3A_251, %swap3A_252], %dot_general3A_250 {strides = array<i32>} : memref<512x650xf32, #tpu.memory_space<vmem>>, vector<512x26xf32>,
    %reduce_sum3A_254 = arith.constant dense<0.000000e+00> : vector<26xf32>
    %reduce_sum3A_255 = vector.multi_reduction <add>, %dot_general3A_250, %reduce_sum3A_254 [0] : vector<512x26xf32> to vector<26xf32>
    %broadcast_in_dim3A_256 = vector.shape_cast %reduce_sum3A_255 : vector<26xf32> to vector<1x26xf32>
    %slice3A_257 = vector.extract_strided_slice %concatenate3A_116 {offsets = [0, 224], sizes = [512, 608], strides = [1, 1]} : vector<512x832xf32> to vector<512x608xf32>
    %broadcast_in_dim3A_258 = arith.constant 0.000000e+00 : f32
    %broadcast_in_dim3A_259 = vector.broadcast %broadcast_in_dim3A_258 : f32 to vector<512x224xf32>
    %concatenate3A_260 = tpu.concatenate %slice3A_257, %broadcast_in_dim3A_259 in 1 : vector<512x608xf32>, vector<512x224xf32> -> vector<512x832xf32>
    %add3A_261 = arith.addf %concatenate3A, %concatenate3A_260 : vector<512x832xf32>
    %add3A_262 = vector.broadcast %concatenate3A_120 : vector<1x832xf32> to vector<512x832xf32>
    %add3A_263 = arith.addf %add3A_261, %add3A_262 : vector<512x832xf32>
    %max3A_264 = arith.constant 0.000000e+00 : f32
    %max3A_265 = vector.broadcast %max3A_264 : f32 to vector<512x832xf32>
    %max3A_266 = arith.maximumf %add3A_263, %max3A_265 : vector<512x832xf32>
    %dot_general3A_267 = arith.constant dense<0.000000e+00> : vector<512x26xf32>
    %dot_general3A_268 = tpu.matmul %max3A_266, %select_n3A_152, %dot_general3A_267 {dimension_numbers = #tpu.dot_dimension_numbers<[1], [0], [0], [1], [0, 0, 1, 1], [], []>, transpose_lhs_hint = false} : vector<512x832xf32>, vector<832x26xf32>, vector<512x26xf32> -> vector<512x26xf32>
    %swap3A_269 = arith.constant 0 : index
    %swap3A_270 = arith.constant 156 : index
    %swap3A_271 = vector.load %arg5[%swap3A_269, %swap3A_270] : memref<512x650xf32, #tpu.memory_space<vmem>>, vector<512x26xf32>
    tpu.vector_store %arg5[%swap3A_269, %swap3A_270], %dot_general3A_268 {strides = array<i32>} : memref<512x650xf32, #tpu.memory_space<vmem>>, vector<512x26xf32>,
    %reduce_sum3A_272 = arith.constant dense<0.000000e+00> : vector<26xf32>
    %reduce_sum3A_273 = vector.multi_reduction <add>, %dot_general3A_268, %reduce_sum3A_272 [0] : vector<512x26xf32> to vector<26xf32>
    %broadcast_in_dim3A_274 = vector.shape_cast %reduce_sum3A_273 : vector<26xf32> to vector<1x26xf32>
    %slice3A_275 = vector.extract_strided_slice %concatenate3A_116 {offsets = [0, 256], sizes = [512, 576], strides = [1, 1]} : vector<512x832xf32> to vector<512x576xf32>
    %broadcast_in_dim3A_276 = arith.constant 0.000000e+00 : f32
    %broadcast_in_dim3A_277 = vector.broadcast %broadcast_in_dim3A_276 : f32 to vector<512x256xf32>
    %concatenate3A_278 = tpu.concatenate %slice3A_275, %broadcast_in_dim3A_277 in 1 : vector<512x576xf32>, vector<512x256xf32> -> vector<512x832xf32>
    %add3A_279 = arith.addf %concatenate3A, %concatenate3A_278 : vector<512x832xf32>
    %add3A_280 = vector.broadcast %concatenate3A_120 : vector<1x832xf32> to vector<512x832xf32>
    %add3A_281 = arith.addf %add3A_279, %add3A_280 : vector<512x832xf32>
    %max3A_282 = arith.constant 0.000000e+00 : f32
    %max3A_283 = vector.broadcast %max3A_282 : f32 to vector<512x832xf32>
    %max3A_284 = arith.maximumf %add3A_281, %max3A_283 : vector<512x832xf32>
    %dot_general3A_285 = arith.constant dense<0.000000e+00> : vector<512x26xf32>
    %dot_general3A_286 = tpu.matmul %max3A_284, %select_n3A_152, %dot_general3A_285 {dimension_numbers = #tpu.dot_dimension_numbers<[1], [0], [0], [1], [0, 0, 1, 1], [], []>, transpose_lhs_hint = false} : vector<512x832xf32>, vector<832x26xf32>, vector<512x26xf32> -> vector<512x26xf32>
    %swap3A_287 = arith.constant 0 : index
    %swap3A_288 = arith.constant 182 : index
    %swap3A_289 = vector.load %arg5[%swap3A_287, %swap3A_288] : memref<512x650xf32, #tpu.memory_space<vmem>>, vector<512x26xf32>
    tpu.vector_store %arg5[%swap3A_287, %swap3A_288], %dot_general3A_286 {strides = array<i32>} : memref<512x650xf32, #tpu.memory_space<vmem>>, vector<512x26xf32>,
    %reduce_sum3A_290 = arith.constant dense<0.000000e+00> : vector<26xf32>
    %reduce_sum3A_291 = vector.multi_reduction <add>, %dot_general3A_286, %reduce_sum3A_290 [0] : vector<512x26xf32> to vector<26xf32>
    %broadcast_in_dim3A_292 = vector.shape_cast %reduce_sum3A_291 : vector<26xf32> to vector<1x26xf32>
    %slice3A_293 = vector.extract_strided_slice %concatenate3A_116 {offsets = [0, 288], sizes = [512, 544], strides = [1, 1]} : vector<512x832xf32> to vector<512x544xf32>
    %broadcast_in_dim3A_294 = arith.constant 0.000000e+00 : f32
    %broadcast_in_dim3A_295 = vector.broadcast %broadcast_in_dim3A_294 : f32 to vector<512x288xf32>
    %concatenate3A_296 = tpu.concatenate %slice3A_293, %broadcast_in_dim3A_295 in 1 : vector<512x544xf32>, vector<512x288xf32> -> vector<512x832xf32>
    %add3A_297 = arith.addf %concatenate3A, %concatenate3A_296 : vector<512x832xf32>
    %add3A_298 = vector.broadcast %concatenate3A_120 : vector<1x832xf32> to vector<512x832xf32>
    %add3A_299 = arith.addf %add3A_297, %add3A_298 : vector<512x832xf32>
    %max3A_300 = arith.constant 0.000000e+00 : f32
    %max3A_301 = vector.broadcast %max3A_300 : f32 to vector<512x832xf32>
    %max3A_302 = arith.maximumf %add3A_299, %max3A_301 : vector<512x832xf32>
    %dot_general3A_303 = arith.constant dense<0.000000e+00> : vector<512x26xf32>
    %dot_general3A_304 = tpu.matmul %max3A_302, %select_n3A_152, %dot_general3A_303 {dimension_numbers = #tpu.dot_dimension_numbers<[1], [0], [0], [1], [0, 0, 1, 1], [], []>, transpose_lhs_hint = false} : vector<512x832xf32>, vector<832x26xf32>, vector<512x26xf32> -> vector<512x26xf32>
    %swap3A_305 = arith.constant 0 : index
    %swap3A_306 = arith.constant 208 : index
    %swap3A_307 = vector.load %arg5[%swap3A_305, %swap3A_306] : memref<512x650xf32, #tpu.memory_space<vmem>>, vector<512x26xf32>
    tpu.vector_store %arg5[%swap3A_305, %swap3A_306], %dot_general3A_304 {strides = array<i32>} : memref<512x650xf32, #tpu.memory_space<vmem>>, vector<512x26xf32>,
    %reduce_sum3A_308 = arith.constant dense<0.000000e+00> : vector<26xf32>
    %reduce_sum3A_309 = vector.multi_reduction <add>, %dot_general3A_304, %reduce_sum3A_308 [0] : vector<512x26xf32> to vector<26xf32>
    %broadcast_in_dim3A_310 = vector.shape_cast %reduce_sum3A_309 : vector<26xf32> to vector<1x26xf32>
    %slice3A_311 = vector.extract_strided_slice %concatenate3A_116 {offsets = [0, 320], sizes = [512, 512], strides = [1, 1]} : vector<512x832xf32> to vector<512x512xf32>
    %broadcast_in_dim3A_312 = arith.constant 0.000000e+00 : f32
    %broadcast_in_dim3A_313 = vector.broadcast %broadcast_in_dim3A_312 : f32 to vector<512x320xf32>
    %concatenate3A_314 = tpu.concatenate %slice3A_311, %broadcast_in_dim3A_313 in 1 : vector<512x512xf32>, vector<512x320xf32> -> vector<512x832xf32>
    %add3A_315 = arith.addf %concatenate3A, %concatenate3A_314 : vector<512x832xf32>
    %add3A_316 = vector.broadcast %concatenate3A_120 : vector<1x832xf32> to vector<512x832xf32>
    %add3A_317 = arith.addf %add3A_315, %add3A_316 : vector<512x832xf32>
    %max3A_318 = arith.constant 0.000000e+00 : f32
    %max3A_319 = vector.broadcast %max3A_318 : f32 to vector<512x832xf32>
    %max3A_320 = arith.maximumf %add3A_317, %max3A_319 : vector<512x832xf32>
    %dot_general3A_321 = arith.constant dense<0.000000e+00> : vector<512x26xf32>
    %dot_general3A_322 = tpu.matmul %max3A_320, %select_n3A_152, %dot_general3A_321 {dimension_numbers = #tpu.dot_dimension_numbers<[1], [0], [0], [1], [0, 0, 1, 1], [], []>, transpose_lhs_hint = false} : vector<512x832xf32>, vector<832x26xf32>, vector<512x26xf32> -> vector<512x26xf32>
    %swap3A_323 = arith.constant 0 : index
    %swap3A_324 = arith.constant 234 : index
    %swap3A_325 = vector.load %arg5[%swap3A_323, %swap3A_324] : memref<512x650xf32, #tpu.memory_space<vmem>>, vector<512x26xf32>
    tpu.vector_store %arg5[%swap3A_323, %swap3A_324], %dot_general3A_322 {strides = array<i32>} : memref<512x650xf32, #tpu.memory_space<vmem>>, vector<512x26xf32>,
    %reduce_sum3A_326 = arith.constant dense<0.000000e+00> : vector<26xf32>
    %reduce_sum3A_327 = vector.multi_reduction <add>, %dot_general3A_322, %reduce_sum3A_326 [0] : vector<512x26xf32> to vector<26xf32>
    %broadcast_in_dim3A_328 = vector.shape_cast %reduce_sum3A_327 : vector<26xf32> to vector<1x26xf32>
    %slice3A_329 = vector.extract_strided_slice %concatenate3A_116 {offsets = [0, 352], sizes = [512, 480], strides = [1, 1]} : vector<512x832xf32> to vector<512x480xf32>
    %broadcast_in_dim3A_330 = arith.constant 0.000000e+00 : f32
    %broadcast_in_dim3A_331 = vector.broadcast %broadcast_in_dim3A_330 : f32 to vector<512x352xf32>
    %concatenate3A_332 = tpu.concatenate %slice3A_329, %broadcast_in_dim3A_331 in 1 : vector<512x480xf32>, vector<512x352xf32> -> vector<512x832xf32>
    %add3A_333 = arith.addf %concatenate3A, %concatenate3A_332 : vector<512x832xf32>
    %add3A_334 = vector.broadcast %concatenate3A_120 : vector<1x832xf32> to vector<512x832xf32>
    %add3A_335 = arith.addf %add3A_333, %add3A_334 : vector<512x832xf32>
    %max3A_336 = arith.constant 0.000000e+00 : f32
    %max3A_337 = vector.broadcast %max3A_336 : f32 to vector<512x832xf32>
    %max3A_338 = arith.maximumf %add3A_335, %max3A_337 : vector<512x832xf32>
    %dot_general3A_339 = arith.constant dense<0.000000e+00> : vector<512x26xf32>
    %dot_general3A_340 = tpu.matmul %max3A_338, %select_n3A_152, %dot_general3A_339 {dimension_numbers = #tpu.dot_dimension_numbers<[1], [0], [0], [1], [0, 0, 1, 1], [], []>, transpose_lhs_hint = false} : vector<512x832xf32>, vector<832x26xf32>, vector<512x26xf32> -> vector<512x26xf32>
    %swap3A_341 = arith.constant 0 : index
    %swap3A_342 = arith.constant 260 : index
    %swap3A_343 = vector.load %arg5[%swap3A_341, %swap3A_342] : memref<512x650xf32, #tpu.memory_space<vmem>>, vector<512x26xf32>
    tpu.vector_store %arg5[%swap3A_341, %swap3A_342], %dot_general3A_340 {strides = array<i32>} : memref<512x650xf32, #tpu.memory_space<vmem>>, vector<512x26xf32>,
    %reduce_sum3A_344 = arith.constant dense<0.000000e+00> : vector<26xf32>
    %reduce_sum3A_345 = vector.multi_reduction <add>, %dot_general3A_340, %reduce_sum3A_344 [0] : vector<512x26xf32> to vector<26xf32>
    %broadcast_in_dim3A_346 = vector.shape_cast %reduce_sum3A_345 : vector<26xf32> to vector<1x26xf32>
    %slice3A_347 = vector.extract_strided_slice %concatenate3A_116 {offsets = [0, 384], sizes = [512, 448], strides = [1, 1]} : vector<512x832xf32> to vector<512x448xf32>
    %broadcast_in_dim3A_348 = arith.constant 0.000000e+00 : f32
    %broadcast_in_dim3A_349 = vector.broadcast %broadcast_in_dim3A_348 : f32 to vector<512x384xf32>
    %concatenate3A_350 = tpu.concatenate %slice3A_347, %broadcast_in_dim3A_349 in 1 : vector<512x448xf32>, vector<512x384xf32> -> vector<512x832xf32>
    %add3A_351 = arith.addf %concatenate3A, %concatenate3A_350 : vector<512x832xf32>
    %add3A_352 = vector.broadcast %concatenate3A_120 : vector<1x832xf32> to vector<512x832xf32>
    %add3A_353 = arith.addf %add3A_351, %add3A_352 : vector<512x832xf32>
    %max3A_354 = arith.constant 0.000000e+00 : f32
    %max3A_355 = vector.broadcast %max3A_354 : f32 to vector<512x832xf32>
    %max3A_356 = arith.maximumf %add3A_353, %max3A_355 : vector<512x832xf32>
    %dot_general3A_357 = arith.constant dense<0.000000e+00> : vector<512x26xf32>
    %dot_general3A_358 = tpu.matmul %max3A_356, %select_n3A_152, %dot_general3A_357 {dimension_numbers = #tpu.dot_dimension_numbers<[1], [0], [0], [1], [0, 0, 1, 1], [], []>, transpose_lhs_hint = false} : vector<512x832xf32>, vector<832x26xf32>, vector<512x26xf32> -> vector<512x26xf32>
    %swap3A_359 = arith.constant 0 : index
    %swap3A_360 = arith.constant 286 : index
    %swap3A_361 = vector.load %arg5[%swap3A_359, %swap3A_360] : memref<512x650xf32, #tpu.memory_space<vmem>>, vector<512x26xf32>
    tpu.vector_store %arg5[%swap3A_359, %swap3A_360], %dot_general3A_358 {strides = array<i32>} : memref<512x650xf32, #tpu.memory_space<vmem>>, vector<512x26xf32>,
    %reduce_sum3A_362 = arith.constant dense<0.000000e+00> : vector<26xf32>
    %reduce_sum3A_363 = vector.multi_reduction <add>, %dot_general3A_358, %reduce_sum3A_362 [0] : vector<512x26xf32> to vector<26xf32>
    %broadcast_in_dim3A_364 = vector.shape_cast %reduce_sum3A_363 : vector<26xf32> to vector<1x26xf32>
    %slice3A_365 = vector.extract_strided_slice %concatenate3A_116 {offsets = [0, 416], sizes = [512, 416], strides = [1, 1]} : vector<512x832xf32> to vector<512x416xf32>
    %broadcast_in_dim3A_366 = arith.constant 0.000000e+00 : f32
    %broadcast_in_dim3A_367 = vector.broadcast %broadcast_in_dim3A_366 : f32 to vector<512x416xf32>
    %concatenate3A_368 = tpu.concatenate %slice3A_365, %broadcast_in_dim3A_367 in 1 : vector<512x416xf32>, vector<512x416xf32> -> vector<512x832xf32>
    %add3A_369 = arith.addf %concatenate3A, %concatenate3A_368 : vector<512x832xf32>
    %add3A_370 = vector.broadcast %concatenate3A_120 : vector<1x832xf32> to vector<512x832xf32>
    %add3A_371 = arith.addf %add3A_369, %add3A_370 : vector<512x832xf32>
    %max3A_372 = arith.constant 0.000000e+00 : f32
    %max3A_373 = vector.broadcast %max3A_372 : f32 to vector<512x832xf32>
    %max3A_374 = arith.maximumf %add3A_371, %max3A_373 : vector<512x832xf32>
    %dot_general3A_375 = arith.constant dense<0.000000e+00> : vector<512x26xf32>
    %dot_general3A_376 = tpu.matmul %max3A_374, %select_n3A_152, %dot_general3A_375 {dimension_numbers = #tpu.dot_dimension_numbers<[1], [0], [0], [1], [0, 0, 1, 1], [], []>, transpose_lhs_hint = false} : vector<512x832xf32>, vector<832x26xf32>, vector<512x26xf32> -> vector<512x26xf32>
    %swap3A_377 = arith.constant 0 : index
    %swap3A_378 = arith.constant 312 : index
    %swap3A_379 = vector.load %arg5[%swap3A_377, %swap3A_378] : memref<512x650xf32, #tpu.memory_space<vmem>>, vector<512x26xf32>
    tpu.vector_store %arg5[%swap3A_377, %swap3A_378], %dot_general3A_376 {strides = array<i32>} : memref<512x650xf32, #tpu.memory_space<vmem>>, vector<512x26xf32>,
    %reduce_sum3A_380 = arith.constant dense<0.000000e+00> : vector<26xf32>
    %reduce_sum3A_381 = vector.multi_reduction <add>, %dot_general3A_376, %reduce_sum3A_380 [0] : vector<512x26xf32> to vector<26xf32>
    %broadcast_in_dim3A_382 = vector.shape_cast %reduce_sum3A_381 : vector<26xf32> to vector<1x26xf32>
    %slice3A_383 = vector.extract_strided_slice %concatenate3A_116 {offsets = [0, 448], sizes = [512, 384], strides = [1, 1]} : vector<512x832xf32> to vector<512x384xf32>
    %broadcast_in_dim3A_384 = arith.constant 0.000000e+00 : f32
    %broadcast_in_dim3A_385 = vector.broadcast %broadcast_in_dim3A_384 : f32 to vector<512x448xf32>
    %concatenate3A_386 = tpu.concatenate %slice3A_383, %broadcast_in_dim3A_385 in 1 : vector<512x384xf32>, vector<512x448xf32> -> vector<512x832xf32>
    %add3A_387 = arith.addf %concatenate3A, %concatenate3A_386 : vector<512x832xf32>
    %add3A_388 = vector.broadcast %concatenate3A_120 : vector<1x832xf32> to vector<512x832xf32>
    %add3A_389 = arith.addf %add3A_387, %add3A_388 : vector<512x832xf32>
    %max3A_390 = arith.constant 0.000000e+00 : f32
    %max3A_391 = vector.broadcast %max3A_390 : f32 to vector<512x832xf32>
    %max3A_392 = arith.maximumf %add3A_389, %max3A_391 : vector<512x832xf32>
    %dot_general3A_393 = arith.constant dense<0.000000e+00> : vector<512x26xf32>
    %dot_general3A_394 = tpu.matmul %max3A_392, %select_n3A_152, %dot_general3A_393 {dimension_numbers = #tpu.dot_dimension_numbers<[1], [0], [0], [1], [0, 0, 1, 1], [], []>, transpose_lhs_hint = false} : vector<512x832xf32>, vector<832x26xf32>, vector<512x26xf32> -> vector<512x26xf32>
    %swap3A_395 = arith.constant 0 : index
    %swap3A_396 = arith.constant 338 : index
    %swap3A_397 = vector.load %arg5[%swap3A_395, %swap3A_396] : memref<512x650xf32, #tpu.memory_space<vmem>>, vector<512x26xf32>
    tpu.vector_store %arg5[%swap3A_395, %swap3A_396], %dot_general3A_394 {strides = array<i32>} : memref<512x650xf32, #tpu.memory_space<vmem>>, vector<512x26xf32>,
    %reduce_sum3A_398 = arith.constant dense<0.000000e+00> : vector<26xf32>
    %reduce_sum3A_399 = vector.multi_reduction <add>, %dot_general3A_394, %reduce_sum3A_398 [0] : vector<512x26xf32> to vector<26xf32>
    %broadcast_in_dim3A_400 = vector.shape_cast %reduce_sum3A_399 : vector<26xf32> to vector<1x26xf32>
    %slice3A_401 = vector.extract_strided_slice %concatenate3A_116 {offsets = [0, 480], sizes = [512, 352], strides = [1, 1]} : vector<512x832xf32> to vector<512x352xf32>
    %broadcast_in_dim3A_402 = arith.constant 0.000000e+00 : f32
    %broadcast_in_dim3A_403 = vector.broadcast %broadcast_in_dim3A_402 : f32 to vector<512x480xf32>
    %concatenate3A_404 = tpu.concatenate %slice3A_401, %broadcast_in_dim3A_403 in 1 : vector<512x352xf32>, vector<512x480xf32> -> vector<512x832xf32>
    %add3A_405 = arith.addf %concatenate3A, %concatenate3A_404 : vector<512x832xf32>
    %add3A_406 = vector.broadcast %concatenate3A_120 : vector<1x832xf32> to vector<512x832xf32>
    %add3A_407 = arith.addf %add3A_405, %add3A_406 : vector<512x832xf32>
    %max3A_408 = arith.constant 0.000000e+00 : f32
    %max3A_409 = vector.broadcast %max3A_408 : f32 to vector<512x832xf32>
    %max3A_410 = arith.maximumf %add3A_407, %max3A_409 : vector<512x832xf32>
    %dot_general3A_411 = arith.constant dense<0.000000e+00> : vector<512x26xf32>
    %dot_general3A_412 = tpu.matmul %max3A_410, %select_n3A_152, %dot_general3A_411 {dimension_numbers = #tpu.dot_dimension_numbers<[1], [0], [0], [1], [0, 0, 1, 1], [], []>, transpose_lhs_hint = false} : vector<512x832xf32>, vector<832x26xf32>, vector<512x26xf32> -> vector<512x26xf32>
    %swap3A_413 = arith.constant 0 : index
    %swap3A_414 = arith.constant 364 : index
    %swap3A_415 = vector.load %arg5[%swap3A_413, %swap3A_414] : memref<512x650xf32, #tpu.memory_space<vmem>>, vector<512x26xf32>
    tpu.vector_store %arg5[%swap3A_413, %swap3A_414], %dot_general3A_412 {strides = array<i32>} : memref<512x650xf32, #tpu.memory_space<vmem>>, vector<512x26xf32>,
    %reduce_sum3A_416 = arith.constant dense<0.000000e+00> : vector<26xf32>
    %reduce_sum3A_417 = vector.multi_reduction <add>, %dot_general3A_412, %reduce_sum3A_416 [0] : vector<512x26xf32> to vector<26xf32>
    %broadcast_in_dim3A_418 = vector.shape_cast %reduce_sum3A_417 : vector<26xf32> to vector<1x26xf32>
    %slice3A_419 = vector.extract_strided_slice %concatenate3A_116 {offsets = [0, 512], sizes = [512, 320], strides = [1, 1]} : vector<512x832xf32> to vector<512x320xf32>
    %broadcast_in_dim3A_420 = arith.constant 0.000000e+00 : f32
    %broadcast_in_dim3A_421 = vector.broadcast %broadcast_in_dim3A_420 : f32 to vector<512x512xf32>
    %concatenate3A_422 = tpu.concatenate %slice3A_419, %broadcast_in_dim3A_421 in 1 : vector<512x320xf32>, vector<512x512xf32> -> vector<512x832xf32>
    %add3A_423 = arith.addf %concatenate3A, %concatenate3A_422 : vector<512x832xf32>
    %add3A_424 = vector.broadcast %concatenate3A_120 : vector<1x832xf32> to vector<512x832xf32>
    %add3A_425 = arith.addf %add3A_423, %add3A_424 : vector<512x832xf32>
    %max3A_426 = arith.constant 0.000000e+00 : f32
    %max3A_427 = vector.broadcast %max3A_426 : f32 to vector<512x832xf32>
    %max3A_428 = arith.maximumf %add3A_425, %max3A_427 : vector<512x832xf32>
    %dot_general3A_429 = arith.constant dense<0.000000e+00> : vector<512x26xf32>
    %dot_general3A_430 = tpu.matmul %max3A_428, %select_n3A_152, %dot_general3A_429 {dimension_numbers = #tpu.dot_dimension_numbers<[1], [0], [0], [1], [0, 0, 1, 1], [], []>, transpose_lhs_hint = false} : vector<512x832xf32>, vector<832x26xf32>, vector<512x26xf32> -> vector<512x26xf32>
    %swap3A_431 = arith.constant 0 : index
    %swap3A_432 = arith.constant 390 : index
    %swap3A_433 = vector.load %arg5[%swap3A_431, %swap3A_432] : memref<512x650xf32, #tpu.memory_space<vmem>>, vector<512x26xf32>
    tpu.vector_store %arg5[%swap3A_431, %swap3A_432], %dot_general3A_430 {strides = array<i32>} : memref<512x650xf32, #tpu.memory_space<vmem>>, vector<512x26xf32>,
    %reduce_sum3A_434 = arith.constant dense<0.000000e+00> : vector<26xf32>
    %reduce_sum3A_435 = vector.multi_reduction <add>, %dot_general3A_430, %reduce_sum3A_434 [0] : vector<512x26xf32> to vector<26xf32>
    %broadcast_in_dim3A_436 = vector.shape_cast %reduce_sum3A_435 : vector<26xf32> to vector<1x26xf32>
    %slice3A_437 = vector.extract_strided_slice %concatenate3A_116 {offsets = [0, 544], sizes = [512, 288], strides = [1, 1]} : vector<512x832xf32> to vector<512x288xf32>
    %broadcast_in_dim3A_438 = arith.constant 0.000000e+00 : f32
    %broadcast_in_dim3A_439 = vector.broadcast %broadcast_in_dim3A_438 : f32 to vector<512x544xf32>
    %concatenate3A_440 = tpu.concatenate %slice3A_437, %broadcast_in_dim3A_439 in 1 : vector<512x288xf32>, vector<512x544xf32> -> vector<512x832xf32>
    %add3A_441 = arith.addf %concatenate3A, %concatenate3A_440 : vector<512x832xf32>
    %add3A_442 = vector.broadcast %concatenate3A_120 : vector<1x832xf32> to vector<512x832xf32>
    %add3A_443 = arith.addf %add3A_441, %add3A_442 : vector<512x832xf32>
    %max3A_444 = arith.constant 0.000000e+00 : f32
    %max3A_445 = vector.broadcast %max3A_444 : f32 to vector<512x832xf32>
    %max3A_446 = arith.maximumf %add3A_443, %max3A_445 : vector<512x832xf32>
    %dot_general3A_447 = arith.constant dense<0.000000e+00> : vector<512x26xf32>
    %dot_general3A_448 = tpu.matmul %max3A_446, %select_n3A_152, %dot_general3A_447 {dimension_numbers = #tpu.dot_dimension_numbers<[1], [0], [0], [1], [0, 0, 1, 1], [], []>, transpose_lhs_hint = false} : vector<512x832xf32>, vector<832x26xf32>, vector<512x26xf32> -> vector<512x26xf32>
    %swap3A_449 = arith.constant 0 : index
    %swap3A_450 = arith.constant 416 : index
    %swap3A_451 = vector.load %arg5[%swap3A_449, %swap3A_450] : memref<512x650xf32, #tpu.memory_space<vmem>>, vector<512x26xf32>
    tpu.vector_store %arg5[%swap3A_449, %swap3A_450], %dot_general3A_448 {strides = array<i32>} : memref<512x650xf32, #tpu.memory_space<vmem>>, vector<512x26xf32>,
    %reduce_sum3A_452 = arith.constant dense<0.000000e+00> : vector<26xf32>
    %reduce_sum3A_453 = vector.multi_reduction <add>, %dot_general3A_448, %reduce_sum3A_452 [0] : vector<512x26xf32> to vector<26xf32>
    %broadcast_in_dim3A_454 = vector.shape_cast %reduce_sum3A_453 : vector<26xf32> to vector<1x26xf32>
    %slice3A_455 = vector.extract_strided_slice %concatenate3A_116 {offsets = [0, 576], sizes = [512, 256], strides = [1, 1]} : vector<512x832xf32> to vector<512x256xf32>
    %broadcast_in_dim3A_456 = arith.constant 0.000000e+00 : f32
    %broadcast_in_dim3A_457 = vector.broadcast %broadcast_in_dim3A_456 : f32 to vector<512x576xf32>
    %concatenate3A_458 = tpu.concatenate %slice3A_455, %broadcast_in_dim3A_457 in 1 : vector<512x256xf32>, vector<512x576xf32> -> vector<512x832xf32>
    %add3A_459 = arith.addf %concatenate3A, %concatenate3A_458 : vector<512x832xf32>
    %add3A_460 = vector.broadcast %concatenate3A_120 : vector<1x832xf32> to vector<512x832xf32>
    %add3A_461 = arith.addf %add3A_459, %add3A_460 : vector<512x832xf32>
    %max3A_462 = arith.constant 0.000000e+00 : f32
    %max3A_463 = vector.broadcast %max3A_462 : f32 to vector<512x832xf32>
    %max3A_464 = arith.maximumf %add3A_461, %max3A_463 : vector<512x832xf32>
    %dot_general3A_465 = arith.constant dense<0.000000e+00> : vector<512x26xf32>
    %dot_general3A_466 = tpu.matmul %max3A_464, %select_n3A_152, %dot_general3A_465 {dimension_numbers = #tpu.dot_dimension_numbers<[1], [0], [0], [1], [0, 0, 1, 1], [], []>, transpose_lhs_hint = false} : vector<512x832xf32>, vector<832x26xf32>, vector<512x26xf32> -> vector<512x26xf32>
    %swap3A_467 = arith.constant 0 : index
    %swap3A_468 = arith.constant 442 : index
    %swap3A_469 = vector.load %arg5[%swap3A_467, %swap3A_468] : memref<512x650xf32, #tpu.memory_space<vmem>>, vector<512x26xf32>
    tpu.vector_store %arg5[%swap3A_467, %swap3A_468], %dot_general3A_466 {strides = array<i32>} : memref<512x650xf32, #tpu.memory_space<vmem>>, vector<512x26xf32>,
    %reduce_sum3A_470 = arith.constant dense<0.000000e+00> : vector<26xf32>
    %reduce_sum3A_471 = vector.multi_reduction <add>, %dot_general3A_466, %reduce_sum3A_470 [0] : vector<512x26xf32> to vector<26xf32>
    %broadcast_in_dim3A_472 = vector.shape_cast %reduce_sum3A_471 : vector<26xf32> to vector<1x26xf32>
    %slice3A_473 = vector.extract_strided_slice %concatenate3A_116 {offsets = [0, 608], sizes = [512, 224], strides = [1, 1]} : vector<512x832xf32> to vector<512x224xf32>
    %broadcast_in_dim3A_474 = arith.constant 0.000000e+00 : f32
    %broadcast_in_dim3A_475 = vector.broadcast %broadcast_in_dim3A_474 : f32 to vector<512x608xf32>
    %concatenate3A_476 = tpu.concatenate %slice3A_473, %broadcast_in_dim3A_475 in 1 : vector<512x224xf32>, vector<512x608xf32> -> vector<512x832xf32>
    %add3A_477 = arith.addf %concatenate3A, %concatenate3A_476 : vector<512x832xf32>
    %add3A_478 = vector.broadcast %concatenate3A_120 : vector<1x832xf32> to vector<512x832xf32>
    %add3A_479 = arith.addf %add3A_477, %add3A_478 : vector<512x832xf32>
    %max3A_480 = arith.constant 0.000000e+00 : f32
    %max3A_481 = vector.broadcast %max3A_480 : f32 to vector<512x832xf32>
    %max3A_482 = arith.maximumf %add3A_479, %max3A_481 : vector<512x832xf32>
    %dot_general3A_483 = arith.constant dense<0.000000e+00> : vector<512x26xf32>
    %dot_general3A_484 = tpu.matmul %max3A_482, %select_n3A_152, %dot_general3A_483 {dimension_numbers = #tpu.dot_dimension_numbers<[1], [0], [0], [1], [0, 0, 1, 1], [], []>, transpose_lhs_hint = false} : vector<512x832xf32>, vector<832x26xf32>, vector<512x26xf32> -> vector<512x26xf32>
    %swap3A_485 = arith.constant 0 : index
    %swap3A_486 = arith.constant 468 : index
    %swap3A_487 = vector.load %arg5[%swap3A_485, %swap3A_486] : memref<512x650xf32, #tpu.memory_space<vmem>>, vector<512x26xf32>
    tpu.vector_store %arg5[%swap3A_485, %swap3A_486], %dot_general3A_484 {strides = array<i32>} : memref<512x650xf32, #tpu.memory_space<vmem>>, vector<512x26xf32>,
    %reduce_sum3A_488 = arith.constant dense<0.000000e+00> : vector<26xf32>
    %reduce_sum3A_489 = vector.multi_reduction <add>, %dot_general3A_484, %reduce_sum3A_488 [0] : vector<512x26xf32> to vector<26xf32>
    %broadcast_in_dim3A_490 = vector.shape_cast %reduce_sum3A_489 : vector<26xf32> to vector<1x26xf32>
    %slice3A_491 = vector.extract_strided_slice %concatenate3A_116 {offsets = [0, 640], sizes = [512, 192], strides = [1, 1]} : vector<512x832xf32> to vector<512x192xf32>
    %broadcast_in_dim3A_492 = arith.constant 0.000000e+00 : f32
    %broadcast_in_dim3A_493 = vector.broadcast %broadcast_in_dim3A_492 : f32 to vector<512x640xf32>
    %concatenate3A_494 = tpu.concatenate %slice3A_491, %broadcast_in_dim3A_493 in 1 : vector<512x192xf32>, vector<512x640xf32> -> vector<512x832xf32>
    %add3A_495 = arith.addf %concatenate3A, %concatenate3A_494 : vector<512x832xf32>
    %add3A_496 = vector.broadcast %concatenate3A_120 : vector<1x832xf32> to vector<512x832xf32>
    %add3A_497 = arith.addf %add3A_495, %add3A_496 : vector<512x832xf32>
    %max3A_498 = arith.constant 0.000000e+00 : f32
    %max3A_499 = vector.broadcast %max3A_498 : f32 to vector<512x832xf32>
    %max3A_500 = arith.maximumf %add3A_497, %max3A_499 : vector<512x832xf32>
    %dot_general3A_501 = arith.constant dense<0.000000e+00> : vector<512x26xf32>
    %dot_general3A_502 = tpu.matmul %max3A_500, %select_n3A_152, %dot_general3A_501 {dimension_numbers = #tpu.dot_dimension_numbers<[1], [0], [0], [1], [0, 0, 1, 1], [], []>, transpose_lhs_hint = false} : vector<512x832xf32>, vector<832x26xf32>, vector<512x26xf32> -> vector<512x26xf32>
    %swap3A_503 = arith.constant 0 : index
    %swap3A_504 = arith.constant 494 : index
    %swap3A_505 = vector.load %arg5[%swap3A_503, %swap3A_504] : memref<512x650xf32, #tpu.memory_space<vmem>>, vector<512x26xf32>
    tpu.vector_store %arg5[%swap3A_503, %swap3A_504], %dot_general3A_502 {strides = array<i32>} : memref<512x650xf32, #tpu.memory_space<vmem>>, vector<512x26xf32>,
    %reduce_sum3A_506 = arith.constant dense<0.000000e+00> : vector<26xf32>
    %reduce_sum3A_507 = vector.multi_reduction <add>, %dot_general3A_502, %reduce_sum3A_506 [0] : vector<512x26xf32> to vector<26xf32>
    %broadcast_in_dim3A_508 = vector.shape_cast %reduce_sum3A_507 : vector<26xf32> to vector<1x26xf32>
    %slice3A_509 = vector.extract_strided_slice %concatenate3A_116 {offsets = [0, 672], sizes = [512, 160], strides = [1, 1]} : vector<512x832xf32> to vector<512x160xf32>
    %broadcast_in_dim3A_510 = arith.constant 0.000000e+00 : f32
    %broadcast_in_dim3A_511 = vector.broadcast %broadcast_in_dim3A_510 : f32 to vector<512x672xf32>
    %concatenate3A_512 = tpu.concatenate %slice3A_509, %broadcast_in_dim3A_511 in 1 : vector<512x160xf32>, vector<512x672xf32> -> vector<512x832xf32>
    %add3A_513 = arith.addf %concatenate3A, %concatenate3A_512 : vector<512x832xf32>
    %add3A_514 = vector.broadcast %concatenate3A_120 : vector<1x832xf32> to vector<512x832xf32>
    %add3A_515 = arith.addf %add3A_513, %add3A_514 : vector<512x832xf32>
    %max3A_516 = arith.constant 0.000000e+00 : f32
    %max3A_517 = vector.broadcast %max3A_516 : f32 to vector<512x832xf32>
    %max3A_518 = arith.maximumf %add3A_515, %max3A_517 : vector<512x832xf32>
    %dot_general3A_519 = arith.constant dense<0.000000e+00> : vector<512x26xf32>
    %dot_general3A_520 = tpu.matmul %max3A_518, %select_n3A_152, %dot_general3A_519 {dimension_numbers = #tpu.dot_dimension_numbers<[1], [0], [0], [1], [0, 0, 1, 1], [], []>, transpose_lhs_hint = false} : vector<512x832xf32>, vector<832x26xf32>, vector<512x26xf32> -> vector<512x26xf32>
    %swap3A_521 = arith.constant 0 : index
    %swap3A_522 = arith.constant 520 : index
    %swap3A_523 = vector.load %arg5[%swap3A_521, %swap3A_522] : memref<512x650xf32, #tpu.memory_space<vmem>>, vector<512x26xf32>
    tpu.vector_store %arg5[%swap3A_521, %swap3A_522], %dot_general3A_520 {strides = array<i32>} : memref<512x650xf32, #tpu.memory_space<vmem>>, vector<512x26xf32>,
    %reduce_sum3A_524 = arith.constant dense<0.000000e+00> : vector<26xf32>
    %reduce_sum3A_525 = vector.multi_reduction <add>, %dot_general3A_520, %reduce_sum3A_524 [0] : vector<512x26xf32> to vector<26xf32>
    %broadcast_in_dim3A_526 = vector.shape_cast %reduce_sum3A_525 : vector<26xf32> to vector<1x26xf32>
    %slice3A_527 = vector.extract_strided_slice %concatenate3A_116 {offsets = [0, 704], sizes = [512, 128], strides = [1, 1]} : vector<512x832xf32> to vector<512x128xf32>
    %broadcast_in_dim3A_528 = arith.constant 0.000000e+00 : f32
    %broadcast_in_dim3A_529 = vector.broadcast %broadcast_in_dim3A_528 : f32 to vector<512x704xf32>
    %concatenate3A_530 = tpu.concatenate %slice3A_527, %broadcast_in_dim3A_529 in 1 : vector<512x128xf32>, vector<512x704xf32> -> vector<512x832xf32>
    %add3A_531 = arith.addf %concatenate3A, %concatenate3A_530 : vector<512x832xf32>
    %add3A_532 = vector.broadcast %concatenate3A_120 : vector<1x832xf32> to vector<512x832xf32>
    %add3A_533 = arith.addf %add3A_531, %add3A_532 : vector<512x832xf32>
    %max3A_534 = arith.constant 0.000000e+00 : f32
    %max3A_535 = vector.broadcast %max3A_534 : f32 to vector<512x832xf32>
    %max3A_536 = arith.maximumf %add3A_533, %max3A_535 : vector<512x832xf32>
    %dot_general3A_537 = arith.constant dense<0.000000e+00> : vector<512x26xf32>
    %dot_general3A_538 = tpu.matmul %max3A_536, %select_n3A_152, %dot_general3A_537 {dimension_numbers = #tpu.dot_dimension_numbers<[1], [0], [0], [1], [0, 0, 1, 1], [], []>, transpose_lhs_hint = false} : vector<512x832xf32>, vector<832x26xf32>, vector<512x26xf32> -> vector<512x26xf32>
    %swap3A_539 = arith.constant 0 : index
    %swap3A_540 = arith.constant 546 : index
    %swap3A_541 = vector.load %arg5[%swap3A_539, %swap3A_540] : memref<512x650xf32, #tpu.memory_space<vmem>>, vector<512x26xf32>
    tpu.vector_store %arg5[%swap3A_539, %swap3A_540], %dot_general3A_538 {strides = array<i32>} : memref<512x650xf32, #tpu.memory_space<vmem>>, vector<512x26xf32>,
    %reduce_sum3A_542 = arith.constant dense<0.000000e+00> : vector<26xf32>
    %reduce_sum3A_543 = vector.multi_reduction <add>, %dot_general3A_538, %reduce_sum3A_542 [0] : vector<512x26xf32> to vector<26xf32>
    %broadcast_in_dim3A_544 = vector.shape_cast %reduce_sum3A_543 : vector<26xf32> to vector<1x26xf32>
    %slice3A_545 = vector.extract_strided_slice %concatenate3A_116 {offsets = [0, 736], sizes = [512, 96], strides = [1, 1]} : vector<512x832xf32> to vector<512x96xf32>
    %broadcast_in_dim3A_546 = arith.constant 0.000000e+00 : f32
    %broadcast_in_dim3A_547 = vector.broadcast %broadcast_in_dim3A_546 : f32 to vector<512x736xf32>
    %concatenate3A_548 = tpu.concatenate %slice3A_545, %broadcast_in_dim3A_547 in 1 : vector<512x96xf32>, vector<512x736xf32> -> vector<512x832xf32>
    %add3A_549 = arith.addf %concatenate3A, %concatenate3A_548 : vector<512x832xf32>
    %add3A_550 = vector.broadcast %concatenate3A_120 : vector<1x832xf32> to vector<512x832xf32>
    %add3A_551 = arith.addf %add3A_549, %add3A_550 : vector<512x832xf32>
    %max3A_552 = arith.constant 0.000000e+00 : f32
    %max3A_553 = vector.broadcast %max3A_552 : f32 to vector<512x832xf32>
    %max3A_554 = arith.maximumf %add3A_551, %max3A_553 : vector<512x832xf32>
    %dot_general3A_555 = arith.constant dense<0.000000e+00> : vector<512x26xf32>
    %dot_general3A_556 = tpu.matmul %max3A_554, %select_n3A_152, %dot_general3A_555 {dimension_numbers = #tpu.dot_dimension_numbers<[1], [0], [0], [1], [0, 0, 1, 1], [], []>, transpose_lhs_hint = false} : vector<512x832xf32>, vector<832x26xf32>, vector<512x26xf32> -> vector<512x26xf32>
    %swap3A_557 = arith.constant 0 : index
    %swap3A_558 = arith.constant 572 : index
    %swap3A_559 = vector.load %arg5[%swap3A_557, %swap3A_558] : memref<512x650xf32, #tpu.memory_space<vmem>>, vector<512x26xf32>
    tpu.vector_store %arg5[%swap3A_557, %swap3A_558], %dot_general3A_556 {strides = array<i32>} : memref<512x650xf32, #tpu.memory_space<vmem>>, vector<512x26xf32>,
    %reduce_sum3A_560 = arith.constant dense<0.000000e+00> : vector<26xf32>
    %reduce_sum3A_561 = vector.multi_reduction <add>, %dot_general3A_556, %reduce_sum3A_560 [0] : vector<512x26xf32> to vector<26xf32>
    %broadcast_in_dim3A_562 = vector.shape_cast %reduce_sum3A_561 : vector<26xf32> to vector<1x26xf32>
    %slice3A_563 = vector.extract_strided_slice %concatenate3A_116 {offsets = [0, 768], sizes = [512, 64], strides = [1, 1]} : vector<512x832xf32> to vector<512x64xf32>
    %broadcast_in_dim3A_564 = arith.constant 0.000000e+00 : f32
    %broadcast_in_dim3A_565 = vector.broadcast %broadcast_in_dim3A_564 : f32 to vector<512x768xf32>
    %concatenate3A_566 = tpu.concatenate %slice3A_563, %broadcast_in_dim3A_565 in 1 : vector<512x64xf32>, vector<512x768xf32> -> vector<512x832xf32>
    %add3A_567 = arith.addf %concatenate3A, %concatenate3A_566 : vector<512x832xf32>
    %add3A_568 = vector.broadcast %concatenate3A_120 : vector<1x832xf32> to vector<512x832xf32>
    %add3A_569 = arith.addf %add3A_567, %add3A_568 : vector<512x832xf32>
    %max3A_570 = arith.constant 0.000000e+00 : f32
    %max3A_571 = vector.broadcast %max3A_570 : f32 to vector<512x832xf32>
    %max3A_572 = arith.maximumf %add3A_569, %max3A_571 : vector<512x832xf32>
    %dot_general3A_573 = arith.constant dense<0.000000e+00> : vector<512x26xf32>
    %dot_general3A_574 = tpu.matmul %max3A_572, %select_n3A_152, %dot_general3A_573 {dimension_numbers = #tpu.dot_dimension_numbers<[1], [0], [0], [1], [0, 0, 1, 1], [], []>, transpose_lhs_hint = false} : vector<512x832xf32>, vector<832x26xf32>, vector<512x26xf32> -> vector<512x26xf32>
    %swap3A_575 = arith.constant 0 : index
    %swap3A_576 = arith.constant 598 : index
    %swap3A_577 = vector.load %arg5[%swap3A_575, %swap3A_576] : memref<512x650xf32, #tpu.memory_space<vmem>>, vector<512x26xf32>
    tpu.vector_store %arg5[%swap3A_575, %swap3A_576], %dot_general3A_574 {strides = array<i32>} : memref<512x650xf32, #tpu.memory_space<vmem>>, vector<512x26xf32>,
    %reduce_sum3A_578 = arith.constant dense<0.000000e+00> : vector<26xf32>
    %reduce_sum3A_579 = vector.multi_reduction <add>, %dot_general3A_574, %reduce_sum3A_578 [0] : vector<512x26xf32> to vector<26xf32>
    %broadcast_in_dim3A_580 = vector.shape_cast %reduce_sum3A_579 : vector<26xf32> to vector<1x26xf32>
    %slice3A_581 = vector.extract_strided_slice %concatenate3A_116 {offsets = [0, 800], sizes = [512, 32], strides = [1, 1]} : vector<512x832xf32> to vector<512x32xf32>
    %broadcast_in_dim3A_582 = arith.constant 0.000000e+00 : f32
    %broadcast_in_dim3A_583 = vector.broadcast %broadcast_in_dim3A_582 : f32 to vector<512x800xf32>
    %concatenate3A_584 = tpu.concatenate %slice3A_581, %broadcast_in_dim3A_583 in 1 : vector<512x32xf32>, vector<512x800xf32> -> vector<512x832xf32>
    %add3A_585 = arith.addf %concatenate3A, %concatenate3A_584 : vector<512x832xf32>
    %add3A_586 = vector.broadcast %concatenate3A_120 : vector<1x832xf32> to vector<512x832xf32>
    %add3A_587 = arith.addf %add3A_585, %add3A_586 : vector<512x832xf32>
    %max3A_588 = arith.constant 0.000000e+00 : f32
    %max3A_589 = vector.broadcast %max3A_588 : f32 to vector<512x832xf32>
    %max3A_590 = arith.maximumf %add3A_587, %max3A_589 : vector<512x832xf32>
    %dot_general3A_591 = arith.constant dense<0.000000e+00> : vector<512x26xf32>
    %dot_general3A_592 = tpu.matmul %max3A_590, %select_n3A_152, %dot_general3A_591 {dimension_numbers = #tpu.dot_dimension_numbers<[1], [0], [0], [1], [0, 0, 1, 1], [], []>, transpose_lhs_hint = false} : vector<512x832xf32>, vector<832x26xf32>, vector<512x26xf32> -> vector<512x26xf32>
    %swap3A_593 = arith.constant 0 : index
    %swap3A_594 = arith.constant 624 : index
    %swap3A_595 = vector.load %arg5[%swap3A_593, %swap3A_594] : memref<512x650xf32, #tpu.memory_space<vmem>>, vector<512x26xf32>
    tpu.vector_store %arg5[%swap3A_593, %swap3A_594], %dot_general3A_592 {strides = array<i32>} : memref<512x650xf32, #tpu.memory_space<vmem>>, vector<512x26xf32>,
    %reduce_sum3A_596 = arith.constant dense<0.000000e+00> : vector<26xf32>
    %reduce_sum3A_597 = vector.multi_reduction <add>, %dot_general3A_592, %reduce_sum3A_596 [0] : vector<512x26xf32> to vector<26xf32>
    %broadcast_in_dim3A_598 = vector.shape_cast %reduce_sum3A_597 : vector<26xf32> to vector<1x26xf32>
    %concatenate3A_599 = tpu.concatenate %broadcast_in_dim3A_166, %broadcast_in_dim3A_184, %broadcast_in_dim3A_202, %broadcast_in_dim3A_220, %broadcast_in_dim3A_238, %broadcast_in_dim3A_256, %broadcast_in_dim3A_274, %broadcast_in_dim3A_292, %broadcast_in_dim3A_310, %broadcast_in_dim3A_328, %broadcast_in_dim3A_346, %broadcast_in_dim3A_364, %broadcast_in_dim3A_382, %broadcast_in_dim3A_400, %broadcast_in_dim3A_418, %broadcast_in_dim3A_436, %broadcast_in_dim3A_454, %broadcast_in_dim3A_472, %broadcast_in_dim3A_490, %broadcast_in_dim3A_508, %broadcast_in_dim3A_526, %broadcast_in_dim3A_544, %broadcast_in_dim3A_562, %broadcast_in_dim3A_580, %broadcast_in_dim3A_598 in 1 : vector<1x26xf32>, vector<1x26xf32>, vector<1x26xf32>, vector<1x26xf32>, vector<1x26xf32>, vector<1x26xf32>, vector<1x26xf32>, vector<1x26xf32>, vector<1x26xf32>, vector<1x26xf32>, vector<1x26xf32>, vector<1x26xf32>, vector<1x26xf32>, vector<1x26xf32>, vector<1x26xf32>, vector<1x26xf32>, vector<1x26xf32>, vector<1x26xf32>, vector<1x26xf32>, vector<1x26xf32>, vector<1x26xf32>, vector<1x26xf32>, vector<1x26xf32>, vector<1x26xf32>, vector<1x26xf32> -> vector<1x650xf32>
    %eq3A_600 = arith.constant 0 : i32
    %eq3A_601 = arith.cmpi eq, %arg0, %eq3A_600 : i32
    %convert_element_type3A = arith.extui %eq3A_601 : i1 to i32
    %cond3A = arith.constant 0 : i32
    %cond3A_602 = arith.cmpi ne, %convert_element_type3A, %cond3A : i32
    scf.if %cond3A_602 {
      %swap3A_608 = arith.constant 0 : index
      %swap3A_609 = arith.constant 0 : index
      %swap3A_610 = vector.load %arg6[%swap3A_608, %swap3A_609] : memref<1x650xf32, #tpu.memory_space<vmem>>, vector<1x650xf32>
      tpu.vector_store %arg6[%swap3A_608, %swap3A_609], %concatenate3A_599 {strides = array<i32>} : memref<1x650xf32, #tpu.memory_space<vmem>>, vector<1x650xf32>,
    } else {
    }
    %ne3A_603 = arith.constant 0 : i32
    %ne3A_604 = arith.cmpi ne, %arg0, %ne3A_603 : i32
    %convert_element_type3A_605 = arith.extui %ne3A_604 : i1 to i32
    %cond3A_606 = arith.constant 0 : i32
    %cond3A_607 = arith.cmpi ne, %convert_element_type3A_605, %cond3A_606 : i32
    scf.if %cond3A_607 {
      %get3A_608 = arith.constant 0 : index
      %get3A_609 = arith.constant 0 : index
      %get3A_610 = vector.load %arg6[%get3A_608, %get3A_609] : memref<1x650xf32, #tpu.memory_space<vmem>>, vector<1x650xf32>
      %add3A_611 = arith.addf %get3A_610, %concatenate3A_599 : vector<1x650xf32>
      %swap3A_612 = arith.constant 0 : index
      %swap3A_613 = arith.constant 0 : index
      %swap3A_614 = vector.load %arg6[%swap3A_612, %swap3A_613] : memref<1x650xf32, #tpu.memory_space<vmem>>, vector<1x650xf32>
      tpu.vector_store %arg6[%swap3A_612, %swap3A_613], %add3A_611 {strides = array<i32>} : memref<1x650xf32, #tpu.memory_space<vmem>>, vector<1x650xf32>,
    } else {
    }
    return
  }
  func.func @transform_0(%arg0: i32) -> (i32, i32, i32) {
    %c0_i32 = arith.constant 0 : i32
    %c0_i32_0 = arith.constant 0 : i32
    %c0_i32_1 = arith.constant 0 : i32
    return %c0_i32, %arg0, %c0_i32_0 : i32, i32, i32
  }
  func.func @transform_1(%arg0: i32) -> (i32, i32) {
    %c0_i32 = arith.constant 0 : i32
    %c0_i32_0 = arith.constant 0 : i32
    %c0_i32_1 = arith.constant 0 : i32
    return %c0_i32, %c0_i32_0 : i32, i32
  }
  func.func @transform_2(%arg0: i32) -> (i32, i32) {
    %c0_i32 = arith.constant 0 : i32
    %c0_i32_0 = arith.constant 0 : i32
    %c0_i32_1 = arith.constant 0 : i32
    return %c0_i32, %c0_i32_0 : i32, i32
  }
  func.func @transform_3(%arg0: i32) -> (i32, i32) {
    %c0_i32 = arith.constant 0 : i32
    %c0_i32_0 = arith.constant 0 : i32
    %c0_i32_1 = arith.constant 0 : i32
    return %c0_i32, %c0_i32_0 : i32, i32
  }
  func.func @transform_4(%arg0: i32) -> (i32, i32) {
    %c0_i32 = arith.constant 0 : i32
    %c0_i32_0 = arith.constant 0 : i32
    return %arg0, %c0_i32 : i32, i32
  }
  func.func @transform_5(%arg0: i32) -> (i32, i32) {
    %c0_i32 = arith.constant 0 : i32
    %c0_i32_0 = arith.constant 0 : i32
    %c0_i32_1 = arith.constant 0 : i32
    return %c0_i32, %c0_i32_0 : i32, i32
  }
}

module attributes {stable_mosaic.version = 14 : i64} {
  func.func @_tc_mask_body(%arg0: memref<1x650xf32, #tpu.memory_space<vmem>>, %arg1: memref<1x650xf32, #tpu.memory_space<vmem>>) attributes {dimension_semantics = [], scalar_prefetch = 0 : i64, scratch_operands = 0 : i64, tpu.core_type = #tpu.core_type<tc>} {
    %get3A = arith.constant 0 : index
    %get3A_0 = arith.constant 0 : index
    %get3A_1 = vector.load %arg0[%get3A, %get3A_0] : memref<1x650xf32, #tpu.memory_space<vmem>>, vector<1x650xf32>
    %iota3A = tpu.iota {dimensions = array<i32: 1>} : vector<1x650xi32>
    %jit3A = arith.constant 26 : i32
    %div3A = vector.broadcast %jit3A : i32 to vector<1x650xi32>
    %div3A_2 = arith.divsi %iota3A, %div3A : vector<1x650xi32>
    %sign3A = arith.constant 0 : i32
    %sign3A_3 = vector.broadcast %sign3A : i32 to vector<1x650xi32>
    %sign3A_4 = arith.cmpi sgt, %iota3A, %sign3A_3 : vector<1x650xi32>
    %sign3A_5 = arith.extui %sign3A_4 : vector<1x650xi1> to vector<1x650xi32>
    %sign3A_6 = arith.constant 0 : i32
    %sign3A_7 = vector.broadcast %sign3A_6 : i32 to vector<1x650xi32>
    %sign3A_8 = arith.cmpi slt, %iota3A, %sign3A_7 : vector<1x650xi32>
    %sign3A_9 = arith.extui %sign3A_8 : vector<1x650xi1> to vector<1x650xi32>
    %sign3A_10 = arith.subi %sign3A_5, %sign3A_9 : vector<1x650xi32>
    %sign3A_11 = arith.constant 0 : i32
    %sign3A_12 = arith.cmpi sgt, %jit3A, %sign3A_11 : i32
    %sign3A_13 = arith.extui %sign3A_12 : i1 to i32
    %sign3A_14 = arith.constant 0 : i32
    %sign3A_15 = arith.cmpi slt, %jit3A, %sign3A_14 : i32
    %sign3A_16 = arith.extui %sign3A_15 : i1 to i32
    %sign3A_17 = arith.subi %sign3A_13, %sign3A_16 : i32
    %ne3A = vector.broadcast %sign3A_17 : i32 to vector<1x650xi32>
    %ne3A_18 = arith.cmpi ne, %sign3A_10, %ne3A : vector<1x650xi32>
    %rem3A = vector.broadcast %jit3A : i32 to vector<1x650xi32>
    %rem3A_19 = arith.remsi %iota3A, %rem3A : vector<1x650xi32>
    %ne3A_20 = arith.constant 0 : i32
    %ne3A_21 = vector.broadcast %ne3A_20 : i32 to vector<1x650xi32>
    %ne3A_22 = arith.cmpi ne, %rem3A_19, %ne3A_21 : vector<1x650xi32>
    %and3A = arith.andi %ne3A_18, %ne3A_22 : vector<1x650xi1>
    %sub3A = arith.constant 1 : i32
    %sub3A_23 = vector.broadcast %sub3A : i32 to vector<1x650xi32>
    %sub3A_24 = arith.subi %div3A_2, %sub3A_23 : vector<1x650xi32>
    %select_n3A = arith.select %and3A, %sub3A_24, %div3A_2 : vector<1x650xi1>, vector<1x650xi32>
    %add3A = arith.constant 1 : i32
    %add3A_25 = vector.broadcast %add3A : i32 to vector<1x650xi32>
    %add3A_26 = arith.addi %select_n3A, %add3A_25 : vector<1x650xi32>
    %jit3A_27 = arith.constant 26 : i32
    %eq3A = arith.constant 0 : i32
    %eq3A_28 = arith.cmpi eq, %jit3A_27, %eq3A : i32
    %jit3A_29 = arith.constant 1 : i32
    %select_n3A_30 = arith.select %eq3A_28, %jit3A_29, %jit3A_27 : i32
    %rem3A_31 = vector.broadcast %select_n3A_30 : i32 to vector<1x650xi32>
    %rem3A_32 = arith.remsi %iota3A, %rem3A_31 : vector<1x650xi32>
    %ne3A_33 = arith.constant 0 : i32
    %ne3A_34 = vector.broadcast %ne3A_33 : i32 to vector<1x650xi32>
    %ne3A_35 = arith.cmpi ne, %rem3A_32, %ne3A_34 : vector<1x650xi32>
    %lt3A = arith.constant 0 : i32
    %lt3A_36 = vector.broadcast %lt3A : i32 to vector<1x650xi32>
    %lt3A_37 = arith.cmpi slt, %rem3A_32, %lt3A_36 : vector<1x650xi32>
    %lt3A_38 = arith.constant 0 : i32
    %lt3A_39 = arith.cmpi slt, %select_n3A_30, %lt3A_38 : i32
    %ne3A_40 = vector.broadcast %lt3A_39 : i1 to vector<1x650xi1>
    %ne3A_41 = vector.broadcast %ne3A_40 : vector<1x650xi1> to vector<1x650xi1>
    %ne3A_42 = arith.xori %lt3A_37, %ne3A_41 : vector<1x650xi1>
    %and3A_43 = arith.andi %ne3A_42, %ne3A_35 : vector<1x650xi1>
    %add3A_44 = vector.broadcast %select_n3A_30 : i32 to vector<1x650xi32>
    %add3A_45 = arith.addi %rem3A_32, %add3A_44 : vector<1x650xi32>
    %select_n3A_46 = arith.select %and3A_43, %add3A_45, %rem3A_32 : vector<1x650xi1>, vector<1x650xi32>
    %sub3A_47 = arith.constant 26 : i32
    %sub3A_48 = vector.broadcast %sub3A_47 : i32 to vector<1x650xi32>
    %sub3A_49 = arith.subi %sub3A_48, %add3A_26 : vector<1x650xi32>
    %lt3A_50 = arith.cmpi slt, %select_n3A_46, %sub3A_49 : vector<1x650xi32>
    %jit3A_51 = arith.constant -3.000000e+38 : f32
    %broadcast_in_dim3A = vector.broadcast %jit3A_51 : f32 to vector<1x650xf32>
    %select_n3A_52 = arith.select %lt3A_50, %get3A_1, %broadcast_in_dim3A : vector<1x650xi1>, vector<1x650xf32>
    %broadcast_in_dim3A_53 = arith.constant 0.000000e+00 : f32
    %broadcast_in_dim3A_54 = vector.broadcast %broadcast_in_dim3A_53 : f32 to vector<1x650xf32>
    %reduce_max3A = vector.shape_cast %select_n3A_52 : vector<1x650xf32> to vector<1x1x650xf32>
    %reduce_max3A_55 = arith.constant dense<0xFF800000> : vector<1xf32>
    %reduce_max3A_56 = vector.multi_reduction <maximumf>, %reduce_max3A, %reduce_max3A_55 [1, 2] : vector<1x1x650xf32> to vector<1xf32>
    %reduce_max3A_57 = vector.shape_cast %reduce_max3A_56 : vector<1xf32> to vector<1x1x1xf32>
    %reduce_max3A_58 = vector.extract %reduce_max3A_57[0, 0, 0] : f32 from vector<1x1x1xf32>
    %eq3A_59 = vector.broadcast %reduce_max3A_58 : f32 to vector<1x650xf32>
    %eq3A_60 = arith.cmpf oeq, %select_n3A_52, %eq3A_59 : vector<1x650xf32>
    %jit3A_61 = arith.constant 650 : i32
    %broadcast_in_dim3A_62 = vector.broadcast %jit3A_61 : i32 to vector<1x650xi32>
    %select_n3A_63 = arith.select %eq3A_60, %iota3A, %broadcast_in_dim3A_62 : vector<1x650xi1>, vector<1x650xi32>
    %reduce_min3A = vector.shape_cast %select_n3A_63 : vector<1x650xi32> to vector<1x1x650xi32>
    %reduce_min3A_64 = arith.constant dense<2147483647> : vector<1xi32>
    %reduce_min3A_65 = vector.multi_reduction <minsi>, %reduce_min3A, %reduce_min3A_64 [1, 2] : vector<1x1x650xi32> to vector<1xi32>
    %reduce_min3A_66 = vector.shape_cast %reduce_min3A_65 : vector<1xi32> to vector<1x1x1xi32>
    %reduce_min3A_67 = vector.extract %reduce_min3A_66[0, 0, 0] : i32 from vector<1x1x1xi32>
    %eq3A_68 = vector.broadcast %reduce_min3A_67 : i32 to vector<1x650xi32>
    %eq3A_69 = arith.cmpi eq, %iota3A, %eq3A_68 : vector<1x650xi32>
    %jit3A_70 = arith.constant 1.000000e+00 : f32
    %broadcast_in_dim3A_71 = vector.broadcast %jit3A_70 : f32 to vector<1x650xf32>
    %select_n3A_72 = arith.select %eq3A_69, %broadcast_in_dim3A_71, %broadcast_in_dim3A_54 : vector<1x650xi1>, vector<1x650xf32>
    %jit3A_73 = arith.constant -3.000000e+38 : f32
    %broadcast_in_dim3A_74 = vector.broadcast %jit3A_73 : f32 to vector<1x650xf32>
    %select_n3A_75 = arith.select %eq3A_69, %broadcast_in_dim3A_74, %select_n3A_52 : vector<1x650xi1>, vector<1x650xf32>
    %reduce_max3A_76 = vector.shape_cast %select_n3A_75 : vector<1x650xf32> to vector<1x1x650xf32>
    %reduce_max3A_77 = arith.constant dense<0xFF800000> : vector<1xf32>
    %reduce_max3A_78 = vector.multi_reduction <maximumf>, %reduce_max3A_76, %reduce_max3A_77 [1, 2] : vector<1x1x650xf32> to vector<1xf32>
    %reduce_max3A_79 = vector.shape_cast %reduce_max3A_78 : vector<1xf32> to vector<1x1x1xf32>
    %reduce_max3A_80 = vector.extract %reduce_max3A_79[0, 0, 0] : f32 from vector<1x1x1xf32>
    %eq3A_81 = vector.broadcast %reduce_max3A_80 : f32 to vector<1x650xf32>
    %eq3A_82 = arith.cmpf oeq, %select_n3A_75, %eq3A_81 : vector<1x650xf32>
    %jit3A_83 = arith.constant 650 : i32
    %broadcast_in_dim3A_84 = vector.broadcast %jit3A_83 : i32 to vector<1x650xi32>
    %select_n3A_85 = arith.select %eq3A_82, %iota3A, %broadcast_in_dim3A_84 : vector<1x650xi1>, vector<1x650xi32>
    %reduce_min3A_86 = vector.shape_cast %select_n3A_85 : vector<1x650xi32> to vector<1x1x650xi32>
    %reduce_min3A_87 = arith.constant dense<2147483647> : vector<1xi32>
    %reduce_min3A_88 = vector.multi_reduction <minsi>, %reduce_min3A_86, %reduce_min3A_87 [1, 2] : vector<1x1x650xi32> to vector<1xi32>
    %reduce_min3A_89 = vector.shape_cast %reduce_min3A_88 : vector<1xi32> to vector<1x1x1xi32>
    %reduce_min3A_90 = vector.extract %reduce_min3A_89[0, 0, 0] : i32 from vector<1x1x1xi32>
    %eq3A_91 = vector.broadcast %reduce_min3A_90 : i32 to vector<1x650xi32>
    %eq3A_92 = arith.cmpi eq, %iota3A, %eq3A_91 : vector<1x650xi32>
    %jit3A_93 = arith.constant 1.000000e+00 : f32
    %broadcast_in_dim3A_94 = vector.broadcast %jit3A_93 : f32 to vector<1x650xf32>
    %select_n3A_95 = arith.select %eq3A_92, %broadcast_in_dim3A_94, %select_n3A_72 : vector<1x650xi1>, vector<1x650xf32>
    %jit3A_96 = arith.constant -3.000000e+38 : f32
    %broadcast_in_dim3A_97 = vector.broadcast %jit3A_96 : f32 to vector<1x650xf32>
    %select_n3A_98 = arith.select %eq3A_92, %broadcast_in_dim3A_97, %select_n3A_75 : vector<1x650xi1>, vector<1x650xf32>
    %reduce_max3A_99 = vector.shape_cast %select_n3A_98 : vector<1x650xf32> to vector<1x1x650xf32>
    %reduce_max3A_100 = arith.constant dense<0xFF800000> : vector<1xf32>
    %reduce_max3A_101 = vector.multi_reduction <maximumf>, %reduce_max3A_99, %reduce_max3A_100 [1, 2] : vector<1x1x650xf32> to vector<1xf32>
    %reduce_max3A_102 = vector.shape_cast %reduce_max3A_101 : vector<1xf32> to vector<1x1x1xf32>
    %reduce_max3A_103 = vector.extract %reduce_max3A_102[0, 0, 0] : f32 from vector<1x1x1xf32>
    %eq3A_104 = vector.broadcast %reduce_max3A_103 : f32 to vector<1x650xf32>
    %eq3A_105 = arith.cmpf oeq, %select_n3A_98, %eq3A_104 : vector<1x650xf32>
    %jit3A_106 = arith.constant 650 : i32
    %broadcast_in_dim3A_107 = vector.broadcast %jit3A_106 : i32 to vector<1x650xi32>
    %select_n3A_108 = arith.select %eq3A_105, %iota3A, %broadcast_in_dim3A_107 : vector<1x650xi1>, vector<1x650xi32>
    %reduce_min3A_109 = vector.shape_cast %select_n3A_108 : vector<1x650xi32> to vector<1x1x650xi32>
    %reduce_min3A_110 = arith.constant dense<2147483647> : vector<1xi32>
    %reduce_min3A_111 = vector.multi_reduction <minsi>, %reduce_min3A_109, %reduce_min3A_110 [1, 2] : vector<1x1x650xi32> to vector<1xi32>
    %reduce_min3A_112 = vector.shape_cast %reduce_min3A_111 : vector<1xi32> to vector<1x1x1xi32>
    %reduce_min3A_113 = vector.extract %reduce_min3A_112[0, 0, 0] : i32 from vector<1x1x1xi32>
    %eq3A_114 = vector.broadcast %reduce_min3A_113 : i32 to vector<1x650xi32>
    %eq3A_115 = arith.cmpi eq, %iota3A, %eq3A_114 : vector<1x650xi32>
    %jit3A_116 = arith.constant 1.000000e+00 : f32
    %broadcast_in_dim3A_117 = vector.broadcast %jit3A_116 : f32 to vector<1x650xf32>
    %select_n3A_118 = arith.select %eq3A_115, %broadcast_in_dim3A_117, %select_n3A_95 : vector<1x650xi1>, vector<1x650xf32>
    %jit3A_119 = arith.constant -3.000000e+38 : f32
    %broadcast_in_dim3A_120 = vector.broadcast %jit3A_119 : f32 to vector<1x650xf32>
    %select_n3A_121 = arith.select %eq3A_115, %broadcast_in_dim3A_120, %select_n3A_98 : vector<1x650xi1>, vector<1x650xf32>
    %reduce_max3A_122 = vector.shape_cast %select_n3A_121 : vector<1x650xf32> to vector<1x1x650xf32>
    %reduce_max3A_123 = arith.constant dense<0xFF800000> : vector<1xf32>
    %reduce_max3A_124 = vector.multi_reduction <maximumf>, %reduce_max3A_122, %reduce_max3A_123 [1, 2] : vector<1x1x650xf32> to vector<1xf32>
    %reduce_max3A_125 = vector.shape_cast %reduce_max3A_124 : vector<1xf32> to vector<1x1x1xf32>
    %reduce_max3A_126 = vector.extract %reduce_max3A_125[0, 0, 0] : f32 from vector<1x1x1xf32>
    %eq3A_127 = vector.broadcast %reduce_max3A_126 : f32 to vector<1x650xf32>
    %eq3A_128 = arith.cmpf oeq, %select_n3A_121, %eq3A_127 : vector<1x650xf32>
    %jit3A_129 = arith.constant 650 : i32
    %broadcast_in_dim3A_130 = vector.broadcast %jit3A_129 : i32 to vector<1x650xi32>
    %select_n3A_131 = arith.select %eq3A_128, %iota3A, %broadcast_in_dim3A_130 : vector<1x650xi1>, vector<1x650xi32>
    %reduce_min3A_132 = vector.shape_cast %select_n3A_131 : vector<1x650xi32> to vector<1x1x650xi32>
    %reduce_min3A_133 = arith.constant dense<2147483647> : vector<1xi32>
    %reduce_min3A_134 = vector.multi_reduction <minsi>, %reduce_min3A_132, %reduce_min3A_133 [1, 2] : vector<1x1x650xi32> to vector<1xi32>
    %reduce_min3A_135 = vector.shape_cast %reduce_min3A_134 : vector<1xi32> to vector<1x1x1xi32>
    %reduce_min3A_136 = vector.extract %reduce_min3A_135[0, 0, 0] : i32 from vector<1x1x1xi32>
    %eq3A_137 = vector.broadcast %reduce_min3A_136 : i32 to vector<1x650xi32>
    %eq3A_138 = arith.cmpi eq, %iota3A, %eq3A_137 : vector<1x650xi32>
    %jit3A_139 = arith.constant 1.000000e+00 : f32
    %broadcast_in_dim3A_140 = vector.broadcast %jit3A_139 : f32 to vector<1x650xf32>
    %select_n3A_141 = arith.select %eq3A_138, %broadcast_in_dim3A_140, %select_n3A_118 : vector<1x650xi1>, vector<1x650xf32>
    %jit3A_142 = arith.constant -3.000000e+38 : f32
    %broadcast_in_dim3A_143 = vector.broadcast %jit3A_142 : f32 to vector<1x650xf32>
    %select_n3A_144 = arith.select %eq3A_138, %broadcast_in_dim3A_143, %select_n3A_121 : vector<1x650xi1>, vector<1x650xf32>
    %reduce_max3A_145 = vector.shape_cast %select_n3A_144 : vector<1x650xf32> to vector<1x1x650xf32>
    %reduce_max3A_146 = arith.constant dense<0xFF800000> : vector<1xf32>
    %reduce_max3A_147 = vector.multi_reduction <maximumf>, %reduce_max3A_145, %reduce_max3A_146 [1, 2] : vector<1x1x650xf32> to vector<1xf32>
    %reduce_max3A_148 = vector.shape_cast %reduce_max3A_147 : vector<1xf32> to vector<1x1x1xf32>
    %reduce_max3A_149 = vector.extract %reduce_max3A_148[0, 0, 0] : f32 from vector<1x1x1xf32>
    %eq3A_150 = vector.broadcast %reduce_max3A_149 : f32 to vector<1x650xf32>
    %eq3A_151 = arith.cmpf oeq, %select_n3A_144, %eq3A_150 : vector<1x650xf32>
    %jit3A_152 = arith.constant 650 : i32
    %broadcast_in_dim3A_153 = vector.broadcast %jit3A_152 : i32 to vector<1x650xi32>
    %select_n3A_154 = arith.select %eq3A_151, %iota3A, %broadcast_in_dim3A_153 : vector<1x650xi1>, vector<1x650xi32>
    %reduce_min3A_155 = vector.shape_cast %select_n3A_154 : vector<1x650xi32> to vector<1x1x650xi32>
    %reduce_min3A_156 = arith.constant dense<2147483647> : vector<1xi32>
    %reduce_min3A_157 = vector.multi_reduction <minsi>, %reduce_min3A_155, %reduce_min3A_156 [1, 2] : vector<1x1x650xi32> to vector<1xi32>
    %reduce_min3A_158 = vector.shape_cast %reduce_min3A_157 : vector<1xi32> to vector<1x1x1xi32>
    %reduce_min3A_159 = vector.extract %reduce_min3A_158[0, 0, 0] : i32 from vector<1x1x1xi32>
    %eq3A_160 = vector.broadcast %reduce_min3A_159 : i32 to vector<1x650xi32>
    %eq3A_161 = arith.cmpi eq, %iota3A, %eq3A_160 : vector<1x650xi32>
    %jit3A_162 = arith.constant 1.000000e+00 : f32
    %broadcast_in_dim3A_163 = vector.broadcast %jit3A_162 : f32 to vector<1x650xf32>
    %select_n3A_164 = arith.select %eq3A_161, %broadcast_in_dim3A_163, %select_n3A_141 : vector<1x650xi1>, vector<1x650xf32>
    %jit3A_165 = arith.constant -3.000000e+38 : f32
    %broadcast_in_dim3A_166 = vector.broadcast %jit3A_165 : f32 to vector<1x650xf32>
    %select_n3A_167 = arith.select %eq3A_161, %broadcast_in_dim3A_166, %select_n3A_144 : vector<1x650xi1>, vector<1x650xf32>
    %reduce_max3A_168 = vector.shape_cast %select_n3A_167 : vector<1x650xf32> to vector<1x1x650xf32>
    %reduce_max3A_169 = arith.constant dense<0xFF800000> : vector<1xf32>
    %reduce_max3A_170 = vector.multi_reduction <maximumf>, %reduce_max3A_168, %reduce_max3A_169 [1, 2] : vector<1x1x650xf32> to vector<1xf32>
    %reduce_max3A_171 = vector.shape_cast %reduce_max3A_170 : vector<1xf32> to vector<1x1x1xf32>
    %reduce_max3A_172 = vector.extract %reduce_max3A_171[0, 0, 0] : f32 from vector<1x1x1xf32>
    %eq3A_173 = vector.broadcast %reduce_max3A_172 : f32 to vector<1x650xf32>
    %eq3A_174 = arith.cmpf oeq, %select_n3A_167, %eq3A_173 : vector<1x650xf32>
    %jit3A_175 = arith.constant 650 : i32
    %broadcast_in_dim3A_176 = vector.broadcast %jit3A_175 : i32 to vector<1x650xi32>
    %select_n3A_177 = arith.select %eq3A_174, %iota3A, %broadcast_in_dim3A_176 : vector<1x650xi1>, vector<1x650xi32>
    %reduce_min3A_178 = vector.shape_cast %select_n3A_177 : vector<1x650xi32> to vector<1x1x650xi32>
    %reduce_min3A_179 = arith.constant dense<2147483647> : vector<1xi32>
    %reduce_min3A_180 = vector.multi_reduction <minsi>, %reduce_min3A_178, %reduce_min3A_179 [1, 2] : vector<1x1x650xi32> to vector<1xi32>
    %reduce_min3A_181 = vector.shape_cast %reduce_min3A_180 : vector<1xi32> to vector<1x1x1xi32>
    %reduce_min3A_182 = vector.extract %reduce_min3A_181[0, 0, 0] : i32 from vector<1x1x1xi32>
    %eq3A_183 = vector.broadcast %reduce_min3A_182 : i32 to vector<1x650xi32>
    %eq3A_184 = arith.cmpi eq, %iota3A, %eq3A_183 : vector<1x650xi32>
    %jit3A_185 = arith.constant 1.000000e+00 : f32
    %broadcast_in_dim3A_186 = vector.broadcast %jit3A_185 : f32 to vector<1x650xf32>
    %select_n3A_187 = arith.select %eq3A_184, %broadcast_in_dim3A_186, %select_n3A_164 : vector<1x650xi1>, vector<1x650xf32>
    %jit3A_188 = arith.constant -3.000000e+38 : f32
    %broadcast_in_dim3A_189 = vector.broadcast %jit3A_188 : f32 to vector<1x650xf32>
    %select_n3A_190 = arith.select %eq3A_184, %broadcast_in_dim3A_189, %select_n3A_167 : vector<1x650xi1>, vector<1x650xf32>
    %reduce_max3A_191 = vector.shape_cast %select_n3A_190 : vector<1x650xf32> to vector<1x1x650xf32>
    %reduce_max3A_192 = arith.constant dense<0xFF800000> : vector<1xf32>
    %reduce_max3A_193 = vector.multi_reduction <maximumf>, %reduce_max3A_191, %reduce_max3A_192 [1, 2] : vector<1x1x650xf32> to vector<1xf32>
    %reduce_max3A_194 = vector.shape_cast %reduce_max3A_193 : vector<1xf32> to vector<1x1x1xf32>
    %reduce_max3A_195 = vector.extract %reduce_max3A_194[0, 0, 0] : f32 from vector<1x1x1xf32>
    %eq3A_196 = vector.broadcast %reduce_max3A_195 : f32 to vector<1x650xf32>
    %eq3A_197 = arith.cmpf oeq, %select_n3A_190, %eq3A_196 : vector<1x650xf32>
    %jit3A_198 = arith.constant 650 : i32
    %broadcast_in_dim3A_199 = vector.broadcast %jit3A_198 : i32 to vector<1x650xi32>
    %select_n3A_200 = arith.select %eq3A_197, %iota3A, %broadcast_in_dim3A_199 : vector<1x650xi1>, vector<1x650xi32>
    %reduce_min3A_201 = vector.shape_cast %select_n3A_200 : vector<1x650xi32> to vector<1x1x650xi32>
    %reduce_min3A_202 = arith.constant dense<2147483647> : vector<1xi32>
    %reduce_min3A_203 = vector.multi_reduction <minsi>, %reduce_min3A_201, %reduce_min3A_202 [1, 2] : vector<1x1x650xi32> to vector<1xi32>
    %reduce_min3A_204 = vector.shape_cast %reduce_min3A_203 : vector<1xi32> to vector<1x1x1xi32>
    %reduce_min3A_205 = vector.extract %reduce_min3A_204[0, 0, 0] : i32 from vector<1x1x1xi32>
    %eq3A_206 = vector.broadcast %reduce_min3A_205 : i32 to vector<1x650xi32>
    %eq3A_207 = arith.cmpi eq, %iota3A, %eq3A_206 : vector<1x650xi32>
    %jit3A_208 = arith.constant 1.000000e+00 : f32
    %broadcast_in_dim3A_209 = vector.broadcast %jit3A_208 : f32 to vector<1x650xf32>
    %select_n3A_210 = arith.select %eq3A_207, %broadcast_in_dim3A_209, %select_n3A_187 : vector<1x650xi1>, vector<1x650xf32>
    %jit3A_211 = arith.constant -3.000000e+38 : f32
    %broadcast_in_dim3A_212 = vector.broadcast %jit3A_211 : f32 to vector<1x650xf32>
    %select_n3A_213 = arith.select %eq3A_207, %broadcast_in_dim3A_212, %select_n3A_190 : vector<1x650xi1>, vector<1x650xf32>
    %reduce_max3A_214 = vector.shape_cast %select_n3A_213 : vector<1x650xf32> to vector<1x1x650xf32>
    %reduce_max3A_215 = arith.constant dense<0xFF800000> : vector<1xf32>
    %reduce_max3A_216 = vector.multi_reduction <maximumf>, %reduce_max3A_214, %reduce_max3A_215 [1, 2] : vector<1x1x650xf32> to vector<1xf32>
    %reduce_max3A_217 = vector.shape_cast %reduce_max3A_216 : vector<1xf32> to vector<1x1x1xf32>
    %reduce_max3A_218 = vector.extract %reduce_max3A_217[0, 0, 0] : f32 from vector<1x1x1xf32>
    %eq3A_219 = vector.broadcast %reduce_max3A_218 : f32 to vector<1x650xf32>
    %eq3A_220 = arith.cmpf oeq, %select_n3A_213, %eq3A_219 : vector<1x650xf32>
    %jit3A_221 = arith.constant 650 : i32
    %broadcast_in_dim3A_222 = vector.broadcast %jit3A_221 : i32 to vector<1x650xi32>
    %select_n3A_223 = arith.select %eq3A_220, %iota3A, %broadcast_in_dim3A_222 : vector<1x650xi1>, vector<1x650xi32>
    %reduce_min3A_224 = vector.shape_cast %select_n3A_223 : vector<1x650xi32> to vector<1x1x650xi32>
    %reduce_min3A_225 = arith.constant dense<2147483647> : vector<1xi32>
    %reduce_min3A_226 = vector.multi_reduction <minsi>, %reduce_min3A_224, %reduce_min3A_225 [1, 2] : vector<1x1x650xi32> to vector<1xi32>
    %reduce_min3A_227 = vector.shape_cast %reduce_min3A_226 : vector<1xi32> to vector<1x1x1xi32>
    %reduce_min3A_228 = vector.extract %reduce_min3A_227[0, 0, 0] : i32 from vector<1x1x1xi32>
    %eq3A_229 = vector.broadcast %reduce_min3A_228 : i32 to vector<1x650xi32>
    %eq3A_230 = arith.cmpi eq, %iota3A, %eq3A_229 : vector<1x650xi32>
    %jit3A_231 = arith.constant 1.000000e+00 : f32
    %broadcast_in_dim3A_232 = vector.broadcast %jit3A_231 : f32 to vector<1x650xf32>
    %select_n3A_233 = arith.select %eq3A_230, %broadcast_in_dim3A_232, %select_n3A_210 : vector<1x650xi1>, vector<1x650xf32>
    %jit3A_234 = arith.constant -3.000000e+38 : f32
    %broadcast_in_dim3A_235 = vector.broadcast %jit3A_234 : f32 to vector<1x650xf32>
    %select_n3A_236 = arith.select %eq3A_230, %broadcast_in_dim3A_235, %select_n3A_213 : vector<1x650xi1>, vector<1x650xf32>
    %reduce_max3A_237 = vector.shape_cast %select_n3A_236 : vector<1x650xf32> to vector<1x1x650xf32>
    %reduce_max3A_238 = arith.constant dense<0xFF800000> : vector<1xf32>
    %reduce_max3A_239 = vector.multi_reduction <maximumf>, %reduce_max3A_237, %reduce_max3A_238 [1, 2] : vector<1x1x650xf32> to vector<1xf32>
    %reduce_max3A_240 = vector.shape_cast %reduce_max3A_239 : vector<1xf32> to vector<1x1x1xf32>
    %reduce_max3A_241 = vector.extract %reduce_max3A_240[0, 0, 0] : f32 from vector<1x1x1xf32>
    %eq3A_242 = vector.broadcast %reduce_max3A_241 : f32 to vector<1x650xf32>
    %eq3A_243 = arith.cmpf oeq, %select_n3A_236, %eq3A_242 : vector<1x650xf32>
    %jit3A_244 = arith.constant 650 : i32
    %broadcast_in_dim3A_245 = vector.broadcast %jit3A_244 : i32 to vector<1x650xi32>
    %select_n3A_246 = arith.select %eq3A_243, %iota3A, %broadcast_in_dim3A_245 : vector<1x650xi1>, vector<1x650xi32>
    %reduce_min3A_247 = vector.shape_cast %select_n3A_246 : vector<1x650xi32> to vector<1x1x650xi32>
    %reduce_min3A_248 = arith.constant dense<2147483647> : vector<1xi32>
    %reduce_min3A_249 = vector.multi_reduction <minsi>, %reduce_min3A_247, %reduce_min3A_248 [1, 2] : vector<1x1x650xi32> to vector<1xi32>
    %reduce_min3A_250 = vector.shape_cast %reduce_min3A_249 : vector<1xi32> to vector<1x1x1xi32>
    %reduce_min3A_251 = vector.extract %reduce_min3A_250[0, 0, 0] : i32 from vector<1x1x1xi32>
    %eq3A_252 = vector.broadcast %reduce_min3A_251 : i32 to vector<1x650xi32>
    %eq3A_253 = arith.cmpi eq, %iota3A, %eq3A_252 : vector<1x650xi32>
    %jit3A_254 = arith.constant 1.000000e+00 : f32
    %broadcast_in_dim3A_255 = vector.broadcast %jit3A_254 : f32 to vector<1x650xf32>
    %select_n3A_256 = arith.select %eq3A_253, %broadcast_in_dim3A_255, %select_n3A_233 : vector<1x650xi1>, vector<1x650xf32>
    %jit3A_257 = arith.constant -3.000000e+38 : f32
    %broadcast_in_dim3A_258 = vector.broadcast %jit3A_257 : f32 to vector<1x650xf32>
    %select_n3A_259 = arith.select %eq3A_253, %broadcast_in_dim3A_258, %select_n3A_236 : vector<1x650xi1>, vector<1x650xf32>
    %reduce_max3A_260 = vector.shape_cast %select_n3A_259 : vector<1x650xf32> to vector<1x1x650xf32>
    %reduce_max3A_261 = arith.constant dense<0xFF800000> : vector<1xf32>
    %reduce_max3A_262 = vector.multi_reduction <maximumf>, %reduce_max3A_260, %reduce_max3A_261 [1, 2] : vector<1x1x650xf32> to vector<1xf32>
    %reduce_max3A_263 = vector.shape_cast %reduce_max3A_262 : vector<1xf32> to vector<1x1x1xf32>
    %reduce_max3A_264 = vector.extract %reduce_max3A_263[0, 0, 0] : f32 from vector<1x1x1xf32>
    %eq3A_265 = vector.broadcast %reduce_max3A_264 : f32 to vector<1x650xf32>
    %eq3A_266 = arith.cmpf oeq, %select_n3A_259, %eq3A_265 : vector<1x650xf32>
    %jit3A_267 = arith.constant 650 : i32
    %broadcast_in_dim3A_268 = vector.broadcast %jit3A_267 : i32 to vector<1x650xi32>
    %select_n3A_269 = arith.select %eq3A_266, %iota3A, %broadcast_in_dim3A_268 : vector<1x650xi1>, vector<1x650xi32>
    %reduce_min3A_270 = vector.shape_cast %select_n3A_269 : vector<1x650xi32> to vector<1x1x650xi32>
    %reduce_min3A_271 = arith.constant dense<2147483647> : vector<1xi32>
    %reduce_min3A_272 = vector.multi_reduction <minsi>, %reduce_min3A_270, %reduce_min3A_271 [1, 2] : vector<1x1x650xi32> to vector<1xi32>
    %reduce_min3A_273 = vector.shape_cast %reduce_min3A_272 : vector<1xi32> to vector<1x1x1xi32>
    %reduce_min3A_274 = vector.extract %reduce_min3A_273[0, 0, 0] : i32 from vector<1x1x1xi32>
    %eq3A_275 = vector.broadcast %reduce_min3A_274 : i32 to vector<1x650xi32>
    %eq3A_276 = arith.cmpi eq, %iota3A, %eq3A_275 : vector<1x650xi32>
    %jit3A_277 = arith.constant 1.000000e+00 : f32
    %broadcast_in_dim3A_278 = vector.broadcast %jit3A_277 : f32 to vector<1x650xf32>
    %select_n3A_279 = arith.select %eq3A_276, %broadcast_in_dim3A_278, %select_n3A_256 : vector<1x650xi1>, vector<1x650xf32>
    %jit3A_280 = arith.constant -3.000000e+38 : f32
    %broadcast_in_dim3A_281 = vector.broadcast %jit3A_280 : f32 to vector<1x650xf32>
    %select_n3A_282 = arith.select %eq3A_276, %broadcast_in_dim3A_281, %select_n3A_259 : vector<1x650xi1>, vector<1x650xf32>
    %reduce_max3A_283 = vector.shape_cast %select_n3A_282 : vector<1x650xf32> to vector<1x1x650xf32>
    %reduce_max3A_284 = arith.constant dense<0xFF800000> : vector<1xf32>
    %reduce_max3A_285 = vector.multi_reduction <maximumf>, %reduce_max3A_283, %reduce_max3A_284 [1, 2] : vector<1x1x650xf32> to vector<1xf32>
    %reduce_max3A_286 = vector.shape_cast %reduce_max3A_285 : vector<1xf32> to vector<1x1x1xf32>
    %reduce_max3A_287 = vector.extract %reduce_max3A_286[0, 0, 0] : f32 from vector<1x1x1xf32>
    %eq3A_288 = vector.broadcast %reduce_max3A_287 : f32 to vector<1x650xf32>
    %eq3A_289 = arith.cmpf oeq, %select_n3A_282, %eq3A_288 : vector<1x650xf32>
    %jit3A_290 = arith.constant 650 : i32
    %broadcast_in_dim3A_291 = vector.broadcast %jit3A_290 : i32 to vector<1x650xi32>
    %select_n3A_292 = arith.select %eq3A_289, %iota3A, %broadcast_in_dim3A_291 : vector<1x650xi1>, vector<1x650xi32>
    %reduce_min3A_293 = vector.shape_cast %select_n3A_292 : vector<1x650xi32> to vector<1x1x650xi32>
    %reduce_min3A_294 = arith.constant dense<2147483647> : vector<1xi32>
    %reduce_min3A_295 = vector.multi_reduction <minsi>, %reduce_min3A_293, %reduce_min3A_294 [1, 2] : vector<1x1x650xi32> to vector<1xi32>
    %reduce_min3A_296 = vector.shape_cast %reduce_min3A_295 : vector<1xi32> to vector<1x1x1xi32>
    %reduce_min3A_297 = vector.extract %reduce_min3A_296[0, 0, 0] : i32 from vector<1x1x1xi32>
    %eq3A_298 = vector.broadcast %reduce_min3A_297 : i32 to vector<1x650xi32>
    %eq3A_299 = arith.cmpi eq, %iota3A, %eq3A_298 : vector<1x650xi32>
    %jit3A_300 = arith.constant 1.000000e+00 : f32
    %broadcast_in_dim3A_301 = vector.broadcast %jit3A_300 : f32 to vector<1x650xf32>
    %select_n3A_302 = arith.select %eq3A_299, %broadcast_in_dim3A_301, %select_n3A_279 : vector<1x650xi1>, vector<1x650xf32>
    %jit3A_303 = arith.constant -3.000000e+38 : f32
    %broadcast_in_dim3A_304 = vector.broadcast %jit3A_303 : f32 to vector<1x650xf32>
    %select_n3A_305 = arith.select %eq3A_299, %broadcast_in_dim3A_304, %select_n3A_282 : vector<1x650xi1>, vector<1x650xf32>
    %reduce_max3A_306 = vector.shape_cast %select_n3A_305 : vector<1x650xf32> to vector<1x1x650xf32>
    %reduce_max3A_307 = arith.constant dense<0xFF800000> : vector<1xf32>
    %reduce_max3A_308 = vector.multi_reduction <maximumf>, %reduce_max3A_306, %reduce_max3A_307 [1, 2] : vector<1x1x650xf32> to vector<1xf32>
    %reduce_max3A_309 = vector.shape_cast %reduce_max3A_308 : vector<1xf32> to vector<1x1x1xf32>
    %reduce_max3A_310 = vector.extract %reduce_max3A_309[0, 0, 0] : f32 from vector<1x1x1xf32>
    %eq3A_311 = vector.broadcast %reduce_max3A_310 : f32 to vector<1x650xf32>
    %eq3A_312 = arith.cmpf oeq, %select_n3A_305, %eq3A_311 : vector<1x650xf32>
    %jit3A_313 = arith.constant 650 : i32
    %broadcast_in_dim3A_314 = vector.broadcast %jit3A_313 : i32 to vector<1x650xi32>
    %select_n3A_315 = arith.select %eq3A_312, %iota3A, %broadcast_in_dim3A_314 : vector<1x650xi1>, vector<1x650xi32>
    %reduce_min3A_316 = vector.shape_cast %select_n3A_315 : vector<1x650xi32> to vector<1x1x650xi32>
    %reduce_min3A_317 = arith.constant dense<2147483647> : vector<1xi32>
    %reduce_min3A_318 = vector.multi_reduction <minsi>, %reduce_min3A_316, %reduce_min3A_317 [1, 2] : vector<1x1x650xi32> to vector<1xi32>
    %reduce_min3A_319 = vector.shape_cast %reduce_min3A_318 : vector<1xi32> to vector<1x1x1xi32>
    %reduce_min3A_320 = vector.extract %reduce_min3A_319[0, 0, 0] : i32 from vector<1x1x1xi32>
    %eq3A_321 = vector.broadcast %reduce_min3A_320 : i32 to vector<1x650xi32>
    %eq3A_322 = arith.cmpi eq, %iota3A, %eq3A_321 : vector<1x650xi32>
    %jit3A_323 = arith.constant 1.000000e+00 : f32
    %broadcast_in_dim3A_324 = vector.broadcast %jit3A_323 : f32 to vector<1x650xf32>
    %select_n3A_325 = arith.select %eq3A_322, %broadcast_in_dim3A_324, %select_n3A_302 : vector<1x650xi1>, vector<1x650xf32>
    %jit3A_326 = arith.constant -3.000000e+38 : f32
    %broadcast_in_dim3A_327 = vector.broadcast %jit3A_326 : f32 to vector<1x650xf32>
    %select_n3A_328 = arith.select %eq3A_322, %broadcast_in_dim3A_327, %select_n3A_305 : vector<1x650xi1>, vector<1x650xf32>
    %reduce_max3A_329 = vector.shape_cast %select_n3A_328 : vector<1x650xf32> to vector<1x1x650xf32>
    %reduce_max3A_330 = arith.constant dense<0xFF800000> : vector<1xf32>
    %reduce_max3A_331 = vector.multi_reduction <maximumf>, %reduce_max3A_329, %reduce_max3A_330 [1, 2] : vector<1x1x650xf32> to vector<1xf32>
    %reduce_max3A_332 = vector.shape_cast %reduce_max3A_331 : vector<1xf32> to vector<1x1x1xf32>
    %reduce_max3A_333 = vector.extract %reduce_max3A_332[0, 0, 0] : f32 from vector<1x1x1xf32>
    %eq3A_334 = vector.broadcast %reduce_max3A_333 : f32 to vector<1x650xf32>
    %eq3A_335 = arith.cmpf oeq, %select_n3A_328, %eq3A_334 : vector<1x650xf32>
    %jit3A_336 = arith.constant 650 : i32
    %broadcast_in_dim3A_337 = vector.broadcast %jit3A_336 : i32 to vector<1x650xi32>
    %select_n3A_338 = arith.select %eq3A_335, %iota3A, %broadcast_in_dim3A_337 : vector<1x650xi1>, vector<1x650xi32>
    %reduce_min3A_339 = vector.shape_cast %select_n3A_338 : vector<1x650xi32> to vector<1x1x650xi32>
    %reduce_min3A_340 = arith.constant dense<2147483647> : vector<1xi32>
    %reduce_min3A_341 = vector.multi_reduction <minsi>, %reduce_min3A_339, %reduce_min3A_340 [1, 2] : vector<1x1x650xi32> to vector<1xi32>
    %reduce_min3A_342 = vector.shape_cast %reduce_min3A_341 : vector<1xi32> to vector<1x1x1xi32>
    %reduce_min3A_343 = vector.extract %reduce_min3A_342[0, 0, 0] : i32 from vector<1x1x1xi32>
    %eq3A_344 = vector.broadcast %reduce_min3A_343 : i32 to vector<1x650xi32>
    %eq3A_345 = arith.cmpi eq, %iota3A, %eq3A_344 : vector<1x650xi32>
    %jit3A_346 = arith.constant 1.000000e+00 : f32
    %broadcast_in_dim3A_347 = vector.broadcast %jit3A_346 : f32 to vector<1x650xf32>
    %select_n3A_348 = arith.select %eq3A_345, %broadcast_in_dim3A_347, %select_n3A_325 : vector<1x650xi1>, vector<1x650xf32>
    %jit3A_349 = arith.constant -3.000000e+38 : f32
    %broadcast_in_dim3A_350 = vector.broadcast %jit3A_349 : f32 to vector<1x650xf32>
    %select_n3A_351 = arith.select %eq3A_345, %broadcast_in_dim3A_350, %select_n3A_328 : vector<1x650xi1>, vector<1x650xf32>
    %reduce_max3A_352 = vector.shape_cast %select_n3A_351 : vector<1x650xf32> to vector<1x1x650xf32>
    %reduce_max3A_353 = arith.constant dense<0xFF800000> : vector<1xf32>
    %reduce_max3A_354 = vector.multi_reduction <maximumf>, %reduce_max3A_352, %reduce_max3A_353 [1, 2] : vector<1x1x650xf32> to vector<1xf32>
    %reduce_max3A_355 = vector.shape_cast %reduce_max3A_354 : vector<1xf32> to vector<1x1x1xf32>
    %reduce_max3A_356 = vector.extract %reduce_max3A_355[0, 0, 0] : f32 from vector<1x1x1xf32>
    %eq3A_357 = vector.broadcast %reduce_max3A_356 : f32 to vector<1x650xf32>
    %eq3A_358 = arith.cmpf oeq, %select_n3A_351, %eq3A_357 : vector<1x650xf32>
    %jit3A_359 = arith.constant 650 : i32
    %broadcast_in_dim3A_360 = vector.broadcast %jit3A_359 : i32 to vector<1x650xi32>
    %select_n3A_361 = arith.select %eq3A_358, %iota3A, %broadcast_in_dim3A_360 : vector<1x650xi1>, vector<1x650xi32>
    %reduce_min3A_362 = vector.shape_cast %select_n3A_361 : vector<1x650xi32> to vector<1x1x650xi32>
    %reduce_min3A_363 = arith.constant dense<2147483647> : vector<1xi32>
    %reduce_min3A_364 = vector.multi_reduction <minsi>, %reduce_min3A_362, %reduce_min3A_363 [1, 2] : vector<1x1x650xi32> to vector<1xi32>
    %reduce_min3A_365 = vector.shape_cast %reduce_min3A_364 : vector<1xi32> to vector<1x1x1xi32>
    %reduce_min3A_366 = vector.extract %reduce_min3A_365[0, 0, 0] : i32 from vector<1x1x1xi32>
    %eq3A_367 = vector.broadcast %reduce_min3A_366 : i32 to vector<1x650xi32>
    %eq3A_368 = arith.cmpi eq, %iota3A, %eq3A_367 : vector<1x650xi32>
    %jit3A_369 = arith.constant 1.000000e+00 : f32
    %broadcast_in_dim3A_370 = vector.broadcast %jit3A_369 : f32 to vector<1x650xf32>
    %select_n3A_371 = arith.select %eq3A_368, %broadcast_in_dim3A_370, %select_n3A_348 : vector<1x650xi1>, vector<1x650xf32>
    %jit3A_372 = arith.constant -3.000000e+38 : f32
    %broadcast_in_dim3A_373 = vector.broadcast %jit3A_372 : f32 to vector<1x650xf32>
    %select_n3A_374 = arith.select %eq3A_368, %broadcast_in_dim3A_373, %select_n3A_351 : vector<1x650xi1>, vector<1x650xf32>
    %reduce_max3A_375 = vector.shape_cast %select_n3A_374 : vector<1x650xf32> to vector<1x1x650xf32>
    %reduce_max3A_376 = arith.constant dense<0xFF800000> : vector<1xf32>
    %reduce_max3A_377 = vector.multi_reduction <maximumf>, %reduce_max3A_375, %reduce_max3A_376 [1, 2] : vector<1x1x650xf32> to vector<1xf32>
    %reduce_max3A_378 = vector.shape_cast %reduce_max3A_377 : vector<1xf32> to vector<1x1x1xf32>
    %reduce_max3A_379 = vector.extract %reduce_max3A_378[0, 0, 0] : f32 from vector<1x1x1xf32>
    %eq3A_380 = vector.broadcast %reduce_max3A_379 : f32 to vector<1x650xf32>
    %eq3A_381 = arith.cmpf oeq, %select_n3A_374, %eq3A_380 : vector<1x650xf32>
    %jit3A_382 = arith.constant 650 : i32
    %broadcast_in_dim3A_383 = vector.broadcast %jit3A_382 : i32 to vector<1x650xi32>
    %select_n3A_384 = arith.select %eq3A_381, %iota3A, %broadcast_in_dim3A_383 : vector<1x650xi1>, vector<1x650xi32>
    %reduce_min3A_385 = vector.shape_cast %select_n3A_384 : vector<1x650xi32> to vector<1x1x650xi32>
    %reduce_min3A_386 = arith.constant dense<2147483647> : vector<1xi32>
    %reduce_min3A_387 = vector.multi_reduction <minsi>, %reduce_min3A_385, %reduce_min3A_386 [1, 2] : vector<1x1x650xi32> to vector<1xi32>
    %reduce_min3A_388 = vector.shape_cast %reduce_min3A_387 : vector<1xi32> to vector<1x1x1xi32>
    %reduce_min3A_389 = vector.extract %reduce_min3A_388[0, 0, 0] : i32 from vector<1x1x1xi32>
    %eq3A_390 = vector.broadcast %reduce_min3A_389 : i32 to vector<1x650xi32>
    %eq3A_391 = arith.cmpi eq, %iota3A, %eq3A_390 : vector<1x650xi32>
    %jit3A_392 = arith.constant 1.000000e+00 : f32
    %broadcast_in_dim3A_393 = vector.broadcast %jit3A_392 : f32 to vector<1x650xf32>
    %select_n3A_394 = arith.select %eq3A_391, %broadcast_in_dim3A_393, %select_n3A_371 : vector<1x650xi1>, vector<1x650xf32>
    %jit3A_395 = arith.constant -3.000000e+38 : f32
    %broadcast_in_dim3A_396 = vector.broadcast %jit3A_395 : f32 to vector<1x650xf32>
    %select_n3A_397 = arith.select %eq3A_391, %broadcast_in_dim3A_396, %select_n3A_374 : vector<1x650xi1>, vector<1x650xf32>
    %reduce_max3A_398 = vector.shape_cast %select_n3A_397 : vector<1x650xf32> to vector<1x1x650xf32>
    %reduce_max3A_399 = arith.constant dense<0xFF800000> : vector<1xf32>
    %reduce_max3A_400 = vector.multi_reduction <maximumf>, %reduce_max3A_398, %reduce_max3A_399 [1, 2] : vector<1x1x650xf32> to vector<1xf32>
    %reduce_max3A_401 = vector.shape_cast %reduce_max3A_400 : vector<1xf32> to vector<1x1x1xf32>
    %reduce_max3A_402 = vector.extract %reduce_max3A_401[0, 0, 0] : f32 from vector<1x1x1xf32>
    %eq3A_403 = vector.broadcast %reduce_max3A_402 : f32 to vector<1x650xf32>
    %eq3A_404 = arith.cmpf oeq, %select_n3A_397, %eq3A_403 : vector<1x650xf32>
    %jit3A_405 = arith.constant 650 : i32
    %broadcast_in_dim3A_406 = vector.broadcast %jit3A_405 : i32 to vector<1x650xi32>
    %select_n3A_407 = arith.select %eq3A_404, %iota3A, %broadcast_in_dim3A_406 : vector<1x650xi1>, vector<1x650xi32>
    %reduce_min3A_408 = vector.shape_cast %select_n3A_407 : vector<1x650xi32> to vector<1x1x650xi32>
    %reduce_min3A_409 = arith.constant dense<2147483647> : vector<1xi32>
    %reduce_min3A_410 = vector.multi_reduction <minsi>, %reduce_min3A_408, %reduce_min3A_409 [1, 2] : vector<1x1x650xi32> to vector<1xi32>
    %reduce_min3A_411 = vector.shape_cast %reduce_min3A_410 : vector<1xi32> to vector<1x1x1xi32>
    %reduce_min3A_412 = vector.extract %reduce_min3A_411[0, 0, 0] : i32 from vector<1x1x1xi32>
    %eq3A_413 = vector.broadcast %reduce_min3A_412 : i32 to vector<1x650xi32>
    %eq3A_414 = arith.cmpi eq, %iota3A, %eq3A_413 : vector<1x650xi32>
    %jit3A_415 = arith.constant 1.000000e+00 : f32
    %broadcast_in_dim3A_416 = vector.broadcast %jit3A_415 : f32 to vector<1x650xf32>
    %select_n3A_417 = arith.select %eq3A_414, %broadcast_in_dim3A_416, %select_n3A_394 : vector<1x650xi1>, vector<1x650xf32>
    %jit3A_418 = arith.constant -3.000000e+38 : f32
    %broadcast_in_dim3A_419 = vector.broadcast %jit3A_418 : f32 to vector<1x650xf32>
    %select_n3A_420 = arith.select %eq3A_414, %broadcast_in_dim3A_419, %select_n3A_397 : vector<1x650xi1>, vector<1x650xf32>
    %reduce_max3A_421 = vector.shape_cast %select_n3A_420 : vector<1x650xf32> to vector<1x1x650xf32>
    %reduce_max3A_422 = arith.constant dense<0xFF800000> : vector<1xf32>
    %reduce_max3A_423 = vector.multi_reduction <maximumf>, %reduce_max3A_421, %reduce_max3A_422 [1, 2] : vector<1x1x650xf32> to vector<1xf32>
    %reduce_max3A_424 = vector.shape_cast %reduce_max3A_423 : vector<1xf32> to vector<1x1x1xf32>
    %reduce_max3A_425 = vector.extract %reduce_max3A_424[0, 0, 0] : f32 from vector<1x1x1xf32>
    %eq3A_426 = vector.broadcast %reduce_max3A_425 : f32 to vector<1x650xf32>
    %eq3A_427 = arith.cmpf oeq, %select_n3A_420, %eq3A_426 : vector<1x650xf32>
    %jit3A_428 = arith.constant 650 : i32
    %broadcast_in_dim3A_429 = vector.broadcast %jit3A_428 : i32 to vector<1x650xi32>
    %select_n3A_430 = arith.select %eq3A_427, %iota3A, %broadcast_in_dim3A_429 : vector<1x650xi1>, vector<1x650xi32>
    %reduce_min3A_431 = vector.shape_cast %select_n3A_430 : vector<1x650xi32> to vector<1x1x650xi32>
    %reduce_min3A_432 = arith.constant dense<2147483647> : vector<1xi32>
    %reduce_min3A_433 = vector.multi_reduction <minsi>, %reduce_min3A_431, %reduce_min3A_432 [1, 2] : vector<1x1x650xi32> to vector<1xi32>
    %reduce_min3A_434 = vector.shape_cast %reduce_min3A_433 : vector<1xi32> to vector<1x1x1xi32>
    %reduce_min3A_435 = vector.extract %reduce_min3A_434[0, 0, 0] : i32 from vector<1x1x1xi32>
    %eq3A_436 = vector.broadcast %reduce_min3A_435 : i32 to vector<1x650xi32>
    %eq3A_437 = arith.cmpi eq, %iota3A, %eq3A_436 : vector<1x650xi32>
    %jit3A_438 = arith.constant 1.000000e+00 : f32
    %broadcast_in_dim3A_439 = vector.broadcast %jit3A_438 : f32 to vector<1x650xf32>
    %select_n3A_440 = arith.select %eq3A_437, %broadcast_in_dim3A_439, %select_n3A_417 : vector<1x650xi1>, vector<1x650xf32>
    %jit3A_441 = arith.constant -3.000000e+38 : f32
    %broadcast_in_dim3A_442 = vector.broadcast %jit3A_441 : f32 to vector<1x650xf32>
    %select_n3A_443 = arith.select %eq3A_437, %broadcast_in_dim3A_442, %select_n3A_420 : vector<1x650xi1>, vector<1x650xf32>
    %reduce_max3A_444 = vector.shape_cast %select_n3A_443 : vector<1x650xf32> to vector<1x1x650xf32>
    %reduce_max3A_445 = arith.constant dense<0xFF800000> : vector<1xf32>
    %reduce_max3A_446 = vector.multi_reduction <maximumf>, %reduce_max3A_444, %reduce_max3A_445 [1, 2] : vector<1x1x650xf32> to vector<1xf32>
    %reduce_max3A_447 = vector.shape_cast %reduce_max3A_446 : vector<1xf32> to vector<1x1x1xf32>
    %reduce_max3A_448 = vector.extract %reduce_max3A_447[0, 0, 0] : f32 from vector<1x1x1xf32>
    %eq3A_449 = vector.broadcast %reduce_max3A_448 : f32 to vector<1x650xf32>
    %eq3A_450 = arith.cmpf oeq, %select_n3A_443, %eq3A_449 : vector<1x650xf32>
    %jit3A_451 = arith.constant 650 : i32
    %broadcast_in_dim3A_452 = vector.broadcast %jit3A_451 : i32 to vector<1x650xi32>
    %select_n3A_453 = arith.select %eq3A_450, %iota3A, %broadcast_in_dim3A_452 : vector<1x650xi1>, vector<1x650xi32>
    %reduce_min3A_454 = vector.shape_cast %select_n3A_453 : vector<1x650xi32> to vector<1x1x650xi32>
    %reduce_min3A_455 = arith.constant dense<2147483647> : vector<1xi32>
    %reduce_min3A_456 = vector.multi_reduction <minsi>, %reduce_min3A_454, %reduce_min3A_455 [1, 2] : vector<1x1x650xi32> to vector<1xi32>
    %reduce_min3A_457 = vector.shape_cast %reduce_min3A_456 : vector<1xi32> to vector<1x1x1xi32>
    %reduce_min3A_458 = vector.extract %reduce_min3A_457[0, 0, 0] : i32 from vector<1x1x1xi32>
    %eq3A_459 = vector.broadcast %reduce_min3A_458 : i32 to vector<1x650xi32>
    %eq3A_460 = arith.cmpi eq, %iota3A, %eq3A_459 : vector<1x650xi32>
    %jit3A_461 = arith.constant 1.000000e+00 : f32
    %broadcast_in_dim3A_462 = vector.broadcast %jit3A_461 : f32 to vector<1x650xf32>
    %select_n3A_463 = arith.select %eq3A_460, %broadcast_in_dim3A_462, %select_n3A_440 : vector<1x650xi1>, vector<1x650xf32>
    %jit3A_464 = arith.constant -3.000000e+38 : f32
    %broadcast_in_dim3A_465 = vector.broadcast %jit3A_464 : f32 to vector<1x650xf32>
    %select_n3A_466 = arith.select %eq3A_460, %broadcast_in_dim3A_465, %select_n3A_443 : vector<1x650xi1>, vector<1x650xf32>
    %reduce_max3A_467 = vector.shape_cast %select_n3A_466 : vector<1x650xf32> to vector<1x1x650xf32>
    %reduce_max3A_468 = arith.constant dense<0xFF800000> : vector<1xf32>
    %reduce_max3A_469 = vector.multi_reduction <maximumf>, %reduce_max3A_467, %reduce_max3A_468 [1, 2] : vector<1x1x650xf32> to vector<1xf32>
    %reduce_max3A_470 = vector.shape_cast %reduce_max3A_469 : vector<1xf32> to vector<1x1x1xf32>
    %reduce_max3A_471 = vector.extract %reduce_max3A_470[0, 0, 0] : f32 from vector<1x1x1xf32>
    %eq3A_472 = vector.broadcast %reduce_max3A_471 : f32 to vector<1x650xf32>
    %eq3A_473 = arith.cmpf oeq, %select_n3A_466, %eq3A_472 : vector<1x650xf32>
    %jit3A_474 = arith.constant 650 : i32
    %broadcast_in_dim3A_475 = vector.broadcast %jit3A_474 : i32 to vector<1x650xi32>
    %select_n3A_476 = arith.select %eq3A_473, %iota3A, %broadcast_in_dim3A_475 : vector<1x650xi1>, vector<1x650xi32>
    %reduce_min3A_477 = vector.shape_cast %select_n3A_476 : vector<1x650xi32> to vector<1x1x650xi32>
    %reduce_min3A_478 = arith.constant dense<2147483647> : vector<1xi32>
    %reduce_min3A_479 = vector.multi_reduction <minsi>, %reduce_min3A_477, %reduce_min3A_478 [1, 2] : vector<1x1x650xi32> to vector<1xi32>
    %reduce_min3A_480 = vector.shape_cast %reduce_min3A_479 : vector<1xi32> to vector<1x1x1xi32>
    %reduce_min3A_481 = vector.extract %reduce_min3A_480[0, 0, 0] : i32 from vector<1x1x1xi32>
    %eq3A_482 = vector.broadcast %reduce_min3A_481 : i32 to vector<1x650xi32>
    %eq3A_483 = arith.cmpi eq, %iota3A, %eq3A_482 : vector<1x650xi32>
    %jit3A_484 = arith.constant 1.000000e+00 : f32
    %broadcast_in_dim3A_485 = vector.broadcast %jit3A_484 : f32 to vector<1x650xf32>
    %select_n3A_486 = arith.select %eq3A_483, %broadcast_in_dim3A_485, %select_n3A_463 : vector<1x650xi1>, vector<1x650xf32>
    %jit3A_487 = arith.constant -3.000000e+38 : f32
    %broadcast_in_dim3A_488 = vector.broadcast %jit3A_487 : f32 to vector<1x650xf32>
    %select_n3A_489 = arith.select %eq3A_483, %broadcast_in_dim3A_488, %select_n3A_466 : vector<1x650xi1>, vector<1x650xf32>
    %reduce_max3A_490 = vector.shape_cast %select_n3A_489 : vector<1x650xf32> to vector<1x1x650xf32>
    %reduce_max3A_491 = arith.constant dense<0xFF800000> : vector<1xf32>
    %reduce_max3A_492 = vector.multi_reduction <maximumf>, %reduce_max3A_490, %reduce_max3A_491 [1, 2] : vector<1x1x650xf32> to vector<1xf32>
    %reduce_max3A_493 = vector.shape_cast %reduce_max3A_492 : vector<1xf32> to vector<1x1x1xf32>
    %reduce_max3A_494 = vector.extract %reduce_max3A_493[0, 0, 0] : f32 from vector<1x1x1xf32>
    %eq3A_495 = vector.broadcast %reduce_max3A_494 : f32 to vector<1x650xf32>
    %eq3A_496 = arith.cmpf oeq, %select_n3A_489, %eq3A_495 : vector<1x650xf32>
    %jit3A_497 = arith.constant 650 : i32
    %broadcast_in_dim3A_498 = vector.broadcast %jit3A_497 : i32 to vector<1x650xi32>
    %select_n3A_499 = arith.select %eq3A_496, %iota3A, %broadcast_in_dim3A_498 : vector<1x650xi1>, vector<1x650xi32>
    %reduce_min3A_500 = vector.shape_cast %select_n3A_499 : vector<1x650xi32> to vector<1x1x650xi32>
    %reduce_min3A_501 = arith.constant dense<2147483647> : vector<1xi32>
    %reduce_min3A_502 = vector.multi_reduction <minsi>, %reduce_min3A_500, %reduce_min3A_501 [1, 2] : vector<1x1x650xi32> to vector<1xi32>
    %reduce_min3A_503 = vector.shape_cast %reduce_min3A_502 : vector<1xi32> to vector<1x1x1xi32>
    %reduce_min3A_504 = vector.extract %reduce_min3A_503[0, 0, 0] : i32 from vector<1x1x1xi32>
    %eq3A_505 = vector.broadcast %reduce_min3A_504 : i32 to vector<1x650xi32>
    %eq3A_506 = arith.cmpi eq, %iota3A, %eq3A_505 : vector<1x650xi32>
    %jit3A_507 = arith.constant 1.000000e+00 : f32
    %broadcast_in_dim3A_508 = vector.broadcast %jit3A_507 : f32 to vector<1x650xf32>
    %select_n3A_509 = arith.select %eq3A_506, %broadcast_in_dim3A_508, %select_n3A_486 : vector<1x650xi1>, vector<1x650xf32>
    %jit3A_510 = arith.constant -3.000000e+38 : f32
    %broadcast_in_dim3A_511 = vector.broadcast %jit3A_510 : f32 to vector<1x650xf32>
    %select_n3A_512 = arith.select %eq3A_506, %broadcast_in_dim3A_511, %select_n3A_489 : vector<1x650xi1>, vector<1x650xf32>
    %reduce_max3A_513 = vector.shape_cast %select_n3A_512 : vector<1x650xf32> to vector<1x1x650xf32>
    %reduce_max3A_514 = arith.constant dense<0xFF800000> : vector<1xf32>
    %reduce_max3A_515 = vector.multi_reduction <maximumf>, %reduce_max3A_513, %reduce_max3A_514 [1, 2] : vector<1x1x650xf32> to vector<1xf32>
    %reduce_max3A_516 = vector.shape_cast %reduce_max3A_515 : vector<1xf32> to vector<1x1x1xf32>
    %reduce_max3A_517 = vector.extract %reduce_max3A_516[0, 0, 0] : f32 from vector<1x1x1xf32>
    %eq3A_518 = vector.broadcast %reduce_max3A_517 : f32 to vector<1x650xf32>
    %eq3A_519 = arith.cmpf oeq, %select_n3A_512, %eq3A_518 : vector<1x650xf32>
    %jit3A_520 = arith.constant 650 : i32
    %broadcast_in_dim3A_521 = vector.broadcast %jit3A_520 : i32 to vector<1x650xi32>
    %select_n3A_522 = arith.select %eq3A_519, %iota3A, %broadcast_in_dim3A_521 : vector<1x650xi1>, vector<1x650xi32>
    %reduce_min3A_523 = vector.shape_cast %select_n3A_522 : vector<1x650xi32> to vector<1x1x650xi32>
    %reduce_min3A_524 = arith.constant dense<2147483647> : vector<1xi32>
    %reduce_min3A_525 = vector.multi_reduction <minsi>, %reduce_min3A_523, %reduce_min3A_524 [1, 2] : vector<1x1x650xi32> to vector<1xi32>
    %reduce_min3A_526 = vector.shape_cast %reduce_min3A_525 : vector<1xi32> to vector<1x1x1xi32>
    %reduce_min3A_527 = vector.extract %reduce_min3A_526[0, 0, 0] : i32 from vector<1x1x1xi32>
    %eq3A_528 = vector.broadcast %reduce_min3A_527 : i32 to vector<1x650xi32>
    %eq3A_529 = arith.cmpi eq, %iota3A, %eq3A_528 : vector<1x650xi32>
    %jit3A_530 = arith.constant 1.000000e+00 : f32
    %broadcast_in_dim3A_531 = vector.broadcast %jit3A_530 : f32 to vector<1x650xf32>
    %select_n3A_532 = arith.select %eq3A_529, %broadcast_in_dim3A_531, %select_n3A_509 : vector<1x650xi1>, vector<1x650xf32>
    %jit3A_533 = arith.constant -3.000000e+38 : f32
    %broadcast_in_dim3A_534 = vector.broadcast %jit3A_533 : f32 to vector<1x650xf32>
    %select_n3A_535 = arith.select %eq3A_529, %broadcast_in_dim3A_534, %select_n3A_512 : vector<1x650xi1>, vector<1x650xf32>
    %reduce_max3A_536 = vector.shape_cast %select_n3A_535 : vector<1x650xf32> to vector<1x1x650xf32>
    %reduce_max3A_537 = arith.constant dense<0xFF800000> : vector<1xf32>
    %reduce_max3A_538 = vector.multi_reduction <maximumf>, %reduce_max3A_536, %reduce_max3A_537 [1, 2] : vector<1x1x650xf32> to vector<1xf32>
    %reduce_max3A_539 = vector.shape_cast %reduce_max3A_538 : vector<1xf32> to vector<1x1x1xf32>
    %reduce_max3A_540 = vector.extract %reduce_max3A_539[0, 0, 0] : f32 from vector<1x1x1xf32>
    %eq3A_541 = vector.broadcast %reduce_max3A_540 : f32 to vector<1x650xf32>
    %eq3A_542 = arith.cmpf oeq, %select_n3A_535, %eq3A_541 : vector<1x650xf32>
    %jit3A_543 = arith.constant 650 : i32
    %broadcast_in_dim3A_544 = vector.broadcast %jit3A_543 : i32 to vector<1x650xi32>
    %select_n3A_545 = arith.select %eq3A_542, %iota3A, %broadcast_in_dim3A_544 : vector<1x650xi1>, vector<1x650xi32>
    %reduce_min3A_546 = vector.shape_cast %select_n3A_545 : vector<1x650xi32> to vector<1x1x650xi32>
    %reduce_min3A_547 = arith.constant dense<2147483647> : vector<1xi32>
    %reduce_min3A_548 = vector.multi_reduction <minsi>, %reduce_min3A_546, %reduce_min3A_547 [1, 2] : vector<1x1x650xi32> to vector<1xi32>
    %reduce_min3A_549 = vector.shape_cast %reduce_min3A_548 : vector<1xi32> to vector<1x1x1xi32>
    %reduce_min3A_550 = vector.extract %reduce_min3A_549[0, 0, 0] : i32 from vector<1x1x1xi32>
    %eq3A_551 = vector.broadcast %reduce_min3A_550 : i32 to vector<1x650xi32>
    %eq3A_552 = arith.cmpi eq, %iota3A, %eq3A_551 : vector<1x650xi32>
    %jit3A_553 = arith.constant 1.000000e+00 : f32
    %broadcast_in_dim3A_554 = vector.broadcast %jit3A_553 : f32 to vector<1x650xf32>
    %select_n3A_555 = arith.select %eq3A_552, %broadcast_in_dim3A_554, %select_n3A_532 : vector<1x650xi1>, vector<1x650xf32>
    %jit3A_556 = arith.constant -3.000000e+38 : f32
    %broadcast_in_dim3A_557 = vector.broadcast %jit3A_556 : f32 to vector<1x650xf32>
    %select_n3A_558 = arith.select %eq3A_552, %broadcast_in_dim3A_557, %select_n3A_535 : vector<1x650xi1>, vector<1x650xf32>
    %reduce_max3A_559 = vector.shape_cast %select_n3A_558 : vector<1x650xf32> to vector<1x1x650xf32>
    %reduce_max3A_560 = arith.constant dense<0xFF800000> : vector<1xf32>
    %reduce_max3A_561 = vector.multi_reduction <maximumf>, %reduce_max3A_559, %reduce_max3A_560 [1, 2] : vector<1x1x650xf32> to vector<1xf32>
    %reduce_max3A_562 = vector.shape_cast %reduce_max3A_561 : vector<1xf32> to vector<1x1x1xf32>
    %reduce_max3A_563 = vector.extract %reduce_max3A_562[0, 0, 0] : f32 from vector<1x1x1xf32>
    %eq3A_564 = vector.broadcast %reduce_max3A_563 : f32 to vector<1x650xf32>
    %eq3A_565 = arith.cmpf oeq, %select_n3A_558, %eq3A_564 : vector<1x650xf32>
    %jit3A_566 = arith.constant 650 : i32
    %broadcast_in_dim3A_567 = vector.broadcast %jit3A_566 : i32 to vector<1x650xi32>
    %select_n3A_568 = arith.select %eq3A_565, %iota3A, %broadcast_in_dim3A_567 : vector<1x650xi1>, vector<1x650xi32>
    %reduce_min3A_569 = vector.shape_cast %select_n3A_568 : vector<1x650xi32> to vector<1x1x650xi32>
    %reduce_min3A_570 = arith.constant dense<2147483647> : vector<1xi32>
    %reduce_min3A_571 = vector.multi_reduction <minsi>, %reduce_min3A_569, %reduce_min3A_570 [1, 2] : vector<1x1x650xi32> to vector<1xi32>
    %reduce_min3A_572 = vector.shape_cast %reduce_min3A_571 : vector<1xi32> to vector<1x1x1xi32>
    %reduce_min3A_573 = vector.extract %reduce_min3A_572[0, 0, 0] : i32 from vector<1x1x1xi32>
    %eq3A_574 = vector.broadcast %reduce_min3A_573 : i32 to vector<1x650xi32>
    %eq3A_575 = arith.cmpi eq, %iota3A, %eq3A_574 : vector<1x650xi32>
    %jit3A_576 = arith.constant 1.000000e+00 : f32
    %broadcast_in_dim3A_577 = vector.broadcast %jit3A_576 : f32 to vector<1x650xf32>
    %select_n3A_578 = arith.select %eq3A_575, %broadcast_in_dim3A_577, %select_n3A_555 : vector<1x650xi1>, vector<1x650xf32>
    %jit3A_579 = arith.constant -3.000000e+38 : f32
    %broadcast_in_dim3A_580 = vector.broadcast %jit3A_579 : f32 to vector<1x650xf32>
    %select_n3A_581 = arith.select %eq3A_575, %broadcast_in_dim3A_580, %select_n3A_558 : vector<1x650xi1>, vector<1x650xf32>
    %reduce_max3A_582 = vector.shape_cast %select_n3A_581 : vector<1x650xf32> to vector<1x1x650xf32>
    %reduce_max3A_583 = arith.constant dense<0xFF800000> : vector<1xf32>
    %reduce_max3A_584 = vector.multi_reduction <maximumf>, %reduce_max3A_582, %reduce_max3A_583 [1, 2] : vector<1x1x650xf32> to vector<1xf32>
    %reduce_max3A_585 = vector.shape_cast %reduce_max3A_584 : vector<1xf32> to vector<1x1x1xf32>
    %reduce_max3A_586 = vector.extract %reduce_max3A_585[0, 0, 0] : f32 from vector<1x1x1xf32>
    %eq3A_587 = vector.broadcast %reduce_max3A_586 : f32 to vector<1x650xf32>
    %eq3A_588 = arith.cmpf oeq, %select_n3A_581, %eq3A_587 : vector<1x650xf32>
    %jit3A_589 = arith.constant 650 : i32
    %broadcast_in_dim3A_590 = vector.broadcast %jit3A_589 : i32 to vector<1x650xi32>
    %select_n3A_591 = arith.select %eq3A_588, %iota3A, %broadcast_in_dim3A_590 : vector<1x650xi1>, vector<1x650xi32>
    %reduce_min3A_592 = vector.shape_cast %select_n3A_591 : vector<1x650xi32> to vector<1x1x650xi32>
    %reduce_min3A_593 = arith.constant dense<2147483647> : vector<1xi32>
    %reduce_min3A_594 = vector.multi_reduction <minsi>, %reduce_min3A_592, %reduce_min3A_593 [1, 2] : vector<1x1x650xi32> to vector<1xi32>
    %reduce_min3A_595 = vector.shape_cast %reduce_min3A_594 : vector<1xi32> to vector<1x1x1xi32>
    %reduce_min3A_596 = vector.extract %reduce_min3A_595[0, 0, 0] : i32 from vector<1x1x1xi32>
    %eq3A_597 = vector.broadcast %reduce_min3A_596 : i32 to vector<1x650xi32>
    %eq3A_598 = arith.cmpi eq, %iota3A, %eq3A_597 : vector<1x650xi32>
    %jit3A_599 = arith.constant 1.000000e+00 : f32
    %broadcast_in_dim3A_600 = vector.broadcast %jit3A_599 : f32 to vector<1x650xf32>
    %select_n3A_601 = arith.select %eq3A_598, %broadcast_in_dim3A_600, %select_n3A_578 : vector<1x650xi1>, vector<1x650xf32>
    %jit3A_602 = arith.constant -3.000000e+38 : f32
    %broadcast_in_dim3A_603 = vector.broadcast %jit3A_602 : f32 to vector<1x650xf32>
    %select_n3A_604 = arith.select %eq3A_598, %broadcast_in_dim3A_603, %select_n3A_581 : vector<1x650xi1>, vector<1x650xf32>
    %reduce_max3A_605 = vector.shape_cast %select_n3A_604 : vector<1x650xf32> to vector<1x1x650xf32>
    %reduce_max3A_606 = arith.constant dense<0xFF800000> : vector<1xf32>
    %reduce_max3A_607 = vector.multi_reduction <maximumf>, %reduce_max3A_605, %reduce_max3A_606 [1, 2] : vector<1x1x650xf32> to vector<1xf32>
    %reduce_max3A_608 = vector.shape_cast %reduce_max3A_607 : vector<1xf32> to vector<1x1x1xf32>
    %reduce_max3A_609 = vector.extract %reduce_max3A_608[0, 0, 0] : f32 from vector<1x1x1xf32>
    %eq3A_610 = vector.broadcast %reduce_max3A_609 : f32 to vector<1x650xf32>
    %eq3A_611 = arith.cmpf oeq, %select_n3A_604, %eq3A_610 : vector<1x650xf32>
    %jit3A_612 = arith.constant 650 : i32
    %broadcast_in_dim3A_613 = vector.broadcast %jit3A_612 : i32 to vector<1x650xi32>
    %select_n3A_614 = arith.select %eq3A_611, %iota3A, %broadcast_in_dim3A_613 : vector<1x650xi1>, vector<1x650xi32>
    %reduce_min3A_615 = vector.shape_cast %select_n3A_614 : vector<1x650xi32> to vector<1x1x650xi32>
    %reduce_min3A_616 = arith.constant dense<2147483647> : vector<1xi32>
    %reduce_min3A_617 = vector.multi_reduction <minsi>, %reduce_min3A_615, %reduce_min3A_616 [1, 2] : vector<1x1x650xi32> to vector<1xi32>
    %reduce_min3A_618 = vector.shape_cast %reduce_min3A_617 : vector<1xi32> to vector<1x1x1xi32>
    %reduce_min3A_619 = vector.extract %reduce_min3A_618[0, 0, 0] : i32 from vector<1x1x1xi32>
    %eq3A_620 = vector.broadcast %reduce_min3A_619 : i32 to vector<1x650xi32>
    %eq3A_621 = arith.cmpi eq, %iota3A, %eq3A_620 : vector<1x650xi32>
    %jit3A_622 = arith.constant 1.000000e+00 : f32
    %broadcast_in_dim3A_623 = vector.broadcast %jit3A_622 : f32 to vector<1x650xf32>
    %select_n3A_624 = arith.select %eq3A_621, %broadcast_in_dim3A_623, %select_n3A_601 : vector<1x650xi1>, vector<1x650xf32>
    %jit3A_625 = arith.constant -3.000000e+38 : f32
    %broadcast_in_dim3A_626 = vector.broadcast %jit3A_625 : f32 to vector<1x650xf32>
    %select_n3A_627 = arith.select %eq3A_621, %broadcast_in_dim3A_626, %select_n3A_604 : vector<1x650xi1>, vector<1x650xf32>
    %reduce_max3A_628 = vector.shape_cast %select_n3A_627 : vector<1x650xf32> to vector<1x1x650xf32>
    %reduce_max3A_629 = arith.constant dense<0xFF800000> : vector<1xf32>
    %reduce_max3A_630 = vector.multi_reduction <maximumf>, %reduce_max3A_628, %reduce_max3A_629 [1, 2] : vector<1x1x650xf32> to vector<1xf32>
    %reduce_max3A_631 = vector.shape_cast %reduce_max3A_630 : vector<1xf32> to vector<1x1x1xf32>
    %reduce_max3A_632 = vector.extract %reduce_max3A_631[0, 0, 0] : f32 from vector<1x1x1xf32>
    %eq3A_633 = vector.broadcast %reduce_max3A_632 : f32 to vector<1x650xf32>
    %eq3A_634 = arith.cmpf oeq, %select_n3A_627, %eq3A_633 : vector<1x650xf32>
    %jit3A_635 = arith.constant 650 : i32
    %broadcast_in_dim3A_636 = vector.broadcast %jit3A_635 : i32 to vector<1x650xi32>
    %select_n3A_637 = arith.select %eq3A_634, %iota3A, %broadcast_in_dim3A_636 : vector<1x650xi1>, vector<1x650xi32>
    %reduce_min3A_638 = vector.shape_cast %select_n3A_637 : vector<1x650xi32> to vector<1x1x650xi32>
    %reduce_min3A_639 = arith.constant dense<2147483647> : vector<1xi32>
    %reduce_min3A_640 = vector.multi_reduction <minsi>, %reduce_min3A_638, %reduce_min3A_639 [1, 2] : vector<1x1x650xi32> to vector<1xi32>
    %reduce_min3A_641 = vector.shape_cast %reduce_min3A_640 : vector<1xi32> to vector<1x1x1xi32>
    %reduce_min3A_642 = vector.extract %reduce_min3A_641[0, 0, 0] : i32 from vector<1x1x1xi32>
    %eq3A_643 = vector.broadcast %reduce_min3A_642 : i32 to vector<1x650xi32>
    %eq3A_644 = arith.cmpi eq, %iota3A, %eq3A_643 : vector<1x650xi32>
    %jit3A_645 = arith.constant 1.000000e+00 : f32
    %broadcast_in_dim3A_646 = vector.broadcast %jit3A_645 : f32 to vector<1x650xf32>
    %select_n3A_647 = arith.select %eq3A_644, %broadcast_in_dim3A_646, %select_n3A_624 : vector<1x650xi1>, vector<1x650xf32>
    %jit3A_648 = arith.constant -3.000000e+38 : f32
    %broadcast_in_dim3A_649 = vector.broadcast %jit3A_648 : f32 to vector<1x650xf32>
    %select_n3A_650 = arith.select %eq3A_644, %broadcast_in_dim3A_649, %select_n3A_627 : vector<1x650xi1>, vector<1x650xf32>
    %reduce_max3A_651 = vector.shape_cast %select_n3A_650 : vector<1x650xf32> to vector<1x1x650xf32>
    %reduce_max3A_652 = arith.constant dense<0xFF800000> : vector<1xf32>
    %reduce_max3A_653 = vector.multi_reduction <maximumf>, %reduce_max3A_651, %reduce_max3A_652 [1, 2] : vector<1x1x650xf32> to vector<1xf32>
    %reduce_max3A_654 = vector.shape_cast %reduce_max3A_653 : vector<1xf32> to vector<1x1x1xf32>
    %reduce_max3A_655 = vector.extract %reduce_max3A_654[0, 0, 0] : f32 from vector<1x1x1xf32>
    %eq3A_656 = vector.broadcast %reduce_max3A_655 : f32 to vector<1x650xf32>
    %eq3A_657 = arith.cmpf oeq, %select_n3A_650, %eq3A_656 : vector<1x650xf32>
    %jit3A_658 = arith.constant 650 : i32
    %broadcast_in_dim3A_659 = vector.broadcast %jit3A_658 : i32 to vector<1x650xi32>
    %select_n3A_660 = arith.select %eq3A_657, %iota3A, %broadcast_in_dim3A_659 : vector<1x650xi1>, vector<1x650xi32>
    %reduce_min3A_661 = vector.shape_cast %select_n3A_660 : vector<1x650xi32> to vector<1x1x650xi32>
    %reduce_min3A_662 = arith.constant dense<2147483647> : vector<1xi32>
    %reduce_min3A_663 = vector.multi_reduction <minsi>, %reduce_min3A_661, %reduce_min3A_662 [1, 2] : vector<1x1x650xi32> to vector<1xi32>
    %reduce_min3A_664 = vector.shape_cast %reduce_min3A_663 : vector<1xi32> to vector<1x1x1xi32>
    %reduce_min3A_665 = vector.extract %reduce_min3A_664[0, 0, 0] : i32 from vector<1x1x1xi32>
    %eq3A_666 = vector.broadcast %reduce_min3A_665 : i32 to vector<1x650xi32>
    %eq3A_667 = arith.cmpi eq, %iota3A, %eq3A_666 : vector<1x650xi32>
    %jit3A_668 = arith.constant 1.000000e+00 : f32
    %broadcast_in_dim3A_669 = vector.broadcast %jit3A_668 : f32 to vector<1x650xf32>
    %select_n3A_670 = arith.select %eq3A_667, %broadcast_in_dim3A_669, %select_n3A_647 : vector<1x650xi1>, vector<1x650xf32>
    %jit3A_671 = arith.constant -3.000000e+38 : f32
    %broadcast_in_dim3A_672 = vector.broadcast %jit3A_671 : f32 to vector<1x650xf32>
    %select_n3A_673 = arith.select %eq3A_667, %broadcast_in_dim3A_672, %select_n3A_650 : vector<1x650xi1>, vector<1x650xf32>
    %reduce_max3A_674 = vector.shape_cast %select_n3A_673 : vector<1x650xf32> to vector<1x1x650xf32>
    %reduce_max3A_675 = arith.constant dense<0xFF800000> : vector<1xf32>
    %reduce_max3A_676 = vector.multi_reduction <maximumf>, %reduce_max3A_674, %reduce_max3A_675 [1, 2] : vector<1x1x650xf32> to vector<1xf32>
    %reduce_max3A_677 = vector.shape_cast %reduce_max3A_676 : vector<1xf32> to vector<1x1x1xf32>
    %reduce_max3A_678 = vector.extract %reduce_max3A_677[0, 0, 0] : f32 from vector<1x1x1xf32>
    %eq3A_679 = vector.broadcast %reduce_max3A_678 : f32 to vector<1x650xf32>
    %eq3A_680 = arith.cmpf oeq, %select_n3A_673, %eq3A_679 : vector<1x650xf32>
    %jit3A_681 = arith.constant 650 : i32
    %broadcast_in_dim3A_682 = vector.broadcast %jit3A_681 : i32 to vector<1x650xi32>
    %select_n3A_683 = arith.select %eq3A_680, %iota3A, %broadcast_in_dim3A_682 : vector<1x650xi1>, vector<1x650xi32>
    %reduce_min3A_684 = vector.shape_cast %select_n3A_683 : vector<1x650xi32> to vector<1x1x650xi32>
    %reduce_min3A_685 = arith.constant dense<2147483647> : vector<1xi32>
    %reduce_min3A_686 = vector.multi_reduction <minsi>, %reduce_min3A_684, %reduce_min3A_685 [1, 2] : vector<1x1x650xi32> to vector<1xi32>
    %reduce_min3A_687 = vector.shape_cast %reduce_min3A_686 : vector<1xi32> to vector<1x1x1xi32>
    %reduce_min3A_688 = vector.extract %reduce_min3A_687[0, 0, 0] : i32 from vector<1x1x1xi32>
    %eq3A_689 = vector.broadcast %reduce_min3A_688 : i32 to vector<1x650xi32>
    %eq3A_690 = arith.cmpi eq, %iota3A, %eq3A_689 : vector<1x650xi32>
    %jit3A_691 = arith.constant 1.000000e+00 : f32
    %broadcast_in_dim3A_692 = vector.broadcast %jit3A_691 : f32 to vector<1x650xf32>
    %select_n3A_693 = arith.select %eq3A_690, %broadcast_in_dim3A_692, %select_n3A_670 : vector<1x650xi1>, vector<1x650xf32>
    %jit3A_694 = arith.constant -3.000000e+38 : f32
    %broadcast_in_dim3A_695 = vector.broadcast %jit3A_694 : f32 to vector<1x650xf32>
    %select_n3A_696 = arith.select %eq3A_690, %broadcast_in_dim3A_695, %select_n3A_673 : vector<1x650xi1>, vector<1x650xf32>
    %reduce_max3A_697 = vector.shape_cast %select_n3A_696 : vector<1x650xf32> to vector<1x1x650xf32>
    %reduce_max3A_698 = arith.constant dense<0xFF800000> : vector<1xf32>
    %reduce_max3A_699 = vector.multi_reduction <maximumf>, %reduce_max3A_697, %reduce_max3A_698 [1, 2] : vector<1x1x650xf32> to vector<1xf32>
    %reduce_max3A_700 = vector.shape_cast %reduce_max3A_699 : vector<1xf32> to vector<1x1x1xf32>
    %reduce_max3A_701 = vector.extract %reduce_max3A_700[0, 0, 0] : f32 from vector<1x1x1xf32>
    %eq3A_702 = vector.broadcast %reduce_max3A_701 : f32 to vector<1x650xf32>
    %eq3A_703 = arith.cmpf oeq, %select_n3A_696, %eq3A_702 : vector<1x650xf32>
    %jit3A_704 = arith.constant 650 : i32
    %broadcast_in_dim3A_705 = vector.broadcast %jit3A_704 : i32 to vector<1x650xi32>
    %select_n3A_706 = arith.select %eq3A_703, %iota3A, %broadcast_in_dim3A_705 : vector<1x650xi1>, vector<1x650xi32>
    %reduce_min3A_707 = vector.shape_cast %select_n3A_706 : vector<1x650xi32> to vector<1x1x650xi32>
    %reduce_min3A_708 = arith.constant dense<2147483647> : vector<1xi32>
    %reduce_min3A_709 = vector.multi_reduction <minsi>, %reduce_min3A_707, %reduce_min3A_708 [1, 2] : vector<1x1x650xi32> to vector<1xi32>
    %reduce_min3A_710 = vector.shape_cast %reduce_min3A_709 : vector<1xi32> to vector<1x1x1xi32>
    %reduce_min3A_711 = vector.extract %reduce_min3A_710[0, 0, 0] : i32 from vector<1x1x1xi32>
    %eq3A_712 = vector.broadcast %reduce_min3A_711 : i32 to vector<1x650xi32>
    %eq3A_713 = arith.cmpi eq, %iota3A, %eq3A_712 : vector<1x650xi32>
    %jit3A_714 = arith.constant 1.000000e+00 : f32
    %broadcast_in_dim3A_715 = vector.broadcast %jit3A_714 : f32 to vector<1x650xf32>
    %select_n3A_716 = arith.select %eq3A_713, %broadcast_in_dim3A_715, %select_n3A_693 : vector<1x650xi1>, vector<1x650xf32>
    %jit3A_717 = arith.constant -3.000000e+38 : f32
    %broadcast_in_dim3A_718 = vector.broadcast %jit3A_717 : f32 to vector<1x650xf32>
    %select_n3A_719 = arith.select %eq3A_713, %broadcast_in_dim3A_718, %select_n3A_696 : vector<1x650xi1>, vector<1x650xf32>
    %reduce_max3A_720 = vector.shape_cast %select_n3A_719 : vector<1x650xf32> to vector<1x1x650xf32>
    %reduce_max3A_721 = arith.constant dense<0xFF800000> : vector<1xf32>
    %reduce_max3A_722 = vector.multi_reduction <maximumf>, %reduce_max3A_720, %reduce_max3A_721 [1, 2] : vector<1x1x650xf32> to vector<1xf32>
    %reduce_max3A_723 = vector.shape_cast %reduce_max3A_722 : vector<1xf32> to vector<1x1x1xf32>
    %reduce_max3A_724 = vector.extract %reduce_max3A_723[0, 0, 0] : f32 from vector<1x1x1xf32>
    %eq3A_725 = vector.broadcast %reduce_max3A_724 : f32 to vector<1x650xf32>
    %eq3A_726 = arith.cmpf oeq, %select_n3A_719, %eq3A_725 : vector<1x650xf32>
    %jit3A_727 = arith.constant 650 : i32
    %broadcast_in_dim3A_728 = vector.broadcast %jit3A_727 : i32 to vector<1x650xi32>
    %select_n3A_729 = arith.select %eq3A_726, %iota3A, %broadcast_in_dim3A_728 : vector<1x650xi1>, vector<1x650xi32>
    %reduce_min3A_730 = vector.shape_cast %select_n3A_729 : vector<1x650xi32> to vector<1x1x650xi32>
    %reduce_min3A_731 = arith.constant dense<2147483647> : vector<1xi32>
    %reduce_min3A_732 = vector.multi_reduction <minsi>, %reduce_min3A_730, %reduce_min3A_731 [1, 2] : vector<1x1x650xi32> to vector<1xi32>
    %reduce_min3A_733 = vector.shape_cast %reduce_min3A_732 : vector<1xi32> to vector<1x1x1xi32>
    %reduce_min3A_734 = vector.extract %reduce_min3A_733[0, 0, 0] : i32 from vector<1x1x1xi32>
    %eq3A_735 = vector.broadcast %reduce_min3A_734 : i32 to vector<1x650xi32>
    %eq3A_736 = arith.cmpi eq, %iota3A, %eq3A_735 : vector<1x650xi32>
    %jit3A_737 = arith.constant 1.000000e+00 : f32
    %broadcast_in_dim3A_738 = vector.broadcast %jit3A_737 : f32 to vector<1x650xf32>
    %select_n3A_739 = arith.select %eq3A_736, %broadcast_in_dim3A_738, %select_n3A_716 : vector<1x650xi1>, vector<1x650xf32>
    %jit3A_740 = arith.constant -3.000000e+38 : f32
    %broadcast_in_dim3A_741 = vector.broadcast %jit3A_740 : f32 to vector<1x650xf32>
    %select_n3A_742 = arith.select %eq3A_736, %broadcast_in_dim3A_741, %select_n3A_719 : vector<1x650xi1>, vector<1x650xf32>
    %reduce_max3A_743 = vector.shape_cast %select_n3A_742 : vector<1x650xf32> to vector<1x1x650xf32>
    %reduce_max3A_744 = arith.constant dense<0xFF800000> : vector<1xf32>
    %reduce_max3A_745 = vector.multi_reduction <maximumf>, %reduce_max3A_743, %reduce_max3A_744 [1, 2] : vector<1x1x650xf32> to vector<1xf32>
    %reduce_max3A_746 = vector.shape_cast %reduce_max3A_745 : vector<1xf32> to vector<1x1x1xf32>
    %reduce_max3A_747 = vector.extract %reduce_max3A_746[0, 0, 0] : f32 from vector<1x1x1xf32>
    %eq3A_748 = vector.broadcast %reduce_max3A_747 : f32 to vector<1x650xf32>
    %eq3A_749 = arith.cmpf oeq, %select_n3A_742, %eq3A_748 : vector<1x650xf32>
    %jit3A_750 = arith.constant 650 : i32
    %broadcast_in_dim3A_751 = vector.broadcast %jit3A_750 : i32 to vector<1x650xi32>
    %select_n3A_752 = arith.select %eq3A_749, %iota3A, %broadcast_in_dim3A_751 : vector<1x650xi1>, vector<1x650xi32>
    %reduce_min3A_753 = vector.shape_cast %select_n3A_752 : vector<1x650xi32> to vector<1x1x650xi32>
    %reduce_min3A_754 = arith.constant dense<2147483647> : vector<1xi32>
    %reduce_min3A_755 = vector.multi_reduction <minsi>, %reduce_min3A_753, %reduce_min3A_754 [1, 2] : vector<1x1x650xi32> to vector<1xi32>
    %reduce_min3A_756 = vector.shape_cast %reduce_min3A_755 : vector<1xi32> to vector<1x1x1xi32>
    %reduce_min3A_757 = vector.extract %reduce_min3A_756[0, 0, 0] : i32 from vector<1x1x1xi32>
    %eq3A_758 = vector.broadcast %reduce_min3A_757 : i32 to vector<1x650xi32>
    %eq3A_759 = arith.cmpi eq, %iota3A, %eq3A_758 : vector<1x650xi32>
    %jit3A_760 = arith.constant 1.000000e+00 : f32
    %broadcast_in_dim3A_761 = vector.broadcast %jit3A_760 : f32 to vector<1x650xf32>
    %select_n3A_762 = arith.select %eq3A_759, %broadcast_in_dim3A_761, %select_n3A_739 : vector<1x650xi1>, vector<1x650xf32>
    %jit3A_763 = arith.constant -3.000000e+38 : f32
    %broadcast_in_dim3A_764 = vector.broadcast %jit3A_763 : f32 to vector<1x650xf32>
    %select_n3A_765 = arith.select %eq3A_759, %broadcast_in_dim3A_764, %select_n3A_742 : vector<1x650xi1>, vector<1x650xf32>
    %reduce_max3A_766 = vector.shape_cast %select_n3A_765 : vector<1x650xf32> to vector<1x1x650xf32>
    %reduce_max3A_767 = arith.constant dense<0xFF800000> : vector<1xf32>
    %reduce_max3A_768 = vector.multi_reduction <maximumf>, %reduce_max3A_766, %reduce_max3A_767 [1, 2] : vector<1x1x650xf32> to vector<1xf32>
    %reduce_max3A_769 = vector.shape_cast %reduce_max3A_768 : vector<1xf32> to vector<1x1x1xf32>
    %reduce_max3A_770 = vector.extract %reduce_max3A_769[0, 0, 0] : f32 from vector<1x1x1xf32>
    %eq3A_771 = vector.broadcast %reduce_max3A_770 : f32 to vector<1x650xf32>
    %eq3A_772 = arith.cmpf oeq, %select_n3A_765, %eq3A_771 : vector<1x650xf32>
    %jit3A_773 = arith.constant 650 : i32
    %broadcast_in_dim3A_774 = vector.broadcast %jit3A_773 : i32 to vector<1x650xi32>
    %select_n3A_775 = arith.select %eq3A_772, %iota3A, %broadcast_in_dim3A_774 : vector<1x650xi1>, vector<1x650xi32>
    %reduce_min3A_776 = vector.shape_cast %select_n3A_775 : vector<1x650xi32> to vector<1x1x650xi32>
    %reduce_min3A_777 = arith.constant dense<2147483647> : vector<1xi32>
    %reduce_min3A_778 = vector.multi_reduction <minsi>, %reduce_min3A_776, %reduce_min3A_777 [1, 2] : vector<1x1x650xi32> to vector<1xi32>
    %reduce_min3A_779 = vector.shape_cast %reduce_min3A_778 : vector<1xi32> to vector<1x1x1xi32>
    %reduce_min3A_780 = vector.extract %reduce_min3A_779[0, 0, 0] : i32 from vector<1x1x1xi32>
    %eq3A_781 = vector.broadcast %reduce_min3A_780 : i32 to vector<1x650xi32>
    %eq3A_782 = arith.cmpi eq, %iota3A, %eq3A_781 : vector<1x650xi32>
    %jit3A_783 = arith.constant 1.000000e+00 : f32
    %broadcast_in_dim3A_784 = vector.broadcast %jit3A_783 : f32 to vector<1x650xf32>
    %select_n3A_785 = arith.select %eq3A_782, %broadcast_in_dim3A_784, %select_n3A_762 : vector<1x650xi1>, vector<1x650xf32>
    %swap3A = arith.constant 0 : index
    %swap3A_786 = arith.constant 0 : index
    %swap3A_787 = vector.load %arg1[%swap3A, %swap3A_786] : memref<1x650xf32, #tpu.memory_space<vmem>>, vector<1x650xf32>
    tpu.vector_store %arg1[%swap3A, %swap3A_786], %select_n3A_785 {strides = array<i32>} : memref<1x650xf32, #tpu.memory_space<vmem>>, vector<1x650xf32>,
    return
  }
}

module attributes {stable_mosaic.version = 14 : i64} {
  func.func @_tc_final_body(%arg0: i32, %arg1: memref<26x512x16xf32, #tpu.memory_space<vmem>>, %arg2: memref<512x650xf32, #tpu.memory_space<vmem>>, %arg3: memref<1x650xf32, #tpu.memory_space<vmem>>, %arg4: memref<512x26xf32, #tpu.memory_space<vmem>>, %arg5: memref<1x1xf32, #tpu.memory_space<vmem>>, %arg6: memref<1x1xf32, #tpu.memory_space<vmem>>, %arg7: memref<16x1xf32, #tpu.memory_space<vmem>>, %arg8: memref<1x1xf32, #tpu.memory_space<vmem>>, %arg9: memref<512x1xf32, #tpu.memory_space<vmem>>) attributes {dimension_semantics = [#tpu.dimension_semantics<arbitrary>], iteration_bounds = array<i64: 8>, scalar_prefetch = 0 : i64, scratch_operands = 0 : i64, tpu.core_type = #tpu.core_type<tc>, window_params = [{transform_indices = @transform_0, window_bounds = array<i64: 26, 512, 16>}, {transform_indices = @transform_1, window_bounds = array<i64: 512, 650>}, {pipeline_mode = #tpu.pipeline_mode<synchronous>, transform_indices = @transform_2, window_bounds = array<i64: 1, 650>}, {transform_indices = @transform_3, window_bounds = array<i64: 512, 26>}, {pipeline_mode = #tpu.pipeline_mode<synchronous>, transform_indices = @transform_4, window_bounds = array<i64: 1, 1>}, {pipeline_mode = #tpu.pipeline_mode<synchronous>, transform_indices = @transform_5, window_bounds = array<i64: 1, 1>}, {pipeline_mode = #tpu.pipeline_mode<synchronous>, transform_indices = @transform_6, window_bounds = array<i64: 16, 1>}, {pipeline_mode = #tpu.pipeline_mode<synchronous>, transform_indices = @transform_7, window_bounds = array<i64: 1, 1>}, {transform_indices = @transform_8, window_bounds = array<i64: 512, 1>}]} {
    %get3A = arith.constant 0 : index
    %get3A_0 = arith.constant 0 : index
    %get3A_1 = arith.constant 0 : index
    %get3A_2 = vector.load %arg1[%get3A, %get3A_0, %get3A_1] : memref<26x512x16xf32, #tpu.memory_space<vmem>>, vector<26x512x16xf32>
    %slice3A = vector.extract_strided_slice %get3A_2 {offsets = [0, 0, 0], sizes = [1, 512, 16], strides = [1, 1, 1]} : vector<26x512x16xf32> to vector<1x512x16xf32>
    %squeeze3A = vector.shape_cast %slice3A : vector<1x512x16xf32> to vector<512x16xf32>
    %slice3A_3 = vector.extract_strided_slice %get3A_2 {offsets = [1, 0, 0], sizes = [1, 512, 16], strides = [1, 1, 1]} : vector<26x512x16xf32> to vector<1x512x16xf32>
    %squeeze3A_4 = vector.shape_cast %slice3A_3 : vector<1x512x16xf32> to vector<512x16xf32>
    %slice3A_5 = vector.extract_strided_slice %get3A_2 {offsets = [2, 0, 0], sizes = [1, 512, 16], strides = [1, 1, 1]} : vector<26x512x16xf32> to vector<1x512x16xf32>
    %squeeze3A_6 = vector.shape_cast %slice3A_5 : vector<1x512x16xf32> to vector<512x16xf32>
    %slice3A_7 = vector.extract_strided_slice %get3A_2 {offsets = [3, 0, 0], sizes = [1, 512, 16], strides = [1, 1, 1]} : vector<26x512x16xf32> to vector<1x512x16xf32>
    %squeeze3A_8 = vector.shape_cast %slice3A_7 : vector<1x512x16xf32> to vector<512x16xf32>
    %slice3A_9 = vector.extract_strided_slice %get3A_2 {offsets = [4, 0, 0], sizes = [1, 512, 16], strides = [1, 1, 1]} : vector<26x512x16xf32> to vector<1x512x16xf32>
    %squeeze3A_10 = vector.shape_cast %slice3A_9 : vector<1x512x16xf32> to vector<512x16xf32>
    %slice3A_11 = vector.extract_strided_slice %get3A_2 {offsets = [5, 0, 0], sizes = [1, 512, 16], strides = [1, 1, 1]} : vector<26x512x16xf32> to vector<1x512x16xf32>
    %squeeze3A_12 = vector.shape_cast %slice3A_11 : vector<1x512x16xf32> to vector<512x16xf32>
    %slice3A_13 = vector.extract_strided_slice %get3A_2 {offsets = [6, 0, 0], sizes = [1, 512, 16], strides = [1, 1, 1]} : vector<26x512x16xf32> to vector<1x512x16xf32>
    %squeeze3A_14 = vector.shape_cast %slice3A_13 : vector<1x512x16xf32> to vector<512x16xf32>
    %slice3A_15 = vector.extract_strided_slice %get3A_2 {offsets = [7, 0, 0], sizes = [1, 512, 16], strides = [1, 1, 1]} : vector<26x512x16xf32> to vector<1x512x16xf32>
    %squeeze3A_16 = vector.shape_cast %slice3A_15 : vector<1x512x16xf32> to vector<512x16xf32>
    %slice3A_17 = vector.extract_strided_slice %get3A_2 {offsets = [8, 0, 0], sizes = [1, 512, 16], strides = [1, 1, 1]} : vector<26x512x16xf32> to vector<1x512x16xf32>
    %squeeze3A_18 = vector.shape_cast %slice3A_17 : vector<1x512x16xf32> to vector<512x16xf32>
    %slice3A_19 = vector.extract_strided_slice %get3A_2 {offsets = [9, 0, 0], sizes = [1, 512, 16], strides = [1, 1, 1]} : vector<26x512x16xf32> to vector<1x512x16xf32>
    %squeeze3A_20 = vector.shape_cast %slice3A_19 : vector<1x512x16xf32> to vector<512x16xf32>
    %slice3A_21 = vector.extract_strided_slice %get3A_2 {offsets = [10, 0, 0], sizes = [1, 512, 16], strides = [1, 1, 1]} : vector<26x512x16xf32> to vector<1x512x16xf32>
    %squeeze3A_22 = vector.shape_cast %slice3A_21 : vector<1x512x16xf32> to vector<512x16xf32>
    %slice3A_23 = vector.extract_strided_slice %get3A_2 {offsets = [11, 0, 0], sizes = [1, 512, 16], strides = [1, 1, 1]} : vector<26x512x16xf32> to vector<1x512x16xf32>
    %squeeze3A_24 = vector.shape_cast %slice3A_23 : vector<1x512x16xf32> to vector<512x16xf32>
    %slice3A_25 = vector.extract_strided_slice %get3A_2 {offsets = [12, 0, 0], sizes = [1, 512, 16], strides = [1, 1, 1]} : vector<26x512x16xf32> to vector<1x512x16xf32>
    %squeeze3A_26 = vector.shape_cast %slice3A_25 : vector<1x512x16xf32> to vector<512x16xf32>
    %slice3A_27 = vector.extract_strided_slice %get3A_2 {offsets = [13, 0, 0], sizes = [1, 512, 16], strides = [1, 1, 1]} : vector<26x512x16xf32> to vector<1x512x16xf32>
    %squeeze3A_28 = vector.shape_cast %slice3A_27 : vector<1x512x16xf32> to vector<512x16xf32>
    %slice3A_29 = vector.extract_strided_slice %get3A_2 {offsets = [14, 0, 0], sizes = [1, 512, 16], strides = [1, 1, 1]} : vector<26x512x16xf32> to vector<1x512x16xf32>
    %squeeze3A_30 = vector.shape_cast %slice3A_29 : vector<1x512x16xf32> to vector<512x16xf32>
    %slice3A_31 = vector.extract_strided_slice %get3A_2 {offsets = [15, 0, 0], sizes = [1, 512, 16], strides = [1, 1, 1]} : vector<26x512x16xf32> to vector<1x512x16xf32>
    %squeeze3A_32 = vector.shape_cast %slice3A_31 : vector<1x512x16xf32> to vector<512x16xf32>
    %slice3A_33 = vector.extract_strided_slice %get3A_2 {offsets = [16, 0, 0], sizes = [1, 512, 16], strides = [1, 1, 1]} : vector<26x512x16xf32> to vector<1x512x16xf32>
    %squeeze3A_34 = vector.shape_cast %slice3A_33 : vector<1x512x16xf32> to vector<512x16xf32>
    %slice3A_35 = vector.extract_strided_slice %get3A_2 {offsets = [17, 0, 0], sizes = [1, 512, 16], strides = [1, 1, 1]} : vector<26x512x16xf32> to vector<1x512x16xf32>
    %squeeze3A_36 = vector.shape_cast %slice3A_35 : vector<1x512x16xf32> to vector<512x16xf32>
    %slice3A_37 = vector.extract_strided_slice %get3A_2 {offsets = [18, 0, 0], sizes = [1, 512, 16], strides = [1, 1, 1]} : vector<26x512x16xf32> to vector<1x512x16xf32>
    %squeeze3A_38 = vector.shape_cast %slice3A_37 : vector<1x512x16xf32> to vector<512x16xf32>
    %slice3A_39 = vector.extract_strided_slice %get3A_2 {offsets = [19, 0, 0], sizes = [1, 512, 16], strides = [1, 1, 1]} : vector<26x512x16xf32> to vector<1x512x16xf32>
    %squeeze3A_40 = vector.shape_cast %slice3A_39 : vector<1x512x16xf32> to vector<512x16xf32>
    %slice3A_41 = vector.extract_strided_slice %get3A_2 {offsets = [20, 0, 0], sizes = [1, 512, 16], strides = [1, 1, 1]} : vector<26x512x16xf32> to vector<1x512x16xf32>
    %squeeze3A_42 = vector.shape_cast %slice3A_41 : vector<1x512x16xf32> to vector<512x16xf32>
    %slice3A_43 = vector.extract_strided_slice %get3A_2 {offsets = [21, 0, 0], sizes = [1, 512, 16], strides = [1, 1, 1]} : vector<26x512x16xf32> to vector<1x512x16xf32>
    %squeeze3A_44 = vector.shape_cast %slice3A_43 : vector<1x512x16xf32> to vector<512x16xf32>
    %slice3A_45 = vector.extract_strided_slice %get3A_2 {offsets = [22, 0, 0], sizes = [1, 512, 16], strides = [1, 1, 1]} : vector<26x512x16xf32> to vector<1x512x16xf32>
    %squeeze3A_46 = vector.shape_cast %slice3A_45 : vector<1x512x16xf32> to vector<512x16xf32>
    %slice3A_47 = vector.extract_strided_slice %get3A_2 {offsets = [23, 0, 0], sizes = [1, 512, 16], strides = [1, 1, 1]} : vector<26x512x16xf32> to vector<1x512x16xf32>
    %squeeze3A_48 = vector.shape_cast %slice3A_47 : vector<1x512x16xf32> to vector<512x16xf32>
    %slice3A_49 = vector.extract_strided_slice %get3A_2 {offsets = [24, 0, 0], sizes = [1, 512, 16], strides = [1, 1, 1]} : vector<26x512x16xf32> to vector<1x512x16xf32>
    %squeeze3A_50 = vector.shape_cast %slice3A_49 : vector<1x512x16xf32> to vector<512x16xf32>
    %slice3A_51 = vector.extract_strided_slice %get3A_2 {offsets = [25, 0, 0], sizes = [1, 512, 16], strides = [1, 1, 1]} : vector<26x512x16xf32> to vector<1x512x16xf32>
    %squeeze3A_52 = vector.shape_cast %slice3A_51 : vector<1x512x16xf32> to vector<512x16xf32>
    %concatenate3A = tpu.concatenate %squeeze3A, %squeeze3A_4, %squeeze3A_6, %squeeze3A_8, %squeeze3A_10, %squeeze3A_12, %squeeze3A_14, %squeeze3A_16, %squeeze3A_18, %squeeze3A_20, %squeeze3A_22, %squeeze3A_24, %squeeze3A_26, %squeeze3A_28, %squeeze3A_30, %squeeze3A_32, %squeeze3A_34, %squeeze3A_36, %squeeze3A_38, %squeeze3A_40, %squeeze3A_42, %squeeze3A_44, %squeeze3A_46, %squeeze3A_48, %squeeze3A_50, %squeeze3A_52 in 1 : vector<512x16xf32>, vector<512x16xf32>, vector<512x16xf32>, vector<512x16xf32>, vector<512x16xf32>, vector<512x16xf32>, vector<512x16xf32>, vector<512x16xf32>, vector<512x16xf32>, vector<512x16xf32>, vector<512x16xf32>, vector<512x16xf32>, vector<512x16xf32>, vector<512x16xf32>, vector<512x16xf32>, vector<512x16xf32>, vector<512x16xf32>, vector<512x16xf32>, vector<512x16xf32>, vector<512x16xf32>, vector<512x16xf32>, vector<512x16xf32>, vector<512x16xf32>, vector<512x16xf32>, vector<512x16xf32>, vector<512x16xf32> -> vector<512x416xf32>
    %get3A_53 = arith.constant 0 : index
    %get3A_54 = arith.constant 0 : index
    %get3A_55 = vector.load %arg2[%get3A_53, %get3A_54] : memref<512x650xf32, #tpu.memory_space<vmem>>, vector<512x650xf32>
    %get3A_56 = arith.constant 0 : index
    %get3A_57 = arith.constant 0 : index
    %get3A_58 = vector.load %arg5[%get3A_56, %get3A_57] : memref<1x1xf32, #tpu.memory_space<vmem>>, vector<1x1xf32>
    %get3A_59 = vector.extract %get3A_58[0, 0] : f32 from vector<1x1xf32>
    %add3A = vector.broadcast %get3A_59 : f32 to vector<512x650xf32>
    %add3A_60 = arith.addf %get3A_55, %add3A : vector<512x650xf32>
    %get3A_61 = arith.constant 0 : index
    %get3A_62 = arith.constant 0 : index
    %get3A_63 = vector.load %arg3[%get3A_61, %get3A_62] : memref<1x650xf32, #tpu.memory_space<vmem>>, vector<1x650xf32>
    %mul3A = vector.broadcast %get3A_63 : vector<1x650xf32> to vector<512x650xf32>
    %mul3A_64 = arith.mulf %add3A_60, %mul3A : vector<512x650xf32>
    %iota3A = tpu.iota {dimensions = array<i32: 0>} : vector<26x416xi32>
    %iota3A_65 = tpu.iota {dimensions = array<i32: 1>} : vector<26x416xi32>
    %jit3A = arith.constant 16 : i32
    %div3A = vector.broadcast %jit3A : i32 to vector<26x416xi32>
    %div3A_66 = arith.divsi %iota3A_65, %div3A : vector<26x416xi32>
    %sign3A = arith.constant 0 : i32
    %sign3A_67 = vector.broadcast %sign3A : i32 to vector<26x416xi32>
    %sign3A_68 = arith.cmpi sgt, %iota3A_65, %sign3A_67 : vector<26x416xi32>
    %sign3A_69 = arith.extui %sign3A_68 : vector<26x416xi1> to vector<26x416xi32>
    %sign3A_70 = arith.constant 0 : i32
    %sign3A_71 = vector.broadcast %sign3A_70 : i32 to vector<26x416xi32>
    %sign3A_72 = arith.cmpi slt, %iota3A_65, %sign3A_71 : vector<26x416xi32>
    %sign3A_73 = arith.extui %sign3A_72 : vector<26x416xi1> to vector<26x416xi32>
    %sign3A_74 = arith.subi %sign3A_69, %sign3A_73 : vector<26x416xi32>
    %sign3A_75 = arith.constant 0 : i32
    %sign3A_76 = arith.cmpi sgt, %jit3A, %sign3A_75 : i32
    %sign3A_77 = arith.extui %sign3A_76 : i1 to i32
    %sign3A_78 = arith.constant 0 : i32
    %sign3A_79 = arith.cmpi slt, %jit3A, %sign3A_78 : i32
    %sign3A_80 = arith.extui %sign3A_79 : i1 to i32
    %sign3A_81 = arith.subi %sign3A_77, %sign3A_80 : i32
    %ne3A = vector.broadcast %sign3A_81 : i32 to vector<26x416xi32>
    %ne3A_82 = arith.cmpi ne, %sign3A_74, %ne3A : vector<26x416xi32>
    %rem3A = vector.broadcast %jit3A : i32 to vector<26x416xi32>
    %rem3A_83 = arith.remsi %iota3A_65, %rem3A : vector<26x416xi32>
    %ne3A_84 = arith.constant 0 : i32
    %ne3A_85 = vector.broadcast %ne3A_84 : i32 to vector<26x416xi32>
    %ne3A_86 = arith.cmpi ne, %rem3A_83, %ne3A_85 : vector<26x416xi32>
    %and3A = arith.andi %ne3A_82, %ne3A_86 : vector<26x416xi1>
    %sub3A = arith.constant 1 : i32
    %sub3A_87 = vector.broadcast %sub3A : i32 to vector<26x416xi32>
    %sub3A_88 = arith.subi %div3A_66, %sub3A_87 : vector<26x416xi32>
    %select_n3A = arith.select %and3A, %sub3A_88, %div3A_66 : vector<26x416xi1>, vector<26x416xi32>
    %eq3A = arith.cmpi eq, %select_n3A, %iota3A : vector<26x416xi32>
    %jit3A_89 = arith.constant 1.000000e+00 : f32
    %jit3A_90 = arith.constant 0.000000e+00 : f32
    %broadcast_in_dim3A = vector.broadcast %jit3A_89 : f32 to vector<26x416xf32>
    %broadcast_in_dim3A_91 = vector.broadcast %jit3A_90 : f32 to vector<26x416xf32>
    %select_n3A_92 = arith.select %eq3A, %broadcast_in_dim3A, %broadcast_in_dim3A_91 : vector<26x416xi1>, vector<26x416xf32>
    %broadcast_in_dim3A_93 = arith.constant 0.000000e+00 : f32
    %broadcast_in_dim3A_94 = vector.broadcast %broadcast_in_dim3A_93 : f32 to vector<512x416xf32>
    %slice3A_95 = vector.extract_strided_slice %concatenate3A {offsets = [0, 16], sizes = [512, 400], strides = [1, 1]} : vector<512x416xf32> to vector<512x400xf32>
    %broadcast_in_dim3A_96 = arith.constant 0.000000e+00 : f32
    %broadcast_in_dim3A_97 = vector.broadcast %broadcast_in_dim3A_96 : f32 to vector<512x16xf32>
    %concatenate3A_98 = tpu.concatenate %slice3A_95, %broadcast_in_dim3A_97 in 1 : vector<512x400xf32>, vector<512x16xf32> -> vector<512x416xf32>
    %slice3A_99 = vector.extract_strided_slice %mul3A_64 {offsets = [0, 0], sizes = [512, 26], strides = [1, 1]} : vector<512x650xf32> to vector<512x26xf32>
    %dot_general3A = arith.constant dense<0.000000e+00> : vector<512x416xf32>
    %dot_general3A_100 = tpu.matmul %slice3A_99, %select_n3A_92, %dot_general3A {dimension_numbers = #tpu.dot_dimension_numbers<[1], [0], [0], [1], [0, 0, 1, 1], [], []>, transpose_lhs_hint = false} : vector<512x26xf32>, vector<26x416xf32>, vector<512x416xf32> -> vector<512x416xf32>
    %mul3A_101 = arith.mulf %concatenate3A, %concatenate3A_98 : vector<512x416xf32>
    %mul3A_102 = arith.mulf %mul3A_101, %dot_general3A_100 : vector<512x416xf32>
    %add3A_103 = arith.addf %broadcast_in_dim3A_94, %mul3A_102 : vector<512x416xf32>
    %slice3A_104 = vector.extract_strided_slice %concatenate3A {offsets = [0, 32], sizes = [512, 384], strides = [1, 1]} : vector<512x416xf32> to vector<512x384xf32>
    %broadcast_in_dim3A_105 = arith.constant 0.000000e+00 : f32
    %broadcast_in_dim3A_106 = vector.broadcast %broadcast_in_dim3A_105 : f32 to vector<512x32xf32>
    %concatenate3A_107 = tpu.concatenate %slice3A_104, %broadcast_in_dim3A_106 in 1 : vector<512x384xf32>, vector<512x32xf32> -> vector<512x416xf32>
    %slice3A_108 = vector.extract_strided_slice %mul3A_64 {offsets = [0, 26], sizes = [512, 26], strides = [1, 1]} : vector<512x650xf32> to vector<512x26xf32>
    %dot_general3A_109 = arith.constant dense<0.000000e+00> : vector<512x416xf32>
    %dot_general3A_110 = tpu.matmul %slice3A_108, %select_n3A_92, %dot_general3A_109 {dimension_numbers = #tpu.dot_dimension_numbers<[1], [0], [0], [1], [0, 0, 1, 1], [], []>, transpose_lhs_hint = false} : vector<512x26xf32>, vector<26x416xf32>, vector<512x416xf32> -> vector<512x416xf32>
    %mul3A_111 = arith.mulf %concatenate3A, %concatenate3A_107 : vector<512x416xf32>
    %mul3A_112 = arith.mulf %mul3A_111, %dot_general3A_110 : vector<512x416xf32>
    %add3A_113 = arith.addf %add3A_103, %mul3A_112 : vector<512x416xf32>
    %slice3A_114 = vector.extract_strided_slice %concatenate3A {offsets = [0, 48], sizes = [512, 368], strides = [1, 1]} : vector<512x416xf32> to vector<512x368xf32>
    %broadcast_in_dim3A_115 = arith.constant 0.000000e+00 : f32
    %broadcast_in_dim3A_116 = vector.broadcast %broadcast_in_dim3A_115 : f32 to vector<512x48xf32>
    %concatenate3A_117 = tpu.concatenate %slice3A_114, %broadcast_in_dim3A_116 in 1 : vector<512x368xf32>, vector<512x48xf32> -> vector<512x416xf32>
    %slice3A_118 = vector.extract_strided_slice %mul3A_64 {offsets = [0, 52], sizes = [512, 26], strides = [1, 1]} : vector<512x650xf32> to vector<512x26xf32>
    %dot_general3A_119 = arith.constant dense<0.000000e+00> : vector<512x416xf32>
    %dot_general3A_120 = tpu.matmul %slice3A_118, %select_n3A_92, %dot_general3A_119 {dimension_numbers = #tpu.dot_dimension_numbers<[1], [0], [0], [1], [0, 0, 1, 1], [], []>, transpose_lhs_hint = false} : vector<512x26xf32>, vector<26x416xf32>, vector<512x416xf32> -> vector<512x416xf32>
    %mul3A_121 = arith.mulf %concatenate3A, %concatenate3A_117 : vector<512x416xf32>
    %mul3A_122 = arith.mulf %mul3A_121, %dot_general3A_120 : vector<512x416xf32>
    %add3A_123 = arith.addf %add3A_113, %mul3A_122 : vector<512x416xf32>
    %slice3A_124 = vector.extract_strided_slice %concatenate3A {offsets = [0, 64], sizes = [512, 352], strides = [1, 1]} : vector<512x416xf32> to vector<512x352xf32>
    %broadcast_in_dim3A_125 = arith.constant 0.000000e+00 : f32
    %broadcast_in_dim3A_126 = vector.broadcast %broadcast_in_dim3A_125 : f32 to vector<512x64xf32>
    %concatenate3A_127 = tpu.concatenate %slice3A_124, %broadcast_in_dim3A_126 in 1 : vector<512x352xf32>, vector<512x64xf32> -> vector<512x416xf32>
    %slice3A_128 = vector.extract_strided_slice %mul3A_64 {offsets = [0, 78], sizes = [512, 26], strides = [1, 1]} : vector<512x650xf32> to vector<512x26xf32>
    %dot_general3A_129 = arith.constant dense<0.000000e+00> : vector<512x416xf32>
    %dot_general3A_130 = tpu.matmul %slice3A_128, %select_n3A_92, %dot_general3A_129 {dimension_numbers = #tpu.dot_dimension_numbers<[1], [0], [0], [1], [0, 0, 1, 1], [], []>, transpose_lhs_hint = false} : vector<512x26xf32>, vector<26x416xf32>, vector<512x416xf32> -> vector<512x416xf32>
    %mul3A_131 = arith.mulf %concatenate3A, %concatenate3A_127 : vector<512x416xf32>
    %mul3A_132 = arith.mulf %mul3A_131, %dot_general3A_130 : vector<512x416xf32>
    %add3A_133 = arith.addf %add3A_123, %mul3A_132 : vector<512x416xf32>
    %slice3A_134 = vector.extract_strided_slice %concatenate3A {offsets = [0, 80], sizes = [512, 336], strides = [1, 1]} : vector<512x416xf32> to vector<512x336xf32>
    %broadcast_in_dim3A_135 = arith.constant 0.000000e+00 : f32
    %broadcast_in_dim3A_136 = vector.broadcast %broadcast_in_dim3A_135 : f32 to vector<512x80xf32>
    %concatenate3A_137 = tpu.concatenate %slice3A_134, %broadcast_in_dim3A_136 in 1 : vector<512x336xf32>, vector<512x80xf32> -> vector<512x416xf32>
    %slice3A_138 = vector.extract_strided_slice %mul3A_64 {offsets = [0, 104], sizes = [512, 26], strides = [1, 1]} : vector<512x650xf32> to vector<512x26xf32>
    %dot_general3A_139 = arith.constant dense<0.000000e+00> : vector<512x416xf32>
    %dot_general3A_140 = tpu.matmul %slice3A_138, %select_n3A_92, %dot_general3A_139 {dimension_numbers = #tpu.dot_dimension_numbers<[1], [0], [0], [1], [0, 0, 1, 1], [], []>, transpose_lhs_hint = false} : vector<512x26xf32>, vector<26x416xf32>, vector<512x416xf32> -> vector<512x416xf32>
    %mul3A_141 = arith.mulf %concatenate3A, %concatenate3A_137 : vector<512x416xf32>
    %mul3A_142 = arith.mulf %mul3A_141, %dot_general3A_140 : vector<512x416xf32>
    %add3A_143 = arith.addf %add3A_133, %mul3A_142 : vector<512x416xf32>
    %slice3A_144 = vector.extract_strided_slice %concatenate3A {offsets = [0, 96], sizes = [512, 320], strides = [1, 1]} : vector<512x416xf32> to vector<512x320xf32>
    %broadcast_in_dim3A_145 = arith.constant 0.000000e+00 : f32
    %broadcast_in_dim3A_146 = vector.broadcast %broadcast_in_dim3A_145 : f32 to vector<512x96xf32>
    %concatenate3A_147 = tpu.concatenate %slice3A_144, %broadcast_in_dim3A_146 in 1 : vector<512x320xf32>, vector<512x96xf32> -> vector<512x416xf32>
    %slice3A_148 = vector.extract_strided_slice %mul3A_64 {offsets = [0, 130], sizes = [512, 26], strides = [1, 1]} : vector<512x650xf32> to vector<512x26xf32>
    %dot_general3A_149 = arith.constant dense<0.000000e+00> : vector<512x416xf32>
    %dot_general3A_150 = tpu.matmul %slice3A_148, %select_n3A_92, %dot_general3A_149 {dimension_numbers = #tpu.dot_dimension_numbers<[1], [0], [0], [1], [0, 0, 1, 1], [], []>, transpose_lhs_hint = false} : vector<512x26xf32>, vector<26x416xf32>, vector<512x416xf32> -> vector<512x416xf32>
    %mul3A_151 = arith.mulf %concatenate3A, %concatenate3A_147 : vector<512x416xf32>
    %mul3A_152 = arith.mulf %mul3A_151, %dot_general3A_150 : vector<512x416xf32>
    %add3A_153 = arith.addf %add3A_143, %mul3A_152 : vector<512x416xf32>
    %slice3A_154 = vector.extract_strided_slice %concatenate3A {offsets = [0, 112], sizes = [512, 304], strides = [1, 1]} : vector<512x416xf32> to vector<512x304xf32>
    %broadcast_in_dim3A_155 = arith.constant 0.000000e+00 : f32
    %broadcast_in_dim3A_156 = vector.broadcast %broadcast_in_dim3A_155 : f32 to vector<512x112xf32>
    %concatenate3A_157 = tpu.concatenate %slice3A_154, %broadcast_in_dim3A_156 in 1 : vector<512x304xf32>, vector<512x112xf32> -> vector<512x416xf32>
    %slice3A_158 = vector.extract_strided_slice %mul3A_64 {offsets = [0, 156], sizes = [512, 26], strides = [1, 1]} : vector<512x650xf32> to vector<512x26xf32>
    %dot_general3A_159 = arith.constant dense<0.000000e+00> : vector<512x416xf32>
    %dot_general3A_160 = tpu.matmul %slice3A_158, %select_n3A_92, %dot_general3A_159 {dimension_numbers = #tpu.dot_dimension_numbers<[1], [0], [0], [1], [0, 0, 1, 1], [], []>, transpose_lhs_hint = false} : vector<512x26xf32>, vector<26x416xf32>, vector<512x416xf32> -> vector<512x416xf32>
    %mul3A_161 = arith.mulf %concatenate3A, %concatenate3A_157 : vector<512x416xf32>
    %mul3A_162 = arith.mulf %mul3A_161, %dot_general3A_160 : vector<512x416xf32>
    %add3A_163 = arith.addf %add3A_153, %mul3A_162 : vector<512x416xf32>
    %slice3A_164 = vector.extract_strided_slice %concatenate3A {offsets = [0, 128], sizes = [512, 288], strides = [1, 1]} : vector<512x416xf32> to vector<512x288xf32>
    %broadcast_in_dim3A_165 = arith.constant 0.000000e+00 : f32
    %broadcast_in_dim3A_166 = vector.broadcast %broadcast_in_dim3A_165 : f32 to vector<512x128xf32>
    %concatenate3A_167 = tpu.concatenate %slice3A_164, %broadcast_in_dim3A_166 in 1 : vector<512x288xf32>, vector<512x128xf32> -> vector<512x416xf32>
    %slice3A_168 = vector.extract_strided_slice %mul3A_64 {offsets = [0, 182], sizes = [512, 26], strides = [1, 1]} : vector<512x650xf32> to vector<512x26xf32>
    %dot_general3A_169 = arith.constant dense<0.000000e+00> : vector<512x416xf32>
    %dot_general3A_170 = tpu.matmul %slice3A_168, %select_n3A_92, %dot_general3A_169 {dimension_numbers = #tpu.dot_dimension_numbers<[1], [0], [0], [1], [0, 0, 1, 1], [], []>, transpose_lhs_hint = false} : vector<512x26xf32>, vector<26x416xf32>, vector<512x416xf32> -> vector<512x416xf32>
    %mul3A_171 = arith.mulf %concatenate3A, %concatenate3A_167 : vector<512x416xf32>
    %mul3A_172 = arith.mulf %mul3A_171, %dot_general3A_170 : vector<512x416xf32>
    %add3A_173 = arith.addf %add3A_163, %mul3A_172 : vector<512x416xf32>
    %slice3A_174 = vector.extract_strided_slice %concatenate3A {offsets = [0, 144], sizes = [512, 272], strides = [1, 1]} : vector<512x416xf32> to vector<512x272xf32>
    %broadcast_in_dim3A_175 = arith.constant 0.000000e+00 : f32
    %broadcast_in_dim3A_176 = vector.broadcast %broadcast_in_dim3A_175 : f32 to vector<512x144xf32>
    %concatenate3A_177 = tpu.concatenate %slice3A_174, %broadcast_in_dim3A_176 in 1 : vector<512x272xf32>, vector<512x144xf32> -> vector<512x416xf32>
    %slice3A_178 = vector.extract_strided_slice %mul3A_64 {offsets = [0, 208], sizes = [512, 26], strides = [1, 1]} : vector<512x650xf32> to vector<512x26xf32>
    %dot_general3A_179 = arith.constant dense<0.000000e+00> : vector<512x416xf32>
    %dot_general3A_180 = tpu.matmul %slice3A_178, %select_n3A_92, %dot_general3A_179 {dimension_numbers = #tpu.dot_dimension_numbers<[1], [0], [0], [1], [0, 0, 1, 1], [], []>, transpose_lhs_hint = false} : vector<512x26xf32>, vector<26x416xf32>, vector<512x416xf32> -> vector<512x416xf32>
    %mul3A_181 = arith.mulf %concatenate3A, %concatenate3A_177 : vector<512x416xf32>
    %mul3A_182 = arith.mulf %mul3A_181, %dot_general3A_180 : vector<512x416xf32>
    %add3A_183 = arith.addf %add3A_173, %mul3A_182 : vector<512x416xf32>
    %slice3A_184 = vector.extract_strided_slice %concatenate3A {offsets = [0, 160], sizes = [512, 256], strides = [1, 1]} : vector<512x416xf32> to vector<512x256xf32>
    %broadcast_in_dim3A_185 = arith.constant 0.000000e+00 : f32
    %broadcast_in_dim3A_186 = vector.broadcast %broadcast_in_dim3A_185 : f32 to vector<512x160xf32>
    %concatenate3A_187 = tpu.concatenate %slice3A_184, %broadcast_in_dim3A_186 in 1 : vector<512x256xf32>, vector<512x160xf32> -> vector<512x416xf32>
    %slice3A_188 = vector.extract_strided_slice %mul3A_64 {offsets = [0, 234], sizes = [512, 26], strides = [1, 1]} : vector<512x650xf32> to vector<512x26xf32>
    %dot_general3A_189 = arith.constant dense<0.000000e+00> : vector<512x416xf32>
    %dot_general3A_190 = tpu.matmul %slice3A_188, %select_n3A_92, %dot_general3A_189 {dimension_numbers = #tpu.dot_dimension_numbers<[1], [0], [0], [1], [0, 0, 1, 1], [], []>, transpose_lhs_hint = false} : vector<512x26xf32>, vector<26x416xf32>, vector<512x416xf32> -> vector<512x416xf32>
    %mul3A_191 = arith.mulf %concatenate3A, %concatenate3A_187 : vector<512x416xf32>
    %mul3A_192 = arith.mulf %mul3A_191, %dot_general3A_190 : vector<512x416xf32>
    %add3A_193 = arith.addf %add3A_183, %mul3A_192 : vector<512x416xf32>
    %slice3A_194 = vector.extract_strided_slice %concatenate3A {offsets = [0, 176], sizes = [512, 240], strides = [1, 1]} : vector<512x416xf32> to vector<512x240xf32>
    %broadcast_in_dim3A_195 = arith.constant 0.000000e+00 : f32
    %broadcast_in_dim3A_196 = vector.broadcast %broadcast_in_dim3A_195 : f32 to vector<512x176xf32>
    %concatenate3A_197 = tpu.concatenate %slice3A_194, %broadcast_in_dim3A_196 in 1 : vector<512x240xf32>, vector<512x176xf32> -> vector<512x416xf32>
    %slice3A_198 = vector.extract_strided_slice %mul3A_64 {offsets = [0, 260], sizes = [512, 26], strides = [1, 1]} : vector<512x650xf32> to vector<512x26xf32>
    %dot_general3A_199 = arith.constant dense<0.000000e+00> : vector<512x416xf32>
    %dot_general3A_200 = tpu.matmul %slice3A_198, %select_n3A_92, %dot_general3A_199 {dimension_numbers = #tpu.dot_dimension_numbers<[1], [0], [0], [1], [0, 0, 1, 1], [], []>, transpose_lhs_hint = false} : vector<512x26xf32>, vector<26x416xf32>, vector<512x416xf32> -> vector<512x416xf32>
    %mul3A_201 = arith.mulf %concatenate3A, %concatenate3A_197 : vector<512x416xf32>
    %mul3A_202 = arith.mulf %mul3A_201, %dot_general3A_200 : vector<512x416xf32>
    %add3A_203 = arith.addf %add3A_193, %mul3A_202 : vector<512x416xf32>
    %slice3A_204 = vector.extract_strided_slice %concatenate3A {offsets = [0, 192], sizes = [512, 224], strides = [1, 1]} : vector<512x416xf32> to vector<512x224xf32>
    %broadcast_in_dim3A_205 = arith.constant 0.000000e+00 : f32
    %broadcast_in_dim3A_206 = vector.broadcast %broadcast_in_dim3A_205 : f32 to vector<512x192xf32>
    %concatenate3A_207 = tpu.concatenate %slice3A_204, %broadcast_in_dim3A_206 in 1 : vector<512x224xf32>, vector<512x192xf32> -> vector<512x416xf32>
    %slice3A_208 = vector.extract_strided_slice %mul3A_64 {offsets = [0, 286], sizes = [512, 26], strides = [1, 1]} : vector<512x650xf32> to vector<512x26xf32>
    %dot_general3A_209 = arith.constant dense<0.000000e+00> : vector<512x416xf32>
    %dot_general3A_210 = tpu.matmul %slice3A_208, %select_n3A_92, %dot_general3A_209 {dimension_numbers = #tpu.dot_dimension_numbers<[1], [0], [0], [1], [0, 0, 1, 1], [], []>, transpose_lhs_hint = false} : vector<512x26xf32>, vector<26x416xf32>, vector<512x416xf32> -> vector<512x416xf32>
    %mul3A_211 = arith.mulf %concatenate3A, %concatenate3A_207 : vector<512x416xf32>
    %mul3A_212 = arith.mulf %mul3A_211, %dot_general3A_210 : vector<512x416xf32>
    %add3A_213 = arith.addf %add3A_203, %mul3A_212 : vector<512x416xf32>
    %slice3A_214 = vector.extract_strided_slice %concatenate3A {offsets = [0, 208], sizes = [512, 208], strides = [1, 1]} : vector<512x416xf32> to vector<512x208xf32>
    %broadcast_in_dim3A_215 = arith.constant 0.000000e+00 : f32
    %broadcast_in_dim3A_216 = vector.broadcast %broadcast_in_dim3A_215 : f32 to vector<512x208xf32>
    %concatenate3A_217 = tpu.concatenate %slice3A_214, %broadcast_in_dim3A_216 in 1 : vector<512x208xf32>, vector<512x208xf32> -> vector<512x416xf32>
    %slice3A_218 = vector.extract_strided_slice %mul3A_64 {offsets = [0, 312], sizes = [512, 26], strides = [1, 1]} : vector<512x650xf32> to vector<512x26xf32>
    %dot_general3A_219 = arith.constant dense<0.000000e+00> : vector<512x416xf32>
    %dot_general3A_220 = tpu.matmul %slice3A_218, %select_n3A_92, %dot_general3A_219 {dimension_numbers = #tpu.dot_dimension_numbers<[1], [0], [0], [1], [0, 0, 1, 1], [], []>, transpose_lhs_hint = false} : vector<512x26xf32>, vector<26x416xf32>, vector<512x416xf32> -> vector<512x416xf32>
    %mul3A_221 = arith.mulf %concatenate3A, %concatenate3A_217 : vector<512x416xf32>
    %mul3A_222 = arith.mulf %mul3A_221, %dot_general3A_220 : vector<512x416xf32>
    %add3A_223 = arith.addf %add3A_213, %mul3A_222 : vector<512x416xf32>
    %slice3A_224 = vector.extract_strided_slice %concatenate3A {offsets = [0, 224], sizes = [512, 192], strides = [1, 1]} : vector<512x416xf32> to vector<512x192xf32>
    %broadcast_in_dim3A_225 = arith.constant 0.000000e+00 : f32
    %broadcast_in_dim3A_226 = vector.broadcast %broadcast_in_dim3A_225 : f32 to vector<512x224xf32>
    %concatenate3A_227 = tpu.concatenate %slice3A_224, %broadcast_in_dim3A_226 in 1 : vector<512x192xf32>, vector<512x224xf32> -> vector<512x416xf32>
    %slice3A_228 = vector.extract_strided_slice %mul3A_64 {offsets = [0, 338], sizes = [512, 26], strides = [1, 1]} : vector<512x650xf32> to vector<512x26xf32>
    %dot_general3A_229 = arith.constant dense<0.000000e+00> : vector<512x416xf32>
    %dot_general3A_230 = tpu.matmul %slice3A_228, %select_n3A_92, %dot_general3A_229 {dimension_numbers = #tpu.dot_dimension_numbers<[1], [0], [0], [1], [0, 0, 1, 1], [], []>, transpose_lhs_hint = false} : vector<512x26xf32>, vector<26x416xf32>, vector<512x416xf32> -> vector<512x416xf32>
    %mul3A_231 = arith.mulf %concatenate3A, %concatenate3A_227 : vector<512x416xf32>
    %mul3A_232 = arith.mulf %mul3A_231, %dot_general3A_230 : vector<512x416xf32>
    %add3A_233 = arith.addf %add3A_223, %mul3A_232 : vector<512x416xf32>
    %slice3A_234 = vector.extract_strided_slice %concatenate3A {offsets = [0, 240], sizes = [512, 176], strides = [1, 1]} : vector<512x416xf32> to vector<512x176xf32>
    %broadcast_in_dim3A_235 = arith.constant 0.000000e+00 : f32
    %broadcast_in_dim3A_236 = vector.broadcast %broadcast_in_dim3A_235 : f32 to vector<512x240xf32>
    %concatenate3A_237 = tpu.concatenate %slice3A_234, %broadcast_in_dim3A_236 in 1 : vector<512x176xf32>, vector<512x240xf32> -> vector<512x416xf32>
    %slice3A_238 = vector.extract_strided_slice %mul3A_64 {offsets = [0, 364], sizes = [512, 26], strides = [1, 1]} : vector<512x650xf32> to vector<512x26xf32>
    %dot_general3A_239 = arith.constant dense<0.000000e+00> : vector<512x416xf32>
    %dot_general3A_240 = tpu.matmul %slice3A_238, %select_n3A_92, %dot_general3A_239 {dimension_numbers = #tpu.dot_dimension_numbers<[1], [0], [0], [1], [0, 0, 1, 1], [], []>, transpose_lhs_hint = false} : vector<512x26xf32>, vector<26x416xf32>, vector<512x416xf32> -> vector<512x416xf32>
    %mul3A_241 = arith.mulf %concatenate3A, %concatenate3A_237 : vector<512x416xf32>
    %mul3A_242 = arith.mulf %mul3A_241, %dot_general3A_240 : vector<512x416xf32>
    %add3A_243 = arith.addf %add3A_233, %mul3A_242 : vector<512x416xf32>
    %slice3A_244 = vector.extract_strided_slice %concatenate3A {offsets = [0, 256], sizes = [512, 160], strides = [1, 1]} : vector<512x416xf32> to vector<512x160xf32>
    %broadcast_in_dim3A_245 = arith.constant 0.000000e+00 : f32
    %broadcast_in_dim3A_246 = vector.broadcast %broadcast_in_dim3A_245 : f32 to vector<512x256xf32>
    %concatenate3A_247 = tpu.concatenate %slice3A_244, %broadcast_in_dim3A_246 in 1 : vector<512x160xf32>, vector<512x256xf32> -> vector<512x416xf32>
    %slice3A_248 = vector.extract_strided_slice %mul3A_64 {offsets = [0, 390], sizes = [512, 26], strides = [1, 1]} : vector<512x650xf32> to vector<512x26xf32>
    %dot_general3A_249 = arith.constant dense<0.000000e+00> : vector<512x416xf32>
    %dot_general3A_250 = tpu.matmul %slice3A_248, %select_n3A_92, %dot_general3A_249 {dimension_numbers = #tpu.dot_dimension_numbers<[1], [0], [0], [1], [0, 0, 1, 1], [], []>, transpose_lhs_hint = false} : vector<512x26xf32>, vector<26x416xf32>, vector<512x416xf32> -> vector<512x416xf32>
    %mul3A_251 = arith.mulf %concatenate3A, %concatenate3A_247 : vector<512x416xf32>
    %mul3A_252 = arith.mulf %mul3A_251, %dot_general3A_250 : vector<512x416xf32>
    %add3A_253 = arith.addf %add3A_243, %mul3A_252 : vector<512x416xf32>
    %slice3A_254 = vector.extract_strided_slice %concatenate3A {offsets = [0, 272], sizes = [512, 144], strides = [1, 1]} : vector<512x416xf32> to vector<512x144xf32>
    %broadcast_in_dim3A_255 = arith.constant 0.000000e+00 : f32
    %broadcast_in_dim3A_256 = vector.broadcast %broadcast_in_dim3A_255 : f32 to vector<512x272xf32>
    %concatenate3A_257 = tpu.concatenate %slice3A_254, %broadcast_in_dim3A_256 in 1 : vector<512x144xf32>, vector<512x272xf32> -> vector<512x416xf32>
    %slice3A_258 = vector.extract_strided_slice %mul3A_64 {offsets = [0, 416], sizes = [512, 26], strides = [1, 1]} : vector<512x650xf32> to vector<512x26xf32>
    %dot_general3A_259 = arith.constant dense<0.000000e+00> : vector<512x416xf32>
    %dot_general3A_260 = tpu.matmul %slice3A_258, %select_n3A_92, %dot_general3A_259 {dimension_numbers = #tpu.dot_dimension_numbers<[1], [0], [0], [1], [0, 0, 1, 1], [], []>, transpose_lhs_hint = false} : vector<512x26xf32>, vector<26x416xf32>, vector<512x416xf32> -> vector<512x416xf32>
    %mul3A_261 = arith.mulf %concatenate3A, %concatenate3A_257 : vector<512x416xf32>
    %mul3A_262 = arith.mulf %mul3A_261, %dot_general3A_260 : vector<512x416xf32>
    %add3A_263 = arith.addf %add3A_253, %mul3A_262 : vector<512x416xf32>
    %slice3A_264 = vector.extract_strided_slice %concatenate3A {offsets = [0, 288], sizes = [512, 128], strides = [1, 1]} : vector<512x416xf32> to vector<512x128xf32>
    %broadcast_in_dim3A_265 = arith.constant 0.000000e+00 : f32
    %broadcast_in_dim3A_266 = vector.broadcast %broadcast_in_dim3A_265 : f32 to vector<512x288xf32>
    %concatenate3A_267 = tpu.concatenate %slice3A_264, %broadcast_in_dim3A_266 in 1 : vector<512x128xf32>, vector<512x288xf32> -> vector<512x416xf32>
    %slice3A_268 = vector.extract_strided_slice %mul3A_64 {offsets = [0, 442], sizes = [512, 26], strides = [1, 1]} : vector<512x650xf32> to vector<512x26xf32>
    %dot_general3A_269 = arith.constant dense<0.000000e+00> : vector<512x416xf32>
    %dot_general3A_270 = tpu.matmul %slice3A_268, %select_n3A_92, %dot_general3A_269 {dimension_numbers = #tpu.dot_dimension_numbers<[1], [0], [0], [1], [0, 0, 1, 1], [], []>, transpose_lhs_hint = false} : vector<512x26xf32>, vector<26x416xf32>, vector<512x416xf32> -> vector<512x416xf32>
    %mul3A_271 = arith.mulf %concatenate3A, %concatenate3A_267 : vector<512x416xf32>
    %mul3A_272 = arith.mulf %mul3A_271, %dot_general3A_270 : vector<512x416xf32>
    %add3A_273 = arith.addf %add3A_263, %mul3A_272 : vector<512x416xf32>
    %slice3A_274 = vector.extract_strided_slice %concatenate3A {offsets = [0, 304], sizes = [512, 112], strides = [1, 1]} : vector<512x416xf32> to vector<512x112xf32>
    %broadcast_in_dim3A_275 = arith.constant 0.000000e+00 : f32
    %broadcast_in_dim3A_276 = vector.broadcast %broadcast_in_dim3A_275 : f32 to vector<512x304xf32>
    %concatenate3A_277 = tpu.concatenate %slice3A_274, %broadcast_in_dim3A_276 in 1 : vector<512x112xf32>, vector<512x304xf32> -> vector<512x416xf32>
    %slice3A_278 = vector.extract_strided_slice %mul3A_64 {offsets = [0, 468], sizes = [512, 26], strides = [1, 1]} : vector<512x650xf32> to vector<512x26xf32>
    %dot_general3A_279 = arith.constant dense<0.000000e+00> : vector<512x416xf32>
    %dot_general3A_280 = tpu.matmul %slice3A_278, %select_n3A_92, %dot_general3A_279 {dimension_numbers = #tpu.dot_dimension_numbers<[1], [0], [0], [1], [0, 0, 1, 1], [], []>, transpose_lhs_hint = false} : vector<512x26xf32>, vector<26x416xf32>, vector<512x416xf32> -> vector<512x416xf32>
    %mul3A_281 = arith.mulf %concatenate3A, %concatenate3A_277 : vector<512x416xf32>
    %mul3A_282 = arith.mulf %mul3A_281, %dot_general3A_280 : vector<512x416xf32>
    %add3A_283 = arith.addf %add3A_273, %mul3A_282 : vector<512x416xf32>
    %slice3A_284 = vector.extract_strided_slice %concatenate3A {offsets = [0, 320], sizes = [512, 96], strides = [1, 1]} : vector<512x416xf32> to vector<512x96xf32>
    %broadcast_in_dim3A_285 = arith.constant 0.000000e+00 : f32
    %broadcast_in_dim3A_286 = vector.broadcast %broadcast_in_dim3A_285 : f32 to vector<512x320xf32>
    %concatenate3A_287 = tpu.concatenate %slice3A_284, %broadcast_in_dim3A_286 in 1 : vector<512x96xf32>, vector<512x320xf32> -> vector<512x416xf32>
    %slice3A_288 = vector.extract_strided_slice %mul3A_64 {offsets = [0, 494], sizes = [512, 26], strides = [1, 1]} : vector<512x650xf32> to vector<512x26xf32>
    %dot_general3A_289 = arith.constant dense<0.000000e+00> : vector<512x416xf32>
    %dot_general3A_290 = tpu.matmul %slice3A_288, %select_n3A_92, %dot_general3A_289 {dimension_numbers = #tpu.dot_dimension_numbers<[1], [0], [0], [1], [0, 0, 1, 1], [], []>, transpose_lhs_hint = false} : vector<512x26xf32>, vector<26x416xf32>, vector<512x416xf32> -> vector<512x416xf32>
    %mul3A_291 = arith.mulf %concatenate3A, %concatenate3A_287 : vector<512x416xf32>
    %mul3A_292 = arith.mulf %mul3A_291, %dot_general3A_290 : vector<512x416xf32>
    %add3A_293 = arith.addf %add3A_283, %mul3A_292 : vector<512x416xf32>
    %slice3A_294 = vector.extract_strided_slice %concatenate3A {offsets = [0, 336], sizes = [512, 80], strides = [1, 1]} : vector<512x416xf32> to vector<512x80xf32>
    %broadcast_in_dim3A_295 = arith.constant 0.000000e+00 : f32
    %broadcast_in_dim3A_296 = vector.broadcast %broadcast_in_dim3A_295 : f32 to vector<512x336xf32>
    %concatenate3A_297 = tpu.concatenate %slice3A_294, %broadcast_in_dim3A_296 in 1 : vector<512x80xf32>, vector<512x336xf32> -> vector<512x416xf32>
    %slice3A_298 = vector.extract_strided_slice %mul3A_64 {offsets = [0, 520], sizes = [512, 26], strides = [1, 1]} : vector<512x650xf32> to vector<512x26xf32>
    %dot_general3A_299 = arith.constant dense<0.000000e+00> : vector<512x416xf32>
    %dot_general3A_300 = tpu.matmul %slice3A_298, %select_n3A_92, %dot_general3A_299 {dimension_numbers = #tpu.dot_dimension_numbers<[1], [0], [0], [1], [0, 0, 1, 1], [], []>, transpose_lhs_hint = false} : vector<512x26xf32>, vector<26x416xf32>, vector<512x416xf32> -> vector<512x416xf32>
    %mul3A_301 = arith.mulf %concatenate3A, %concatenate3A_297 : vector<512x416xf32>
    %mul3A_302 = arith.mulf %mul3A_301, %dot_general3A_300 : vector<512x416xf32>
    %add3A_303 = arith.addf %add3A_293, %mul3A_302 : vector<512x416xf32>
    %slice3A_304 = vector.extract_strided_slice %concatenate3A {offsets = [0, 352], sizes = [512, 64], strides = [1, 1]} : vector<512x416xf32> to vector<512x64xf32>
    %broadcast_in_dim3A_305 = arith.constant 0.000000e+00 : f32
    %broadcast_in_dim3A_306 = vector.broadcast %broadcast_in_dim3A_305 : f32 to vector<512x352xf32>
    %concatenate3A_307 = tpu.concatenate %slice3A_304, %broadcast_in_dim3A_306 in 1 : vector<512x64xf32>, vector<512x352xf32> -> vector<512x416xf32>
    %slice3A_308 = vector.extract_strided_slice %mul3A_64 {offsets = [0, 546], sizes = [512, 26], strides = [1, 1]} : vector<512x650xf32> to vector<512x26xf32>
    %dot_general3A_309 = arith.constant dense<0.000000e+00> : vector<512x416xf32>
    %dot_general3A_310 = tpu.matmul %slice3A_308, %select_n3A_92, %dot_general3A_309 {dimension_numbers = #tpu.dot_dimension_numbers<[1], [0], [0], [1], [0, 0, 1, 1], [], []>, transpose_lhs_hint = false} : vector<512x26xf32>, vector<26x416xf32>, vector<512x416xf32> -> vector<512x416xf32>
    %mul3A_311 = arith.mulf %concatenate3A, %concatenate3A_307 : vector<512x416xf32>
    %mul3A_312 = arith.mulf %mul3A_311, %dot_general3A_310 : vector<512x416xf32>
    %add3A_313 = arith.addf %add3A_303, %mul3A_312 : vector<512x416xf32>
    %slice3A_314 = vector.extract_strided_slice %concatenate3A {offsets = [0, 368], sizes = [512, 48], strides = [1, 1]} : vector<512x416xf32> to vector<512x48xf32>
    %broadcast_in_dim3A_315 = arith.constant 0.000000e+00 : f32
    %broadcast_in_dim3A_316 = vector.broadcast %broadcast_in_dim3A_315 : f32 to vector<512x368xf32>
    %concatenate3A_317 = tpu.concatenate %slice3A_314, %broadcast_in_dim3A_316 in 1 : vector<512x48xf32>, vector<512x368xf32> -> vector<512x416xf32>
    %slice3A_318 = vector.extract_strided_slice %mul3A_64 {offsets = [0, 572], sizes = [512, 26], strides = [1, 1]} : vector<512x650xf32> to vector<512x26xf32>
    %dot_general3A_319 = arith.constant dense<0.000000e+00> : vector<512x416xf32>
    %dot_general3A_320 = tpu.matmul %slice3A_318, %select_n3A_92, %dot_general3A_319 {dimension_numbers = #tpu.dot_dimension_numbers<[1], [0], [0], [1], [0, 0, 1, 1], [], []>, transpose_lhs_hint = false} : vector<512x26xf32>, vector<26x416xf32>, vector<512x416xf32> -> vector<512x416xf32>
    %mul3A_321 = arith.mulf %concatenate3A, %concatenate3A_317 : vector<512x416xf32>
    %mul3A_322 = arith.mulf %mul3A_321, %dot_general3A_320 : vector<512x416xf32>
    %add3A_323 = arith.addf %add3A_313, %mul3A_322 : vector<512x416xf32>
    %slice3A_324 = vector.extract_strided_slice %concatenate3A {offsets = [0, 384], sizes = [512, 32], strides = [1, 1]} : vector<512x416xf32> to vector<512x32xf32>
    %broadcast_in_dim3A_325 = arith.constant 0.000000e+00 : f32
    %broadcast_in_dim3A_326 = vector.broadcast %broadcast_in_dim3A_325 : f32 to vector<512x384xf32>
    %concatenate3A_327 = tpu.concatenate %slice3A_324, %broadcast_in_dim3A_326 in 1 : vector<512x32xf32>, vector<512x384xf32> -> vector<512x416xf32>
    %slice3A_328 = vector.extract_strided_slice %mul3A_64 {offsets = [0, 598], sizes = [512, 26], strides = [1, 1]} : vector<512x650xf32> to vector<512x26xf32>
    %dot_general3A_329 = arith.constant dense<0.000000e+00> : vector<512x416xf32>
    %dot_general3A_330 = tpu.matmul %slice3A_328, %select_n3A_92, %dot_general3A_329 {dimension_numbers = #tpu.dot_dimension_numbers<[1], [0], [0], [1], [0, 0, 1, 1], [], []>, transpose_lhs_hint = false} : vector<512x26xf32>, vector<26x416xf32>, vector<512x416xf32> -> vector<512x416xf32>
    %mul3A_331 = arith.mulf %concatenate3A, %concatenate3A_327 : vector<512x416xf32>
    %mul3A_332 = arith.mulf %mul3A_331, %dot_general3A_330 : vector<512x416xf32>
    %add3A_333 = arith.addf %add3A_323, %mul3A_332 : vector<512x416xf32>
    %slice3A_334 = vector.extract_strided_slice %concatenate3A {offsets = [0, 400], sizes = [512, 16], strides = [1, 1]} : vector<512x416xf32> to vector<512x16xf32>
    %broadcast_in_dim3A_335 = arith.constant 0.000000e+00 : f32
    %broadcast_in_dim3A_336 = vector.broadcast %broadcast_in_dim3A_335 : f32 to vector<512x400xf32>
    %concatenate3A_337 = tpu.concatenate %slice3A_334, %broadcast_in_dim3A_336 in 1 : vector<512x16xf32>, vector<512x400xf32> -> vector<512x416xf32>
    %slice3A_338 = vector.extract_strided_slice %mul3A_64 {offsets = [0, 624], sizes = [512, 26], strides = [1, 1]} : vector<512x650xf32> to vector<512x26xf32>
    %dot_general3A_339 = arith.constant dense<0.000000e+00> : vector<512x416xf32>
    %dot_general3A_340 = tpu.matmul %slice3A_338, %select_n3A_92, %dot_general3A_339 {dimension_numbers = #tpu.dot_dimension_numbers<[1], [0], [0], [1], [0, 0, 1, 1], [], []>, transpose_lhs_hint = false} : vector<512x26xf32>, vector<26x416xf32>, vector<512x416xf32> -> vector<512x416xf32>
    %mul3A_341 = arith.mulf %concatenate3A, %concatenate3A_337 : vector<512x416xf32>
    %mul3A_342 = arith.mulf %mul3A_341, %dot_general3A_340 : vector<512x416xf32>
    %add3A_343 = arith.addf %add3A_333, %mul3A_342 : vector<512x416xf32>
    %broadcast_in_dim3A_344 = arith.constant 0.000000e+00 : f32
    %broadcast_in_dim3A_345 = vector.broadcast %broadcast_in_dim3A_344 : f32 to vector<512x16xf32>
    %slice3A_346 = vector.extract_strided_slice %add3A_343 {offsets = [0, 0], sizes = [512, 16], strides = [1, 1]} : vector<512x416xf32> to vector<512x16xf32>
    %add3A_347 = arith.addf %broadcast_in_dim3A_345, %slice3A_346 : vector<512x16xf32>
    %slice3A_348 = vector.extract_strided_slice %add3A_343 {offsets = [0, 16], sizes = [512, 16], strides = [1, 1]} : vector<512x416xf32> to vector<512x16xf32>
    %add3A_349 = arith.addf %add3A_347, %slice3A_348 : vector<512x16xf32>
    %slice3A_350 = vector.extract_strided_slice %add3A_343 {offsets = [0, 32], sizes = [512, 16], strides = [1, 1]} : vector<512x416xf32> to vector<512x16xf32>
    %add3A_351 = arith.addf %add3A_349, %slice3A_350 : vector<512x16xf32>
    %slice3A_352 = vector.extract_strided_slice %add3A_343 {offsets = [0, 48], sizes = [512, 16], strides = [1, 1]} : vector<512x416xf32> to vector<512x16xf32>
    %add3A_353 = arith.addf %add3A_351, %slice3A_352 : vector<512x16xf32>
    %slice3A_354 = vector.extract_strided_slice %add3A_343 {offsets = [0, 64], sizes = [512, 16], strides = [1, 1]} : vector<512x416xf32> to vector<512x16xf32>
    %add3A_355 = arith.addf %add3A_353, %slice3A_354 : vector<512x16xf32>
    %slice3A_356 = vector.extract_strided_slice %add3A_343 {offsets = [0, 80], sizes = [512, 16], strides = [1, 1]} : vector<512x416xf32> to vector<512x16xf32>
    %add3A_357 = arith.addf %add3A_355, %slice3A_356 : vector<512x16xf32>
    %slice3A_358 = vector.extract_strided_slice %add3A_343 {offsets = [0, 96], sizes = [512, 16], strides = [1, 1]} : vector<512x416xf32> to vector<512x16xf32>
    %add3A_359 = arith.addf %add3A_357, %slice3A_358 : vector<512x16xf32>
    %slice3A_360 = vector.extract_strided_slice %add3A_343 {offsets = [0, 112], sizes = [512, 16], strides = [1, 1]} : vector<512x416xf32> to vector<512x16xf32>
    %add3A_361 = arith.addf %add3A_359, %slice3A_360 : vector<512x16xf32>
    %slice3A_362 = vector.extract_strided_slice %add3A_343 {offsets = [0, 128], sizes = [512, 16], strides = [1, 1]} : vector<512x416xf32> to vector<512x16xf32>
    %add3A_363 = arith.addf %add3A_361, %slice3A_362 : vector<512x16xf32>
    %slice3A_364 = vector.extract_strided_slice %add3A_343 {offsets = [0, 144], sizes = [512, 16], strides = [1, 1]} : vector<512x416xf32> to vector<512x16xf32>
    %add3A_365 = arith.addf %add3A_363, %slice3A_364 : vector<512x16xf32>
    %slice3A_366 = vector.extract_strided_slice %add3A_343 {offsets = [0, 160], sizes = [512, 16], strides = [1, 1]} : vector<512x416xf32> to vector<512x16xf32>
    %add3A_367 = arith.addf %add3A_365, %slice3A_366 : vector<512x16xf32>
    %slice3A_368 = vector.extract_strided_slice %add3A_343 {offsets = [0, 176], sizes = [512, 16], strides = [1, 1]} : vector<512x416xf32> to vector<512x16xf32>
    %add3A_369 = arith.addf %add3A_367, %slice3A_368 : vector<512x16xf32>
    %slice3A_370 = vector.extract_strided_slice %add3A_343 {offsets = [0, 192], sizes = [512, 16], strides = [1, 1]} : vector<512x416xf32> to vector<512x16xf32>
    %add3A_371 = arith.addf %add3A_369, %slice3A_370 : vector<512x16xf32>
    %slice3A_372 = vector.extract_strided_slice %add3A_343 {offsets = [0, 208], sizes = [512, 16], strides = [1, 1]} : vector<512x416xf32> to vector<512x16xf32>
    %add3A_373 = arith.addf %add3A_371, %slice3A_372 : vector<512x16xf32>
    %slice3A_374 = vector.extract_strided_slice %add3A_343 {offsets = [0, 224], sizes = [512, 16], strides = [1, 1]} : vector<512x416xf32> to vector<512x16xf32>
    %add3A_375 = arith.addf %add3A_373, %slice3A_374 : vector<512x16xf32>
    %slice3A_376 = vector.extract_strided_slice %add3A_343 {offsets = [0, 240], sizes = [512, 16], strides = [1, 1]} : vector<512x416xf32> to vector<512x16xf32>
    %add3A_377 = arith.addf %add3A_375, %slice3A_376 : vector<512x16xf32>
    %slice3A_378 = vector.extract_strided_slice %add3A_343 {offsets = [0, 256], sizes = [512, 16], strides = [1, 1]} : vector<512x416xf32> to vector<512x16xf32>
    %add3A_379 = arith.addf %add3A_377, %slice3A_378 : vector<512x16xf32>
    %slice3A_380 = vector.extract_strided_slice %add3A_343 {offsets = [0, 272], sizes = [512, 16], strides = [1, 1]} : vector<512x416xf32> to vector<512x16xf32>
    %add3A_381 = arith.addf %add3A_379, %slice3A_380 : vector<512x16xf32>
    %slice3A_382 = vector.extract_strided_slice %add3A_343 {offsets = [0, 288], sizes = [512, 16], strides = [1, 1]} : vector<512x416xf32> to vector<512x16xf32>
    %add3A_383 = arith.addf %add3A_381, %slice3A_382 : vector<512x16xf32>
    %slice3A_384 = vector.extract_strided_slice %add3A_343 {offsets = [0, 304], sizes = [512, 16], strides = [1, 1]} : vector<512x416xf32> to vector<512x16xf32>
    %add3A_385 = arith.addf %add3A_383, %slice3A_384 : vector<512x16xf32>
    %slice3A_386 = vector.extract_strided_slice %add3A_343 {offsets = [0, 320], sizes = [512, 16], strides = [1, 1]} : vector<512x416xf32> to vector<512x16xf32>
    %add3A_387 = arith.addf %add3A_385, %slice3A_386 : vector<512x16xf32>
    %slice3A_388 = vector.extract_strided_slice %add3A_343 {offsets = [0, 336], sizes = [512, 16], strides = [1, 1]} : vector<512x416xf32> to vector<512x16xf32>
    %add3A_389 = arith.addf %add3A_387, %slice3A_388 : vector<512x16xf32>
    %slice3A_390 = vector.extract_strided_slice %add3A_343 {offsets = [0, 352], sizes = [512, 16], strides = [1, 1]} : vector<512x416xf32> to vector<512x16xf32>
    %add3A_391 = arith.addf %add3A_389, %slice3A_390 : vector<512x16xf32>
    %slice3A_392 = vector.extract_strided_slice %add3A_343 {offsets = [0, 368], sizes = [512, 16], strides = [1, 1]} : vector<512x416xf32> to vector<512x16xf32>
    %add3A_393 = arith.addf %add3A_391, %slice3A_392 : vector<512x16xf32>
    %slice3A_394 = vector.extract_strided_slice %add3A_343 {offsets = [0, 384], sizes = [512, 16], strides = [1, 1]} : vector<512x416xf32> to vector<512x16xf32>
    %add3A_395 = arith.addf %add3A_393, %slice3A_394 : vector<512x16xf32>
    %slice3A_396 = vector.extract_strided_slice %add3A_343 {offsets = [0, 400], sizes = [512, 16], strides = [1, 1]} : vector<512x416xf32> to vector<512x16xf32>
    %add3A_397 = arith.addf %add3A_395, %slice3A_396 : vector<512x16xf32>
    %get3A_398 = arith.constant 0 : index
    %get3A_399 = arith.constant 0 : index
    %get3A_400 = vector.load %arg7[%get3A_398, %get3A_399] : memref<16x1xf32, #tpu.memory_space<vmem>>, vector<16x1xf32>
    %dot_general3A_401 = arith.constant dense<0.000000e+00> : vector<512x1xf32>
    %dot_general3A_402 = tpu.matmul %add3A_397, %get3A_400, %dot_general3A_401 {dimension_numbers = #tpu.dot_dimension_numbers<[1], [0], [0], [1], [0, 0, 1, 1], [], []>, transpose_lhs_hint = false} : vector<512x16xf32>, vector<16x1xf32>, vector<512x1xf32> -> vector<512x1xf32>
    %get3A_403 = arith.constant 0 : index
    %get3A_404 = arith.constant 0 : index
    %get3A_405 = vector.load %arg8[%get3A_403, %get3A_404] : memref<1x1xf32, #tpu.memory_space<vmem>>, vector<1x1xf32>
    %get3A_406 = vector.extract %get3A_405[0, 0] : f32 from vector<1x1xf32>
    %add3A_407 = vector.broadcast %get3A_406 : f32 to vector<512x1xf32>
    %add3A_408 = arith.addf %dot_general3A_402, %add3A_407 : vector<512x1xf32>
    %get3A_409 = arith.constant 0 : index
    %get3A_410 = arith.constant 0 : index
    %get3A_411 = vector.load %arg4[%get3A_409, %get3A_410] : memref<512x26xf32, #tpu.memory_space<vmem>>, vector<512x26xf32>
    %reduce_sum3A = arith.constant dense<0.000000e+00> : vector<512xf32>
    %reduce_sum3A_412 = vector.multi_reduction <add>, %get3A_411, %reduce_sum3A [1] : vector<512x26xf32> to vector<512xf32>
    %broadcast_in_dim3A_413 = vector.shape_cast %reduce_sum3A_412 : vector<512xf32> to vector<512x1xf32>
    %get3A_414 = arith.constant 0 : index
    %get3A_415 = arith.constant 0 : index
    %get3A_416 = vector.load %arg6[%get3A_414, %get3A_415] : memref<1x1xf32, #tpu.memory_space<vmem>>, vector<1x1xf32>
    %get3A_417 = vector.extract %get3A_416[0, 0] : f32 from vector<1x1xf32>
    %add3A_418 = vector.broadcast %get3A_417 : f32 to vector<512x1xf32>
    %add3A_419 = arith.addf %broadcast_in_dim3A_413, %add3A_418 : vector<512x1xf32>
    %add3A_420 = arith.addf %add3A_419, %add3A_408 : vector<512x1xf32>
    %logistic3A = arith.negf %add3A_420 : vector<512x1xf32>
    %logistic3A_421 = math.exp %logistic3A : vector<512x1xf32>
    %logistic3A_422 = arith.constant 1.000000e+00 : f32
    %logistic3A_423 = vector.broadcast %logistic3A_422 : f32 to vector<512x1xf32>
    %logistic3A_424 = arith.addf %logistic3A_423, %logistic3A_421 : vector<512x1xf32>
    %logistic3A_425 = arith.divf %logistic3A_423, %logistic3A_424 : vector<512x1xf32>
    %swap3A = arith.constant 0 : index
    %swap3A_426 = arith.constant 0 : index
    %swap3A_427 = vector.load %arg9[%swap3A, %swap3A_426] : memref<512x1xf32, #tpu.memory_space<vmem>>, vector<512x1xf32>
    tpu.vector_store %arg9[%swap3A, %swap3A_426], %logistic3A_425 {strides = array<i32>} : memref<512x1xf32, #tpu.memory_space<vmem>>, vector<512x1xf32>,
    return
  }
  func.func @transform_0(%arg0: i32) -> (i32, i32, i32) {
    %c0_i32 = arith.constant 0 : i32
    %c0_i32_0 = arith.constant 0 : i32
    %c0_i32_1 = arith.constant 0 : i32
    return %c0_i32, %arg0, %c0_i32_0 : i32, i32, i32
  }
  func.func @transform_1(%arg0: i32) -> (i32, i32) {
    %c0_i32 = arith.constant 0 : i32
    %c0_i32_0 = arith.constant 0 : i32
    return %arg0, %c0_i32 : i32, i32
  }
  func.func @transform_2(%arg0: i32) -> (i32, i32) {
    %c0_i32 = arith.constant 0 : i32
    %c0_i32_0 = arith.constant 0 : i32
    %c0_i32_1 = arith.constant 0 : i32
    return %c0_i32, %c0_i32_0 : i32, i32
  }
  func.func @transform_3(%arg0: i32) -> (i32, i32) {
    %c0_i32 = arith.constant 0 : i32
    %c0_i32_0 = arith.constant 0 : i32
    return %arg0, %c0_i32 : i32, i32
  }
  func.func @transform_4(%arg0: i32) -> (i32, i32) {
    %c0_i32 = arith.constant 0 : i32
    %c0_i32_0 = arith.constant 0 : i32
    %c0_i32_1 = arith.constant 0 : i32
    return %c0_i32, %c0_i32_0 : i32, i32
  }
  func.func @transform_5(%arg0: i32) -> (i32, i32) {
    %c0_i32 = arith.constant 0 : i32
    %c0_i32_0 = arith.constant 0 : i32
    %c0_i32_1 = arith.constant 0 : i32
    return %c0_i32, %c0_i32_0 : i32, i32
  }
  func.func @transform_6(%arg0: i32) -> (i32, i32) {
    %c0_i32 = arith.constant 0 : i32
    %c0_i32_0 = arith.constant 0 : i32
    %c0_i32_1 = arith.constant 0 : i32
    return %c0_i32, %c0_i32_0 : i32, i32
  }
  func.func @transform_7(%arg0: i32) -> (i32, i32) {
    %c0_i32 = arith.constant 0 : i32
    %c0_i32_0 = arith.constant 0 : i32
    %c0_i32_1 = arith.constant 0 : i32
    return %c0_i32, %c0_i32_0 : i32, i32
  }
  func.func @transform_8(%arg0: i32) -> (i32, i32) {
    %c0_i32 = arith.constant 0 : i32
    %c0_i32_0 = arith.constant 0 : i32
    return %arg0, %c0_i32 : i32, i32
  }
}

</mosaic_0001>

<sc_bundles>
// kernel: kernel.6.cloned.1.call-start
scs
__scs_entry_jumppad:
0x0: {  	(pc) =	sbr.rel $0x88, $3  }
0x1: {  	(tag) =	ssettag $0x0;
	lr =	simm.s32 $0x1  }
0x2: {  	[smem:$0x3F97] =	sst lr;
	_ =	strace $0xD0000000  }
0x3: {  	_ = 	snop  }
0x4: {  	_ = 	snop  }
0x5: {  	_ = 	snop  }
0x6: {  	_ = 	snop  }
0x7: {  	_ = 	snop  }
__scs_overlays_trampoline_lowered:
0x8: {  	[smem:$0x3FA6] =	sst s0  }
0x9: {  	[smem:$0x3FA7] =	sst s1  }
0xa: {  	[smem:$0x3FA8] =	sst s2  }
0xb: {  	[smem:$0x3FA9] =	sst s3  }
0xc: {  	[smem:$0x3FAA] =	sst s4  }
0xd: {  	[smem:$0x3FAB] =	sst s5  }
0xe: {  	[smem:$0x3FAC] =	sst s6  }
0xf: {  	[smem:$0x3FAD] =	sst s7  }
0x10: {  	[smem:$0x3FAE] =	sst s8  }
0x11: {  	[smem:$0x3FAF] =	sst s9;
	s0 =	simm.s32 @!p0 $0x0  }
0x12: {  	s1 =	sld [smem:$0x3F95];
	s0 =	simm.s32 @p0 $0x1  }
0x13: {  	[smem:$0x3FB0] =	sst s0;
	s0 =	simm.s32 @!p1 $0x0  }
0x14: {  	s2 =	sld [smem:$0x3F94];
	s0 =	simm.s32 @p1 $0x1  }
0x15: {  	[smem:$0x3FB1] =	sst s0;
	s0 =	simm.s32 @!p2 $0x0  }
0x16: {  	s3 =	sld [smem:$0x3FDB];
	s0 =	simm.s32 @p2 $0x1  }
0x17: {  	s4 =	simm.s32 $0x1BF5;
	[smem:$0x3FB3] =	sst s0  }
0x18: {  	s0 =	sld [smem:$0x3F96];
	_ =	swait.ge [sflag:s4], $0x0  }
0x19: {  	s7 =	sld [smem:$0x3F97]  }
0x1a: {  	s8 =	sadd.s32 $0xFFFFE003, lr  }
0x1b: {  	s9 =	sadd.s32 $0xFFFFFEF7, lr;
	s5 =	simm.s32 $0xFFFFFFFF;
	p2 =	slt.u32 s8, $0xFFFFF086  }
0x1c: {  	p1 =	slt.u32 s9, $0xF7A;
	s5 =	simm.s32 @!p2 $0x0  }
0x1d: {  	s5 =	simm.s32 @p1 $0x1;
	p0 =	seq.s32 s7, s2  }
0x1e: {  	s7 =	smul.u32 @!p0 $0xF7A, s2;
	p2 =	seq.s32 @!p0 s5, $0x0  }
0x1f: {  	s9 =	smul.u32 $0xF7A, s1;
	s8 =	simm.s32 @!p0 $0x1BF5;
	p2 =	por !p2, p0  }
0x20: {  	[sflag:s8] =	ssyncset.s32 @!p0 $0xFFFFF086;
	s6 =	sadd.s32 @!p0 s3, s7;
	s7 =	simm.s32 @!p0 $0x108  }
0x21: {  	s3 =	sadd.s32 s3, s9;
	s6 =	sadd.s32 @!p0 $0x88, s6;
	s7 =	simm.s32 @p2 $0x1082  }
0x22: {  	[simem:s7], [sflag:s8] =	dma.local @!p0 [hbm:s6], $0xF7A  }
0x23: {  	s9 =	sor.u32 $0xD0000000, s2;
	s6 =	simm.s32 $0x108;
	_ =	swait.ge @!p0 [sflag:s8], $0x0  }
0x24: {  	s3 =	sadd.s32 $0x88, s3;
	s6 =	simm.s32 @!p1 $0x1082;
	[sflag:s4] =	ssyncset.s32 $0xFFFFF086  }
0x25: {  	[simem:s6], [sflag:s4] =	dma.local [hbm:s3], $0xF7A  }
0x26: {  	[smem:$0x3F97] =	sst s1;
	(tag) =	ssettag s2;
	_ =	strace s9  }
0x27: {  	s1 =	sld [smem:$0x3FA7]  }
0x28: {  	s2 =	sld [smem:$0x3FA8]  }
0x29: {  	s4 =	sld [smem:$0x3FAA]  }
0x2a: {  	p0 =	seq.s32 s5, $0x0;
	s5 =	sld [smem:$0x3FAB]  }
0x2b: {  	s6 =	sld [smem:$0x3FAC]  }
0x2c: {  	s7 =	sld [smem:$0x3FAD]  }
0x2d: {  	s3 =	simm.s32 $0x108;
	s8 =	sld [smem:$0x3FAE]  }
0x2e: {  	s3 =	simm.s32 @!p0 $0x1082;
	s9 =	sld [smem:$0x3FAF]  }
0x2f: {  	lr =	sadd.s32 s0, s3;
	s0 =	sld [smem:$0x3FA6]  }
0x30: {  	s3 =	sld [smem:$0x3FA9]  }
0x31: {  	[smem:$0x3FB2] =	sst s10  }
0x32: {  	s10 =	sld [smem:$0x3FB0];
	_ =	sdelay $0x3  }
0x33: {  	p0 =	seq.s32 s10, $0x1;
	s10 =	sld [smem:$0x3FB2];
	_ =	sdelay $0x3  }
0x34: {  	[smem:$0x3FB2] =	sst s10  }
0x35: {  	s10 =	sld [smem:$0x3FB1];
	_ =	sdelay $0x3  }
0x36: {  	p1 =	seq.s32 s10, $0x1;
	s10 =	sld [smem:$0x3FB2];
	_ =	sdelay $0x3  }
0x37: {  	[smem:$0x3FB2] =	sst s10  }
0x38: {  	s10 =	sld [smem:$0x3FB3]  }
0x39: {  	_ = 	snop;
	(pc) =	sbr.ind lr, $3  }
0x3a: {  	_ = 	snop  }
0x3b: {  	_ = 	snop  }
0x3c: {  	p2 =	seq.s32 s10, $0x1;
	s10 =	sld [smem:$0x3FB2]  }
0x3d: {  	_ =	shalt  }
0x3e: {  	_ =	shalt  }
0x3f: {  	_ =	shalt  }
0x40: {  	_ =	shalt  }
0x41: {  	_ =	shalt  }
0x42: {  	_ =	shalt  }
0x43: {  	_ =	shalt  }
0x44: {  	_ =	shalt  }
0x45: {  	_ =	shalt  }
0x46: {  	_ =	shalt  }
0x47: {  	_ =	shalt  }
0x48: {  	_ =	shalt  }
0x49: {  	_ =	shalt  }
0x4a: {  	_ =	shalt  }
0x4b: {  	_ =	shalt  }
0x4c: {  	_ =	shalt  }
0x4d: {  	_ =	shalt  }
0x4e: {  	_ =	shalt  }
0x4f: {  	_ =	shalt  }
0x50: {  	_ =	shalt  }
0x51: {  	_ =	shalt  }
0x52: {  	_ =	shalt  }
0x53: {  	_ =	shalt  }
0x54: {  	_ =	shalt  }
0x55: {  	_ =	shalt  }
0x56: {  	_ =	shalt  }
0x57: {  	_ =	shalt  }
0x58: {  	_ =	shalt  }
0x59: {  	_ =	shalt  }
0x5a: {  	_ =	shalt  }
0x5b: {  	_ =	shalt  }
0x5c: {  	_ =	shalt  }
0x5d: {  	_ =	shalt  }
0x5e: {  	_ =	shalt  }
0x5f: {  	_ =	shalt  }
0x60: {  	_ =	shalt  }
0x61: {  	_ =	shalt  }
0x62: {  	_ =	shalt  }
0x63: {  	_ =	shalt  }
0x64: {  	_ =	shalt  }
0x65: {  	_ =	shalt  }
0x66: {  	_ =	shalt  }
0x67: {  	_ =	shalt  }
0x68: {  	_ =	shalt  }
0x69: {  	_ =	shalt  }
0x6a: {  	_ =	shalt  }
0x6b: {  	_ =	shalt  }
0x6c: {  	_ =	shalt  }
0x6d: {  	_ =	shalt  }
0x6e: {  	_ =	shalt  }
0x6f: {  	_ =	shalt  }
0x70: {  	_ =	shalt  }
0x71: {  	_ =	shalt  }
0x72: {  	_ =	shalt  }
0x73: {  	_ =	shalt  }
0x74: {  	_ =	shalt  }
0x75: {  	_ =	shalt  }
0x76: {  	_ =	shalt  }
0x77: {  	_ =	shalt  }
0x78: {  	_ =	shalt  }
0x79: {  	_ =	shalt  }
0x7a: {  	_ =	shalt  }
0x7b: {  	_ =	shalt  }
0x7c: {  	_ =	shalt  }
0x7d: {  	_ =	shalt  }
0x7e: {  	_ =	shalt  }
0x7f: {  	_ =	shalt  }
0x80: {  	_ =	shalt  }
0x81: {  	_ =	shalt  }
0x82: {  	_ =	shalt  }
0x83: {  	_ =	shalt  }
0x84: {  	_ =	shalt  }
0x85: {  	_ =	shalt  }
0x86: {  	_ =	shalt  }
0x87: {  	_ =	shalt  }
.Lfunc_end0:
.L_simem_size_0:
called_computation_lowered:
.L_overlay_start_0:
0x88: {  	s2 =	sld [smem:$0x3FD9]  }
0x89: {  	s3 =	sld [smem:$0x3FFE];
	_ =	sdelay $0x1  }
0x8a: {  	s1 =	srdreg.scid  }
0x8b: {  	s0 =	sand.u32 $0x1, s1  }
0x8c: {  	s16 =	sshll.u32 s0, $0xA;
	s2 =	sadd.s32 s3, s2  }
0x8d: {  	s2 =	sadd.s32 s2, s16  }
0x8e: {  	[smem:$0x3FBE] =	sst s2  }
0x8f: {  	_ = 	snop  }
0x90: {  	(tm) =	ssettm $0x1  }
0x91: {  	s17 =	sld [smem:$0x3FFB];
	_ =	sdelay $0x3  }
0x92: {  	_ =	strace s17  }
0x93: {  	s2 =	sld [smem:$0x3FFC];
	_ =	sdelay $0x3  }
0x94: {  	_ =	strace s2  }
0x95: {  	s2 =	sld [smem:$0x3FFD];
	_ =	sdelay $0x3  }
0x96: {  	_ =	strace s2  }
0x97: {  	_ =	strace $0x8FFFFFFF  }
0x98: {  	s18 =	sld [smem:$0x3FDB];
	_ =	sdelay $0x1  }
0x99: {  	s19 =	simm.s32 $_scs_section_size  }
0x9a: {  	s4 =	simm.s32 $_size__tile_overlayer_lowered;
	s5 =	simm.s32 $_tile_overlayer_lowered  }
0x9b: {  	s22 =	simm.s32 $0x1BFF;
	s21 =	sshll.u32 s5, $0x1;
	s2 =	sadd.s32 s19, s18  }
0x9c: {  	s6 =	simm.s32 $0x0;
	s20 =	sshll.u32 s4, $0x1;
	s4 =	sadd.s32 s21, s2  }
0x9d: {  	[timem:s6], [sflag:s22] =	dma.local [hbm:s4], s20  }
0x9e: {  	_ =	swait.ge [sflag:s22], s20  }
0x9f: {  	s3 =	ssub.s32 $0x0, s20;
	[sflag:s22] =	ssyncset.done $0x0  }
0xa0: {  	[sflag:s22] =	ssyncadd.s32 s3;
	_ =	sdelay $0x1  }
0xa1: {  	s23 =	simm.s32 $0x1B8B  }
0xa2: {  	_ =	swait.ge [sflag:s23], $0x1  }
0xa3: {  	[sflag:s23] =	ssyncset.done $0x0  }
0xa4: {  	s25 =	simm.s32 $0x1B8E;
	s24 =	sld [smem:$0x3FFE];
	[sflag:s23] =	ssyncadd.s32 $0xFFFFFFFF  }
0xa5: {  	s26 =	simm.s32 $execute0_lowered;
	[smem:$0x3FD2] =	sst s25  }
0xa6: {  	s4 =	sshll.u32 s26, $0x1;
	_ =	strace $0x80000046;
	[dreg:$0x1] =	wrdreg $0xFFFFFFFF  }
0xa7: {  	s28 =	simm.s32 $_size_execute0_lowered;
	s2 =	sadd.s32 s2, s4;
	[dreg:$0x0] =	wrdreg $0x0  }
0xa8: {  	s4 =	sshll.u32 s28, $0x1;
	[dreg:$0x2] =	wrdreg s2  }
0xa9: {  	[dreg:$0x3] =	wrdreg s4  }
0xaa: {  	[dreg:$0x4] =	wrdreg $0xC0  }
0xab: {  	_ =	task [dreg:s6], $0x5FFFF  }
0xac: {  	[dreg:$0x1] =	wrdreg $0xFFFFFFFF  }
0xad: {  	[dreg:$0x0] =	wrdreg $0x60  }
0xae: {  	[dreg:$0x2] =	wrdreg s24  }
0xaf: {  	[dreg:$0x3] =	wrdreg $0x9  }
0xb0: {  	_ =	task.clear_ibuf [dreg:s6], $0x4FFFF;
	_ =	strace $0x90000046  }
0xb1: {  	s29 =	simm.s32 $0x9;
	_ =	strace $0x80000048  }
0xb2: {  	_ =	swait.ge [sflag:s29], $0x1  }
0xb3: {  	[sflag:s29] =	ssyncadd.s32 $0xFFFFFFFF  }
0xb4: {  	_ =	strace $0x90000048  }
0xb5: {  	_ =	sfence  }
0xb6: {  	s30 =	sld [smem:$0x0];
	_ =	sdelay $0x2  }
0xb7: {  	s31 =	sshll.u32 s1, $0xD;
	s1 =	sshrl.u32 s1, $0x2  }
0xb8: {  	s3 =	sand.u32 $0x4000, s31;
	s1 =	sadd.s32 s1, s30  }
0xb9: {  	s0 =	sor.u32 s3, s0;
	s1 =	sshll.u32 s1, $0x11  }
0xba: {  	s0 =	sor.u32 s1, s0  }
0xbb: {  	s0 =	sadd.s32 $0x8F2B, s0  }
0xbc: {  	[sflag:s0] =	ssyncadd.remote.s32 $0x1  }
0xbd: {  	_ =	sfence.sel $0xFFFF  }
0xbe: {  	[dreg:$0x0] =	wrdreg $0xFFFFFFFF;
	(pc) =	sbr.abs _section_cstart, $3  }
0xbf: {  	[dreg:$0x1] =	wrdreg $0xFFFFFFFF  }
0xc0: {  	_ =	task.clear_ibuf [dreg:s6], $0x2FFFF;
	_ =	strace $0x9FFFFFFF  }
0xc1: {  	(tm) =	ssettm $0x7FFFFFFF  }
tec
execute0_lowered:
.L_overlay_start_1:
0x0: {  	(tag) =	ssettag $0x1  }
0x1: {  	s1 =	srdreg.scid;
	s0 =	stileid.u32  }
0x2: {  	s13 =	sand.u32 $0x1, s1;
	s30 =	sshll.u32 s0, $0x1  }
0x3: {  	s14 =	sor.u32 s13, s30  }
0x4: {  	s15 =	rddreg [dreg:$0x0];
	s3 =	smul.u32 $0x1A0, s14  }
0x5: {  	s2 =	simm.s32 $0x0;
	s1 =	rddreg [dreg:$0x1]  }
0x6: {  	[smem:$0x7FF] =	sst s2;
	s5 =	sadd.s32 s3, s15  }
0x7: {  	_ =	strace $0x80000047;
	s3 =	simm.s32 $0x3;
	s4 =	sadd.s32 $0x1C00, s5  }
0x8: {  	[tilespmem:s2], [sflag:$0x3] =	stream.linear.gather [hbm4b:s4+s2], $0xD00, $0x38;
	[tilespmem:$0x15200] =	vst v63  }
0x9: {  	_ =	swait.ge [sflag:s3], $0xD00  }
0xa: {  	[sflag:s3] =	ssyncset.done $0x0  }
0xb: {  	s6 =	simm.s32 $0xDD00;
	s5 =	sadd.s32 $0x1E800, s5;
	[sflag:s3] =	ssyncadd.s32 $0xFFFFF300  }
0xc: {  	[tilespmem:s6], [sflag:$0x3] =	stream.linear.gather [hbm4b:s5+s2], $0xD00, $0x38;
	[tilespmem:$0x15200] =	vst v63  }
0xd: {  	_ =	swait.ge [sflag:s3], $0xD00  }
0xe: {  	s9 =	simm.s32 $0xD00;
	[sflag:s3] =	ssyncset.done $0x0  }
0xf: {  	s10 =	simm.s32 $0xEA00;
	s7 =	sadd.s32 $0x2944600, s15;
	[sflag:s3] =	ssyncadd.s32 $0xFFFFF300  }
0x10: {  	[tilespmem:s9], [sflag:$0x1] =	stream.indirect.gather [hbm4b:s7+s9], $0x10, s2, s9, $0xb8;
	[tilespmem:$0x15200] =	vst v63  }
0x11: {  	s11 =	simm.s32 $0x1;
	s8 =	sadd.s32 $0x5000, s15;
	s12 =	smul.u32 $0x1A00, s14  }
0x12: {  	[tilespmem:s10], [sflag:$0x2] =	stream.indirect.gather [hbm4b:s8+s9], $0x1, s6, s9, $0xb8;
	[tilespmem:$0x15200] =	vst v63  }
0x13: {  	_ =	swait.ge [sflag:s11], $0xD000  }
0x14: {  	s12 =	sadd.s32 s12, s15;
	[sflag:s11] =	ssyncset.done $0x0  }
0x15: {  	s16 =	ssub.s32 $0x2, s13;
	s12 =	sadd.s32 $0x21C00, s12;
	[sflag:s11] =	ssyncadd.s32 $0xFFFF3000  }
0x16: {  	[hbm4b:s12+s2] =	stream.linear.scatter [tilespmem:s9], [sflag:$0x3], $0xD000, $0x38;
	[tilespmem:$0x15200] =	vst v63  }
0x17: {  	s14 =	smul.u32 $0xD00, s14;
	s17 =	sshrl.u32 s16, $0x1;
	_ =	swait.ge [sflag:s3], $0xD000  }
0x18: {  	s13 =	simm.s32 $0x2;
	s31 =	ssub.s32 s16, s17;
	[sflag:s3] =	ssyncset.done $0x0  }
0x19: {  	s14 =	sadd.s32 s14, s15;
	s15 =	smax.u32 s31, $0x1;
	[sflag:s3] =	ssyncadd.s32 $0xFFFF3000  }
0x1a: {  	p0 =	sne.s32 s15, $0x1;
	_ =	swait.ge [sflag:s13], $0xD00  }
.Ltmp0:
0x1b: {  	[sflag:s13] =	ssyncset.done $0x0;
	(pc) =	sbr.rel @!p0 .LBB2_2-.Ltmp0, $4  }
0x1c: {  	s14 =	sadd.s32 $0x55C00, s14;
	[sflag:s13] =	ssyncadd.s32 $0xFFFFF300  }
0x1d: {  	[hbm4b:s14+s2] =	stream.linear.scatter [tilespmem:s10], [sflag:$0x3], $0x6800, $0x38;
	[tilespmem:$0x15200] =	vst v63  }
0x1e: {  	_ =	swait.ge [sflag:s3], $0x6800  }
0x1f: {  	s15 =	sadd.s32 $0xFFFFFFFF, s15;
	[sflag:s3] =	ssyncset.done $0x0  }
.LBB2_1:
0x20: {  	p0 =	sne.s32 s15, $0x1;
	s15 =	sadd.s32 $0xFFFFFFFF, s15;
	[sflag:s3] =	ssyncadd.s32 $0xFFFF9800  }
0x21: {  	[tilespmem:s2], [sflag:$0x3] =	stream.linear.gather [hbm4b:s4+s2], $0xD00, $0x38;
	[tilespmem:$0x15200] =	vst v63  }
0x22: {  	_ =	swait.ge [sflag:s3], $0xD00  }
0x23: {  	[sflag:s3] =	ssyncset.done $0x0  }
0x24: {  	[sflag:s3] =	ssyncadd.s32 $0xFFFFF300  }
0x25: {  	[tilespmem:s6], [sflag:$0x3] =	stream.linear.gather [hbm4b:s5+s2], $0xD00, $0x38;
	[tilespmem:$0x15200] =	vst v63  }
0x26: {  	_ =	swait.ge [sflag:s3], $0xD00  }
0x27: {  	[sflag:s3] =	ssyncset.done $0x0  }
0x28: {  	[sflag:s3] =	ssyncadd.s32 $0xFFFFF300  }
0x29: {  	[tilespmem:s9], [sflag:$0x1] =	stream.indirect.gather [hbm4b:s7+s9], $0x10, s2, s9, $0xb8;
	[tilespmem:$0x15200] =	vst v63  }
0x2a: {  	_ = 	snop  }
0x2b: {  	[tilespmem:s10], [sflag:$0x2] =	stream.indirect.gather [hbm4b:s8+s9], $0x1, s6, s9, $0xb8;
	[tilespmem:$0x15200] =	vst v63  }
0x2c: {  	_ =	swait.ge [sflag:s11], $0xD000  }
0x2d: {  	[sflag:s11] =	ssyncset.done $0x0  }
0x2e: {  	[sflag:s11] =	ssyncadd.s32 $0xFFFF3000  }
0x2f: {  	[hbm4b:s12+s2] =	stream.linear.scatter [tilespmem:s9], [sflag:$0x3], $0xD000, $0x38;
	[tilespmem:$0x15200] =	vst v63  }
0x30: {  	_ =	swait.ge [sflag:s3], $0xD000  }
0x31: {  	[sflag:s3] =	ssyncset.done $0x0  }
0x32: {  	[sflag:s3] =	ssyncadd.s32 $0xFFFF3000  }
0x33: {  	_ =	swait.ge [sflag:s13], $0xD00  }
.Ltmp1:
0x34: {  	[sflag:s13] =	ssyncset.done $0x0;
	(pc) =	sbr.rel @p0 .LBB2_1-.Ltmp1, $4  }
0x35: {  	[sflag:s13] =	ssyncadd.s32 $0xFFFFF300  }
0x36: {  	[hbm4b:s14+s2] =	stream.linear.scatter [tilespmem:s10], [sflag:$0x3], $0x6800, $0x38;
	[tilespmem:$0x15200] =	vst v63  }
0x37: {  	_ =	swait.ge [sflag:s3], $0x6800  }
0x38: {  	[sflag:s3] =	ssyncset.done $0x0  }
.LBB2_2:
0x39: {  	[sflag:s3] =	ssyncadd.s32 $0xFFFF9800  }
0x3a: {  	_ =	sfence.sel $0x180000  }
0x3b: {  	[bflag:$0x0] =	sbarrier.arrive $0xFFFF  }
0x3c: {  	p0 =	sne.s32 s0, $0x0;
	_ =	strace $0x90000047  }
0x3d: {  	s0 =	sadd.s32 @!p0 $0x100000, s1;
	[bflag:$0x2] =	sbarrier.arrive $0xFFFF  }
0x3e: {  	[sflag:s0] =	ssyncadd.tile.s32 @!p0 $0x1;
	_ =	shalt  }
.Lfunc_end2:
_tile_overlayer_lowered:
.L_overlay_start_2:
0x3f: {  	(tag) =	ssettag $0x2  }
0x40: {  	s0 =	rddreg [dreg:$0x0];
	s2 =	stileid.u32  }
0x41: {  	s1 =	rddreg [dreg:$0x1];
	p0 =	sne.s32 s2, $0x0  }
0x42: {  	s3 =	rddreg [dreg:$0x2];
	[bflag:$0x3] =	sbarrier.arrive $0xFFFF;
	s2 =	simm.s32 @!p0 $0x1C03  }
0x43: {  	[timem:s3], [sflag:s2] =	dma.local @!p0 [hbm:s0], s1  }
0x44: {  	s0 =	simm.s32 @!p0 $0x3  }
0x45: {  	_ =	swait.ge @!p0 [sflag:s0], s1  }
0x46: {  	s1 =	ssub.s32 @!p0 $0x0, s1;
	[sflag:s0] =	ssyncset.done @!p0 $0x0  }
0x47: {  	[sflag:s0] =	ssyncadd.s32 @!p0 s1  }
0x48: {  	[bflag:$0x3] =	sbarrier.arrive $0xFFFF  }
0x49: {  	_ =	shalt  }

</sc_bundles>
